<compile_context>
chip_gen: v7x
topology: tpu7x:2x2x1
jax: 0.10.2.dev20260603
libtpu: 0.0.44.dev20260713+nightly
codegen_flags: <defaults>
</compile_context>

<pallas_src>
import functools

import jax
import jax.numpy as jnp
from jax import lax
from jax.experimental import pallas as pl
from jax.experimental.pallas import tpu as pltpu
from jax.experimental.pallas import tpu_sc as plsc

_INFO = plsc.get_sparse_core_info()
_NC = _INFO.num_cores
_NS = _INFO.num_subcores
_NW = _NC * _NS
_LANES = 128
_GRP = 16


@functools.lru_cache(maxsize=None)
def _make_gather(batch: int, dim: int):
  b_per_w = batch // _NW
  n_groups = b_per_w // _GRP
  mesh = plsc.VectorSubcoreMesh(core_axis_name="c", subcore_axis_name="s")
  n_dim_vecs = dim // 16

  @functools.partial(
      pl.kernel,
      mesh=mesh,
      out_type=jax.ShapeDtypeStruct((dim, batch), jnp.float32),
      scratch_types=[
          pltpu.VMEM((b_per_w + _GRP,), jnp.int32),
          pltpu.VMEM((_GRP, dim, _LANES), jnp.float32),
          pltpu.VMEM((dim, b_per_w), jnp.float32),
          pltpu.SemaphoreType.DMA((_GRP,)),
      ],
      compiler_params=pltpu.CompilerParams(needs_layout_passes=False),
  )
  def gather_kernel(ids_hbm, table_t_hbm, out_hbm, ids_v, bufs, cols_v, sems):
    wid = lax.axis_index("s") * _NC + lax.axis_index("c")
    base = wid * b_per_w
    pltpu.sync_copy(ids_hbm.at[pl.ds(base, b_per_w)], ids_v.at[pl.ds(0, b_per_w)])

    def start_fetch(i_scalar, slot):
      col0 = pl.multiple_of((i_scalar // _LANES) * _LANES, _LANES)
      pltpu.async_copy(
          table_t_hbm.at[:, pl.ds(col0, _LANES)], bufs.at[slot], sems.at[slot]
      )

    vec0 = ids_v[pl.ds(0, _GRP)]
    for j in range(_GRP):
      start_fetch(vec0[j], j)

    dim_base = jax.lax.broadcasted_iota(jnp.int32, (16,), 0)

    def body(g, carry):
      k0 = g * _GRP
      vec = ids_v[pl.ds(k0, _GRP)]
      vec_next = ids_v[pl.ds(k0 + _GRP, _GRP)]
      for j in range(_GRP):
        pltpu.make_async_copy(
            table_t_hbm.at[:, pl.ds(0, _LANES)], bufs.at[j], sems.at[j]
        ).wait()
        lane = jnp.full((16,), lax.rem(vec[j], _LANES), dtype=jnp.int32)
        kvec = jnp.full((16,), k0 + j, dtype=jnp.int32)
        for q in range(n_dim_vecs):
          dims = dim_base + (16 * q)
          vals = plsc.load_gather(bufs.at[j], [dims, lane])
          plsc.store_scatter(cols_v, [dims, kvec], vals)

        @pl.when(g + 1 < n_groups)
        def _():
          start_fetch(vec_next[j], j)

      return carry

    lax.fori_loop(0, n_groups, body, 0)
    pltpu.sync_copy(cols_v, out_hbm.at[:, pl.ds(base, b_per_w)])

  return gather_kernel


@jax.jit
def kernel(ids, table):
  batch, = ids.shape
  dim = table.shape[1]
  out_t = _make_gather(batch, dim)(ids, table.T)
  return out_t.T

# --- scband reference (transcript-rebuilt; emitter-appended) ---
"""Pipeline reference for scband-user-model-55336358642933 (READ-ONLY COPY).

The authoritative reference and input builder live on the scoring server;
editing this copy changes nothing except your own understanding.
"""

import jax, jax.numpy as jnp
import numpy as np

VOCAB = 1000000
EMBED_DIM = 32
BATCH = 16384

def setup_inputs(seed: int = 0) -> dict:
    key = jax.random.key(seed)
    k_ids, k_tab = jax.random.split(key)
    # StringLookup maps strings -> integer ids in [0, vocab]; we model post-lookup int ids.
    ids = jax.random.randint(k_ids, (BATCH,), 0, VOCAB, dtype=jnp.int64 if jax.config.jax_enable_x64 else jnp.int32)
    ids = ids.astype(jnp.int32)
    # Embedding table has vocab+1 rows (len(unique_user_ids) + 1 for OOV index 0).
    table = jax.random.normal(k_tab, (VOCAB + 1, EMBED_DIM), dtype=jnp.float32) * 0.05
    return {"ids": ids, "table": table}

def reference(ids, table):
    # tf.keras.layers.Embedding: gather rows of the table by id.
    return jnp.take(table, ids, axis=0)

if __name__ == "__main__":
    import jax
    _d = setup_inputs()
    print(jax.jit(kernel)(*tuple(_d.values())))

</pallas_src>

<mosaic_0001>
#map = affine_map<(d0, d1) -> (0)>
#map1 = affine_map<(d0, d1) -> (0, 0)>
module attributes {stable_mosaic.version = 14 : i64} {
  func.func @gather_kernel(%arg0: i32, %arg1: i32, %arg2: memref<16384xi32, #tpu.memory_space<hbm>>, %arg3: memref<32x1000001xf32, #tpu.memory_space<hbm>>, %arg4: memref<32x16384xf32, #tpu.memory_space<hbm>>, %arg5: memref<528xi32, #tpu.memory_space<vmem>>, %arg6: memref<16x32x128xf32, #tpu.memory_space<vmem>>, %arg7: memref<32x512xf32, #tpu.memory_space<vmem>>, %arg8: memref<16x!tpu.dma_semaphore, #tpu.memory_space<semaphore_mem>>) attributes {dimension_semantics = [#tpu.dimension_semantics<core_parallel>, #tpu.dimension_semantics<subcore_parallel>], iteration_bounds = array<i64: 2, 16>, scalar_prefetch = 0 : i64, scratch_operands = 4 : i64, tpu.core_type = #tpu.core_type<sc_vector_subcore>, window_params = [{transform_indices = #map}, {transform_indices = #map1}, {transform_indices = #map1}]} {
    %mul3A = arith.constant 2 : i32
    %mul3A_0 = arith.muli %arg1, %mul3A : i32
    %add3A = arith.addi %mul3A_0, %arg0 : i32
    %mul3A_1 = arith.constant 512 : i32
    %mul3A_2 = arith.muli %add3A, %mul3A_1 : i32
    "tpu.region"() ({
      %run_scoped3A = tpu.sem_alloc : memref<!tpu.dma_semaphore, #tpu.memory_space<semaphore_mem>>
      %dma_start3A_717 = arith.constant 0 : i32
      %dma_start3A_718 = tpu.memref_slice %arg5[%dma_start3A_717] : memref<528xi32, #tpu.memory_space<vmem>> -> memref<512xi32, #tpu.memory_space<vmem>>
      %dma_start3A_719 = tpu.memref_slice %arg2[%mul3A_2] : memref<16384xi32, #tpu.memory_space<hbm>> -> memref<512xi32, #tpu.memory_space<hbm>>
      %dma_start3A_720 = arith.constant 0 : i32
      %dma_start3A_721 = tpu.memref_slice %arg5[%dma_start3A_720] : memref<528xi32, #tpu.memory_space<vmem>> -> memref<512xi32, #tpu.memory_space<vmem>>
      %dma_start3A_722 = tpu.memref_slice %arg2[%mul3A_2] : memref<16384xi32, #tpu.memory_space<hbm>> -> memref<512xi32, #tpu.memory_space<hbm>>
      tpu.enqueue_dma source(%dma_start3A_722 : memref<512xi32, #tpu.memory_space<hbm>>) target(%dma_start3A_721 : memref<512xi32, #tpu.memory_space<vmem>>) target_semaphore(%run_scoped3A : memref<!tpu.dma_semaphore, #tpu.memory_space<semaphore_mem>>)
      %dma_wait3A = arith.constant 0 : i32
      %dma_wait3A_723 = tpu.memref_slice %arg5[%dma_wait3A] : memref<528xi32, #tpu.memory_space<vmem>> -> memref<512xi32, #tpu.memory_space<vmem>>
      %dma_wait3A_724 = tpu.memref_slice %arg2[%mul3A_2] : memref<16384xi32, #tpu.memory_space<hbm>> -> memref<512xi32, #tpu.memory_space<hbm>>
      %dma_wait3A_725 = arith.constant 0 : i32
      %dma_wait3A_726 = tpu.memref_slice %arg5[%dma_wait3A_725] : memref<528xi32, #tpu.memory_space<vmem>> -> memref<512xi32, #tpu.memory_space<vmem>>
      %dma_wait3A_727 = tpu.memref_slice %arg2[%mul3A_2] : memref<16384xi32, #tpu.memory_space<hbm>> -> memref<512xi32, #tpu.memory_space<hbm>>
      tpu.wait_dma2 semaphore(%run_scoped3A : memref<!tpu.dma_semaphore, #tpu.memory_space<semaphore_mem>>) src(%dma_wait3A_727 : memref<512xi32, #tpu.memory_space<hbm>>) dst(%dma_wait3A_726 : memref<512xi32, #tpu.memory_space<vmem>>)
      tpu.yield
    }) : () -> ()
    %get3A = arith.constant 0 : index
    %get3A_3 = tpu.vector_load %arg5[%get3A] {strides = array<i32>} : memref<528xi32, #tpu.memory_space<vmem>>, vector<16xi32>,
    %slice3A = vector.extract_strided_slice %get3A_3 {offsets = [0], sizes = [1], strides = [1]} : vector<16xi32> to vector<1xi32>
    %squeeze3A = vector.extract %slice3A[0] : i32 from vector<1xi32>
    %jit3A = arith.constant 128 : i32
    %div3A = arith.divsi %squeeze3A, %jit3A : i32
    %sign3A = arith.constant 0 : i32
    %sign3A_4 = arith.cmpi sgt, %squeeze3A, %sign3A : i32
    %sign3A_5 = arith.extui %sign3A_4 : i1 to i32
    %sign3A_6 = arith.constant 0 : i32
    %sign3A_7 = arith.cmpi slt, %squeeze3A, %sign3A_6 : i32
    %sign3A_8 = arith.extui %sign3A_7 : i1 to i32
    %sign3A_9 = arith.subi %sign3A_5, %sign3A_8 : i32
    %sign3A_10 = arith.constant 0 : i32
    %sign3A_11 = arith.cmpi sgt, %jit3A, %sign3A_10 : i32
    %sign3A_12 = arith.extui %sign3A_11 : i1 to i32
    %sign3A_13 = arith.constant 0 : i32
    %sign3A_14 = arith.cmpi slt, %jit3A, %sign3A_13 : i32
    %sign3A_15 = arith.extui %sign3A_14 : i1 to i32
    %sign3A_16 = arith.subi %sign3A_12, %sign3A_15 : i32
    %ne3A = arith.cmpi ne, %sign3A_9, %sign3A_16 : i32
    %rem3A = arith.remsi %squeeze3A, %jit3A : i32
    %ne3A_17 = arith.constant 0 : i32
    %ne3A_18 = arith.cmpi ne, %rem3A, %ne3A_17 : i32
    %and3A = arith.andi %ne3A, %ne3A_18 : i1
    %sub3A = arith.constant 1 : i32
    %sub3A_19 = arith.subi %div3A, %sub3A : i32
    %select_n3A = arith.select %and3A, %sub3A_19, %div3A : i32
    %mul3A_20 = arith.constant 128 : i32
    %mul3A_21 = arith.muli %select_n3A, %mul3A_20 : i32
    %multiple_of3A = tpu.assume_multiple %mul3A_21, 128 : i32
    %dma_start3A = arith.constant 0 : i32
    %dma_start3A_22 = arith.constant 0 : i32
    %dma_start3A_23 = arith.constant 0 : i32
    %dma_start3A_24 = arith.constant 0 : i32
    %dma_start3A_25 = tpu.memref_slice %arg6[%dma_start3A, %dma_start3A_23, %dma_start3A_24] : memref<16x32x128xf32, #tpu.memory_space<vmem>> -> memref<1x32x128xf32, #tpu.memory_space<vmem>>
    %dma_start3A_26 = tpu.memref_squeeze %dma_start3A_25 : memref<1x32x128xf32, #tpu.memory_space<vmem>> -> memref<32x128xf32, #tpu.memory_space<vmem>>
    %dma_start3A_27 = arith.constant 0 : i32
    %dma_start3A_28 = tpu.memref_slice %arg3[%dma_start3A_27, %multiple_of3A] : memref<32x1000001xf32, #tpu.memory_space<hbm>> -> memref<32x128xf32, #tpu.memory_space<hbm>>
    %dma_start3A_29 = tpu.memref_slice %arg8[%dma_start3A_22] : memref<16x!tpu.dma_semaphore, #tpu.memory_space<semaphore_mem>> -> memref<1x!tpu.dma_semaphore, #tpu.memory_space<semaphore_mem>>
    %dma_start3A_30 = tpu.memref_squeeze %dma_start3A_29 : memref<1x!tpu.dma_semaphore, #tpu.memory_space<semaphore_mem>> -> memref<!tpu.dma_semaphore, #tpu.memory_space<semaphore_mem>>
    %dma_start3A_31 = arith.constant 0 : i32
    %dma_start3A_32 = arith.constant 0 : i32
    %dma_start3A_33 = tpu.memref_slice %arg6[%dma_start3A, %dma_start3A_31, %dma_start3A_32] : memref<16x32x128xf32, #tpu.memory_space<vmem>> -> memref<1x32x128xf32, #tpu.memory_space<vmem>>
    %dma_start3A_34 = tpu.memref_squeeze %dma_start3A_33 : memref<1x32x128xf32, #tpu.memory_space<vmem>> -> memref<32x128xf32, #tpu.memory_space<vmem>>
    %dma_start3A_35 = arith.constant 0 : i32
    %dma_start3A_36 = tpu.memref_slice %arg3[%dma_start3A_35, %multiple_of3A] : memref<32x1000001xf32, #tpu.memory_space<hbm>> -> memref<32x128xf32, #tpu.memory_space<hbm>>
    tpu.enqueue_dma source(%dma_start3A_36 : memref<32x128xf32, #tpu.memory_space<hbm>>) target(%dma_start3A_34 : memref<32x128xf32, #tpu.memory_space<vmem>>) target_semaphore(%dma_start3A_30 : memref<!tpu.dma_semaphore, #tpu.memory_space<semaphore_mem>>)
    %slice3A_37 = vector.extract_strided_slice %get3A_3 {offsets = [1], sizes = [1], strides = [1]} : vector<16xi32> to vector<1xi32>
    %squeeze3A_38 = vector.extract %slice3A_37[0] : i32 from vector<1xi32>
    %jit3A_39 = arith.constant 128 : i32
    %div3A_40 = arith.divsi %squeeze3A_38, %jit3A_39 : i32
    %sign3A_41 = arith.constant 0 : i32
    %sign3A_42 = arith.cmpi sgt, %squeeze3A_38, %sign3A_41 : i32
    %sign3A_43 = arith.extui %sign3A_42 : i1 to i32
    %sign3A_44 = arith.constant 0 : i32
    %sign3A_45 = arith.cmpi slt, %squeeze3A_38, %sign3A_44 : i32
    %sign3A_46 = arith.extui %sign3A_45 : i1 to i32
    %sign3A_47 = arith.subi %sign3A_43, %sign3A_46 : i32
    %sign3A_48 = arith.constant 0 : i32
    %sign3A_49 = arith.cmpi sgt, %jit3A_39, %sign3A_48 : i32
    %sign3A_50 = arith.extui %sign3A_49 : i1 to i32
    %sign3A_51 = arith.constant 0 : i32
    %sign3A_52 = arith.cmpi slt, %jit3A_39, %sign3A_51 : i32
    %sign3A_53 = arith.extui %sign3A_52 : i1 to i32
    %sign3A_54 = arith.subi %sign3A_50, %sign3A_53 : i32
    %ne3A_55 = arith.cmpi ne, %sign3A_47, %sign3A_54 : i32
    %rem3A_56 = arith.remsi %squeeze3A_38, %jit3A_39 : i32
    %ne3A_57 = arith.constant 0 : i32
    %ne3A_58 = arith.cmpi ne, %rem3A_56, %ne3A_57 : i32
    %and3A_59 = arith.andi %ne3A_55, %ne3A_58 : i1
    %sub3A_60 = arith.constant 1 : i32
    %sub3A_61 = arith.subi %div3A_40, %sub3A_60 : i32
    %select_n3A_62 = arith.select %and3A_59, %sub3A_61, %div3A_40 : i32
    %mul3A_63 = arith.constant 128 : i32
    %mul3A_64 = arith.muli %select_n3A_62, %mul3A_63 : i32
    %multiple_of3A_65 = tpu.assume_multiple %mul3A_64, 128 : i32
    %dma_start3A_66 = arith.constant 1 : i32
    %dma_start3A_67 = arith.constant 1 : i32
    %dma_start3A_68 = arith.constant 0 : i32
    %dma_start3A_69 = arith.constant 0 : i32
    %dma_start3A_70 = tpu.memref_slice %arg6[%dma_start3A_66, %dma_start3A_68, %dma_start3A_69] : memref<16x32x128xf32, #tpu.memory_space<vmem>> -> memref<1x32x128xf32, #tpu.memory_space<vmem>>
    %dma_start3A_71 = tpu.memref_squeeze %dma_start3A_70 : memref<1x32x128xf32, #tpu.memory_space<vmem>> -> memref<32x128xf32, #tpu.memory_space<vmem>>
    %dma_start3A_72 = arith.constant 0 : i32
    %dma_start3A_73 = tpu.memref_slice %arg3[%dma_start3A_72, %multiple_of3A_65] : memref<32x1000001xf32, #tpu.memory_space<hbm>> -> memref<32x128xf32, #tpu.memory_space<hbm>>
    %dma_start3A_74 = tpu.memref_slice %arg8[%dma_start3A_67] : memref<16x!tpu.dma_semaphore, #tpu.memory_space<semaphore_mem>> -> memref<1x!tpu.dma_semaphore, #tpu.memory_space<semaphore_mem>>
    %dma_start3A_75 = tpu.memref_squeeze %dma_start3A_74 : memref<1x!tpu.dma_semaphore, #tpu.memory_space<semaphore_mem>> -> memref<!tpu.dma_semaphore, #tpu.memory_space<semaphore_mem>>
    %dma_start3A_76 = arith.constant 0 : i32
    %dma_start3A_77 = arith.constant 0 : i32
    %dma_start3A_78 = tpu.memref_slice %arg6[%dma_start3A_66, %dma_start3A_76, %dma_start3A_77] : memref<16x32x128xf32, #tpu.memory_space<vmem>> -> memref<1x32x128xf32, #tpu.memory_space<vmem>>
    %dma_start3A_79 = tpu.memref_squeeze %dma_start3A_78 : memref<1x32x128xf32, #tpu.memory_space<vmem>> -> memref<32x128xf32, #tpu.memory_space<vmem>>
    %dma_start3A_80 = arith.constant 0 : i32
    %dma_start3A_81 = tpu.memref_slice %arg3[%dma_start3A_80, %multiple_of3A_65] : memref<32x1000001xf32, #tpu.memory_space<hbm>> -> memref<32x128xf32, #tpu.memory_space<hbm>>
    tpu.enqueue_dma source(%dma_start3A_81 : memref<32x128xf32, #tpu.memory_space<hbm>>) target(%dma_start3A_79 : memref<32x128xf32, #tpu.memory_space<vmem>>) target_semaphore(%dma_start3A_75 : memref<!tpu.dma_semaphore, #tpu.memory_space<semaphore_mem>>)
    %slice3A_82 = vector.extract_strided_slice %get3A_3 {offsets = [2], sizes = [1], strides = [1]} : vector<16xi32> to vector<1xi32>
    %squeeze3A_83 = vector.extract %slice3A_82[0] : i32 from vector<1xi32>
    %jit3A_84 = arith.constant 128 : i32
    %div3A_85 = arith.divsi %squeeze3A_83, %jit3A_84 : i32
    %sign3A_86 = arith.constant 0 : i32
    %sign3A_87 = arith.cmpi sgt, %squeeze3A_83, %sign3A_86 : i32
    %sign3A_88 = arith.extui %sign3A_87 : i1 to i32
    %sign3A_89 = arith.constant 0 : i32
    %sign3A_90 = arith.cmpi slt, %squeeze3A_83, %sign3A_89 : i32
    %sign3A_91 = arith.extui %sign3A_90 : i1 to i32
    %sign3A_92 = arith.subi %sign3A_88, %sign3A_91 : i32
    %sign3A_93 = arith.constant 0 : i32
    %sign3A_94 = arith.cmpi sgt, %jit3A_84, %sign3A_93 : i32
    %sign3A_95 = arith.extui %sign3A_94 : i1 to i32
    %sign3A_96 = arith.constant 0 : i32
    %sign3A_97 = arith.cmpi slt, %jit3A_84, %sign3A_96 : i32
    %sign3A_98 = arith.extui %sign3A_97 : i1 to i32
    %sign3A_99 = arith.subi %sign3A_95, %sign3A_98 : i32
    %ne3A_100 = arith.cmpi ne, %sign3A_92, %sign3A_99 : i32
    %rem3A_101 = arith.remsi %squeeze3A_83, %jit3A_84 : i32
    %ne3A_102 = arith.constant 0 : i32
    %ne3A_103 = arith.cmpi ne, %rem3A_101, %ne3A_102 : i32
    %and3A_104 = arith.andi %ne3A_100, %ne3A_103 : i1
    %sub3A_105 = arith.constant 1 : i32
    %sub3A_106 = arith.subi %div3A_85, %sub3A_105 : i32
    %select_n3A_107 = arith.select %and3A_104, %sub3A_106, %div3A_85 : i32
    %mul3A_108 = arith.constant 128 : i32
    %mul3A_109 = arith.muli %select_n3A_107, %mul3A_108 : i32
    %multiple_of3A_110 = tpu.assume_multiple %mul3A_109, 128 : i32
    %dma_start3A_111 = arith.constant 2 : i32
    %dma_start3A_112 = arith.constant 2 : i32
    %dma_start3A_113 = arith.constant 0 : i32
    %dma_start3A_114 = arith.constant 0 : i32
    %dma_start3A_115 = tpu.memref_slice %arg6[%dma_start3A_111, %dma_start3A_113, %dma_start3A_114] : memref<16x32x128xf32, #tpu.memory_space<vmem>> -> memref<1x32x128xf32, #tpu.memory_space<vmem>>
    %dma_start3A_116 = tpu.memref_squeeze %dma_start3A_115 : memref<1x32x128xf32, #tpu.memory_space<vmem>> -> memref<32x128xf32, #tpu.memory_space<vmem>>
    %dma_start3A_117 = arith.constant 0 : i32
    %dma_start3A_118 = tpu.memref_slice %arg3[%dma_start3A_117, %multiple_of3A_110] : memref<32x1000001xf32, #tpu.memory_space<hbm>> -> memref<32x128xf32, #tpu.memory_space<hbm>>
    %dma_start3A_119 = tpu.memref_slice %arg8[%dma_start3A_112] : memref<16x!tpu.dma_semaphore, #tpu.memory_space<semaphore_mem>> -> memref<1x!tpu.dma_semaphore, #tpu.memory_space<semaphore_mem>>
    %dma_start3A_120 = tpu.memref_squeeze %dma_start3A_119 : memref<1x!tpu.dma_semaphore, #tpu.memory_space<semaphore_mem>> -> memref<!tpu.dma_semaphore, #tpu.memory_space<semaphore_mem>>
    %dma_start3A_121 = arith.constant 0 : i32
    %dma_start3A_122 = arith.constant 0 : i32
    %dma_start3A_123 = tpu.memref_slice %arg6[%dma_start3A_111, %dma_start3A_121, %dma_start3A_122] : memref<16x32x128xf32, #tpu.memory_space<vmem>> -> memref<1x32x128xf32, #tpu.memory_space<vmem>>
    %dma_start3A_124 = tpu.memref_squeeze %dma_start3A_123 : memref<1x32x128xf32, #tpu.memory_space<vmem>> -> memref<32x128xf32, #tpu.memory_space<vmem>>
    %dma_start3A_125 = arith.constant 0 : i32
    %dma_start3A_126 = tpu.memref_slice %arg3[%dma_start3A_125, %multiple_of3A_110] : memref<32x1000001xf32, #tpu.memory_space<hbm>> -> memref<32x128xf32, #tpu.memory_space<hbm>>
    tpu.enqueue_dma source(%dma_start3A_126 : memref<32x128xf32, #tpu.memory_space<hbm>>) target(%dma_start3A_124 : memref<32x128xf32, #tpu.memory_space<vmem>>) target_semaphore(%dma_start3A_120 : memref<!tpu.dma_semaphore, #tpu.memory_space<semaphore_mem>>)
    %slice3A_127 = vector.extract_strided_slice %get3A_3 {offsets = [3], sizes = [1], strides = [1]} : vector<16xi32> to vector<1xi32>
    %squeeze3A_128 = vector.extract %slice3A_127[0] : i32 from vector<1xi32>
    %jit3A_129 = arith.constant 128 : i32
    %div3A_130 = arith.divsi %squeeze3A_128, %jit3A_129 : i32
    %sign3A_131 = arith.constant 0 : i32
    %sign3A_132 = arith.cmpi sgt, %squeeze3A_128, %sign3A_131 : i32
    %sign3A_133 = arith.extui %sign3A_132 : i1 to i32
    %sign3A_134 = arith.constant 0 : i32
    %sign3A_135 = arith.cmpi slt, %squeeze3A_128, %sign3A_134 : i32
    %sign3A_136 = arith.extui %sign3A_135 : i1 to i32
    %sign3A_137 = arith.subi %sign3A_133, %sign3A_136 : i32
    %sign3A_138 = arith.constant 0 : i32
    %sign3A_139 = arith.cmpi sgt, %jit3A_129, %sign3A_138 : i32
    %sign3A_140 = arith.extui %sign3A_139 : i1 to i32
    %sign3A_141 = arith.constant 0 : i32
    %sign3A_142 = arith.cmpi slt, %jit3A_129, %sign3A_141 : i32
    %sign3A_143 = arith.extui %sign3A_142 : i1 to i32
    %sign3A_144 = arith.subi %sign3A_140, %sign3A_143 : i32
    %ne3A_145 = arith.cmpi ne, %sign3A_137, %sign3A_144 : i32
    %rem3A_146 = arith.remsi %squeeze3A_128, %jit3A_129 : i32
    %ne3A_147 = arith.constant 0 : i32
    %ne3A_148 = arith.cmpi ne, %rem3A_146, %ne3A_147 : i32
    %and3A_149 = arith.andi %ne3A_145, %ne3A_148 : i1
    %sub3A_150 = arith.constant 1 : i32
    %sub3A_151 = arith.subi %div3A_130, %sub3A_150 : i32
    %select_n3A_152 = arith.select %and3A_149, %sub3A_151, %div3A_130 : i32
    %mul3A_153 = arith.constant 128 : i32
    %mul3A_154 = arith.muli %select_n3A_152, %mul3A_153 : i32
    %multiple_of3A_155 = tpu.assume_multiple %mul3A_154, 128 : i32
    %dma_start3A_156 = arith.constant 3 : i32
    %dma_start3A_157 = arith.constant 3 : i32
    %dma_start3A_158 = arith.constant 0 : i32
    %dma_start3A_159 = arith.constant 0 : i32
    %dma_start3A_160 = tpu.memref_slice %arg6[%dma_start3A_156, %dma_start3A_158, %dma_start3A_159] : memref<16x32x128xf32, #tpu.memory_space<vmem>> -> memref<1x32x128xf32, #tpu.memory_space<vmem>>
    %dma_start3A_161 = tpu.memref_squeeze %dma_start3A_160 : memref<1x32x128xf32, #tpu.memory_space<vmem>> -> memref<32x128xf32, #tpu.memory_space<vmem>>
    %dma_start3A_162 = arith.constant 0 : i32
    %dma_start3A_163 = tpu.memref_slice %arg3[%dma_start3A_162, %multiple_of3A_155] : memref<32x1000001xf32, #tpu.memory_space<hbm>> -> memref<32x128xf32, #tpu.memory_space<hbm>>
    %dma_start3A_164 = tpu.memref_slice %arg8[%dma_start3A_157] : memref<16x!tpu.dma_semaphore, #tpu.memory_space<semaphore_mem>> -> memref<1x!tpu.dma_semaphore, #tpu.memory_space<semaphore_mem>>
    %dma_start3A_165 = tpu.memref_squeeze %dma_start3A_164 : memref<1x!tpu.dma_semaphore, #tpu.memory_space<semaphore_mem>> -> memref<!tpu.dma_semaphore, #tpu.memory_space<semaphore_mem>>
    %dma_start3A_166 = arith.constant 0 : i32
    %dma_start3A_167 = arith.constant 0 : i32
    %dma_start3A_168 = tpu.memref_slice %arg6[%dma_start3A_156, %dma_start3A_166, %dma_start3A_167] : memref<16x32x128xf32, #tpu.memory_space<vmem>> -> memref<1x32x128xf32, #tpu.memory_space<vmem>>
    %dma_start3A_169 = tpu.memref_squeeze %dma_start3A_168 : memref<1x32x128xf32, #tpu.memory_space<vmem>> -> memref<32x128xf32, #tpu.memory_space<vmem>>
    %dma_start3A_170 = arith.constant 0 : i32
    %dma_start3A_171 = tpu.memref_slice %arg3[%dma_start3A_170, %multiple_of3A_155] : memref<32x1000001xf32, #tpu.memory_space<hbm>> -> memref<32x128xf32, #tpu.memory_space<hbm>>
    tpu.enqueue_dma source(%dma_start3A_171 : memref<32x128xf32, #tpu.memory_space<hbm>>) target(%dma_start3A_169 : memref<32x128xf32, #tpu.memory_space<vmem>>) target_semaphore(%dma_start3A_165 : memref<!tpu.dma_semaphore, #tpu.memory_space<semaphore_mem>>)
    %slice3A_172 = vector.extract_strided_slice %get3A_3 {offsets = [4], sizes = [1], strides = [1]} : vector<16xi32> to vector<1xi32>
    %squeeze3A_173 = vector.extract %slice3A_172[0] : i32 from vector<1xi32>
    %jit3A_174 = arith.constant 128 : i32
    %div3A_175 = arith.divsi %squeeze3A_173, %jit3A_174 : i32
    %sign3A_176 = arith.constant 0 : i32
    %sign3A_177 = arith.cmpi sgt, %squeeze3A_173, %sign3A_176 : i32
    %sign3A_178 = arith.extui %sign3A_177 : i1 to i32
    %sign3A_179 = arith.constant 0 : i32
    %sign3A_180 = arith.cmpi slt, %squeeze3A_173, %sign3A_179 : i32
    %sign3A_181 = arith.extui %sign3A_180 : i1 to i32
    %sign3A_182 = arith.subi %sign3A_178, %sign3A_181 : i32
    %sign3A_183 = arith.constant 0 : i32
    %sign3A_184 = arith.cmpi sgt, %jit3A_174, %sign3A_183 : i32
    %sign3A_185 = arith.extui %sign3A_184 : i1 to i32
    %sign3A_186 = arith.constant 0 : i32
    %sign3A_187 = arith.cmpi slt, %jit3A_174, %sign3A_186 : i32
    %sign3A_188 = arith.extui %sign3A_187 : i1 to i32
    %sign3A_189 = arith.subi %sign3A_185, %sign3A_188 : i32
    %ne3A_190 = arith.cmpi ne, %sign3A_182, %sign3A_189 : i32
    %rem3A_191 = arith.remsi %squeeze3A_173, %jit3A_174 : i32
    %ne3A_192 = arith.constant 0 : i32
    %ne3A_193 = arith.cmpi ne, %rem3A_191, %ne3A_192 : i32
    %and3A_194 = arith.andi %ne3A_190, %ne3A_193 : i1
    %sub3A_195 = arith.constant 1 : i32
    %sub3A_196 = arith.subi %div3A_175, %sub3A_195 : i32
    %select_n3A_197 = arith.select %and3A_194, %sub3A_196, %div3A_175 : i32
    %mul3A_198 = arith.constant 128 : i32
    %mul3A_199 = arith.muli %select_n3A_197, %mul3A_198 : i32
    %multiple_of3A_200 = tpu.assume_multiple %mul3A_199, 128 : i32
    %dma_start3A_201 = arith.constant 4 : i32
    %dma_start3A_202 = arith.constant 4 : i32
    %dma_start3A_203 = arith.constant 0 : i32
    %dma_start3A_204 = arith.constant 0 : i32
    %dma_start3A_205 = tpu.memref_slice %arg6[%dma_start3A_201, %dma_start3A_203, %dma_start3A_204] : memref<16x32x128xf32, #tpu.memory_space<vmem>> -> memref<1x32x128xf32, #tpu.memory_space<vmem>>
    %dma_start3A_206 = tpu.memref_squeeze %dma_start3A_205 : memref<1x32x128xf32, #tpu.memory_space<vmem>> -> memref<32x128xf32, #tpu.memory_space<vmem>>
    %dma_start3A_207 = arith.constant 0 : i32
    %dma_start3A_208 = tpu.memref_slice %arg3[%dma_start3A_207, %multiple_of3A_200] : memref<32x1000001xf32, #tpu.memory_space<hbm>> -> memref<32x128xf32, #tpu.memory_space<hbm>>
    %dma_start3A_209 = tpu.memref_slice %arg8[%dma_start3A_202] : memref<16x!tpu.dma_semaphore, #tpu.memory_space<semaphore_mem>> -> memref<1x!tpu.dma_semaphore, #tpu.memory_space<semaphore_mem>>
    %dma_start3A_210 = tpu.memref_squeeze %dma_start3A_209 : memref<1x!tpu.dma_semaphore, #tpu.memory_space<semaphore_mem>> -> memref<!tpu.dma_semaphore, #tpu.memory_space<semaphore_mem>>
    %dma_start3A_211 = arith.constant 0 : i32
    %dma_start3A_212 = arith.constant 0 : i32
    %dma_start3A_213 = tpu.memref_slice %arg6[%dma_start3A_201, %dma_start3A_211, %dma_start3A_212] : memref<16x32x128xf32, #tpu.memory_space<vmem>> -> memref<1x32x128xf32, #tpu.memory_space<vmem>>
    %dma_start3A_214 = tpu.memref_squeeze %dma_start3A_213 : memref<1x32x128xf32, #tpu.memory_space<vmem>> -> memref<32x128xf32, #tpu.memory_space<vmem>>
    %dma_start3A_215 = arith.constant 0 : i32
    %dma_start3A_216 = tpu.memref_slice %arg3[%dma_start3A_215, %multiple_of3A_200] : memref<32x1000001xf32, #tpu.memory_space<hbm>> -> memref<32x128xf32, #tpu.memory_space<hbm>>
    tpu.enqueue_dma source(%dma_start3A_216 : memref<32x128xf32, #tpu.memory_space<hbm>>) target(%dma_start3A_214 : memref<32x128xf32, #tpu.memory_space<vmem>>) target_semaphore(%dma_start3A_210 : memref<!tpu.dma_semaphore, #tpu.memory_space<semaphore_mem>>)
    %slice3A_217 = vector.extract_strided_slice %get3A_3 {offsets = [5], sizes = [1], strides = [1]} : vector<16xi32> to vector<1xi32>
    %squeeze3A_218 = vector.extract %slice3A_217[0] : i32 from vector<1xi32>
    %jit3A_219 = arith.constant 128 : i32
    %div3A_220 = arith.divsi %squeeze3A_218, %jit3A_219 : i32
    %sign3A_221 = arith.constant 0 : i32
    %sign3A_222 = arith.cmpi sgt, %squeeze3A_218, %sign3A_221 : i32
    %sign3A_223 = arith.extui %sign3A_222 : i1 to i32
    %sign3A_224 = arith.constant 0 : i32
    %sign3A_225 = arith.cmpi slt, %squeeze3A_218, %sign3A_224 : i32
    %sign3A_226 = arith.extui %sign3A_225 : i1 to i32
    %sign3A_227 = arith.subi %sign3A_223, %sign3A_226 : i32
    %sign3A_228 = arith.constant 0 : i32
    %sign3A_229 = arith.cmpi sgt, %jit3A_219, %sign3A_228 : i32
    %sign3A_230 = arith.extui %sign3A_229 : i1 to i32
    %sign3A_231 = arith.constant 0 : i32
    %sign3A_232 = arith.cmpi slt, %jit3A_219, %sign3A_231 : i32
    %sign3A_233 = arith.extui %sign3A_232 : i1 to i32
    %sign3A_234 = arith.subi %sign3A_230, %sign3A_233 : i32
    %ne3A_235 = arith.cmpi ne, %sign3A_227, %sign3A_234 : i32
    %rem3A_236 = arith.remsi %squeeze3A_218, %jit3A_219 : i32
    %ne3A_237 = arith.constant 0 : i32
    %ne3A_238 = arith.cmpi ne, %rem3A_236, %ne3A_237 : i32
    %and3A_239 = arith.andi %ne3A_235, %ne3A_238 : i1
    %sub3A_240 = arith.constant 1 : i32
    %sub3A_241 = arith.subi %div3A_220, %sub3A_240 : i32
    %select_n3A_242 = arith.select %and3A_239, %sub3A_241, %div3A_220 : i32
    %mul3A_243 = arith.constant 128 : i32
    %mul3A_244 = arith.muli %select_n3A_242, %mul3A_243 : i32
    %multiple_of3A_245 = tpu.assume_multiple %mul3A_244, 128 : i32
    %dma_start3A_246 = arith.constant 5 : i32
    %dma_start3A_247 = arith.constant 5 : i32
    %dma_start3A_248 = arith.constant 0 : i32
    %dma_start3A_249 = arith.constant 0 : i32
    %dma_start3A_250 = tpu.memref_slice %arg6[%dma_start3A_246, %dma_start3A_248, %dma_start3A_249] : memref<16x32x128xf32, #tpu.memory_space<vmem>> -> memref<1x32x128xf32, #tpu.memory_space<vmem>>
    %dma_start3A_251 = tpu.memref_squeeze %dma_start3A_250 : memref<1x32x128xf32, #tpu.memory_space<vmem>> -> memref<32x128xf32, #tpu.memory_space<vmem>>
    %dma_start3A_252 = arith.constant 0 : i32
    %dma_start3A_253 = tpu.memref_slice %arg3[%dma_start3A_252, %multiple_of3A_245] : memref<32x1000001xf32, #tpu.memory_space<hbm>> -> memref<32x128xf32, #tpu.memory_space<hbm>>
    %dma_start3A_254 = tpu.memref_slice %arg8[%dma_start3A_247] : memref<16x!tpu.dma_semaphore, #tpu.memory_space<semaphore_mem>> -> memref<1x!tpu.dma_semaphore, #tpu.memory_space<semaphore_mem>>
    %dma_start3A_255 = tpu.memref_squeeze %dma_start3A_254 : memref<1x!tpu.dma_semaphore, #tpu.memory_space<semaphore_mem>> -> memref<!tpu.dma_semaphore, #tpu.memory_space<semaphore_mem>>
    %dma_start3A_256 = arith.constant 0 : i32
    %dma_start3A_257 = arith.constant 0 : i32
    %dma_start3A_258 = tpu.memref_slice %arg6[%dma_start3A_246, %dma_start3A_256, %dma_start3A_257] : memref<16x32x128xf32, #tpu.memory_space<vmem>> -> memref<1x32x128xf32, #tpu.memory_space<vmem>>
    %dma_start3A_259 = tpu.memref_squeeze %dma_start3A_258 : memref<1x32x128xf32, #tpu.memory_space<vmem>> -> memref<32x128xf32, #tpu.memory_space<vmem>>
    %dma_start3A_260 = arith.constant 0 : i32
    %dma_start3A_261 = tpu.memref_slice %arg3[%dma_start3A_260, %multiple_of3A_245] : memref<32x1000001xf32, #tpu.memory_space<hbm>> -> memref<32x128xf32, #tpu.memory_space<hbm>>
    tpu.enqueue_dma source(%dma_start3A_261 : memref<32x128xf32, #tpu.memory_space<hbm>>) target(%dma_start3A_259 : memref<32x128xf32, #tpu.memory_space<vmem>>) target_semaphore(%dma_start3A_255 : memref<!tpu.dma_semaphore, #tpu.memory_space<semaphore_mem>>)
    %slice3A_262 = vector.extract_strided_slice %get3A_3 {offsets = [6], sizes = [1], strides = [1]} : vector<16xi32> to vector<1xi32>
    %squeeze3A_263 = vector.extract %slice3A_262[0] : i32 from vector<1xi32>
    %jit3A_264 = arith.constant 128 : i32
    %div3A_265 = arith.divsi %squeeze3A_263, %jit3A_264 : i32
    %sign3A_266 = arith.constant 0 : i32
    %sign3A_267 = arith.cmpi sgt, %squeeze3A_263, %sign3A_266 : i32
    %sign3A_268 = arith.extui %sign3A_267 : i1 to i32
    %sign3A_269 = arith.constant 0 : i32
    %sign3A_270 = arith.cmpi slt, %squeeze3A_263, %sign3A_269 : i32
    %sign3A_271 = arith.extui %sign3A_270 : i1 to i32
    %sign3A_272 = arith.subi %sign3A_268, %sign3A_271 : i32
    %sign3A_273 = arith.constant 0 : i32
    %sign3A_274 = arith.cmpi sgt, %jit3A_264, %sign3A_273 : i32
    %sign3A_275 = arith.extui %sign3A_274 : i1 to i32
    %sign3A_276 = arith.constant 0 : i32
    %sign3A_277 = arith.cmpi slt, %jit3A_264, %sign3A_276 : i32
    %sign3A_278 = arith.extui %sign3A_277 : i1 to i32
    %sign3A_279 = arith.subi %sign3A_275, %sign3A_278 : i32
    %ne3A_280 = arith.cmpi ne, %sign3A_272, %sign3A_279 : i32
    %rem3A_281 = arith.remsi %squeeze3A_263, %jit3A_264 : i32
    %ne3A_282 = arith.constant 0 : i32
    %ne3A_283 = arith.cmpi ne, %rem3A_281, %ne3A_282 : i32
    %and3A_284 = arith.andi %ne3A_280, %ne3A_283 : i1
    %sub3A_285 = arith.constant 1 : i32
    %sub3A_286 = arith.subi %div3A_265, %sub3A_285 : i32
    %select_n3A_287 = arith.select %and3A_284, %sub3A_286, %div3A_265 : i32
    %mul3A_288 = arith.constant 128 : i32
    %mul3A_289 = arith.muli %select_n3A_287, %mul3A_288 : i32
    %multiple_of3A_290 = tpu.assume_multiple %mul3A_289, 128 : i32
    %dma_start3A_291 = arith.constant 6 : i32
    %dma_start3A_292 = arith.constant 6 : i32
    %dma_start3A_293 = arith.constant 0 : i32
    %dma_start3A_294 = arith.constant 0 : i32
    %dma_start3A_295 = tpu.memref_slice %arg6[%dma_start3A_291, %dma_start3A_293, %dma_start3A_294] : memref<16x32x128xf32, #tpu.memory_space<vmem>> -> memref<1x32x128xf32, #tpu.memory_space<vmem>>
    %dma_start3A_296 = tpu.memref_squeeze %dma_start3A_295 : memref<1x32x128xf32, #tpu.memory_space<vmem>> -> memref<32x128xf32, #tpu.memory_space<vmem>>
    %dma_start3A_297 = arith.constant 0 : i32
    %dma_start3A_298 = tpu.memref_slice %arg3[%dma_start3A_297, %multiple_of3A_290] : memref<32x1000001xf32, #tpu.memory_space<hbm>> -> memref<32x128xf32, #tpu.memory_space<hbm>>
    %dma_start3A_299 = tpu.memref_slice %arg8[%dma_start3A_292] : memref<16x!tpu.dma_semaphore, #tpu.memory_space<semaphore_mem>> -> memref<1x!tpu.dma_semaphore, #tpu.memory_space<semaphore_mem>>
    %dma_start3A_300 = tpu.memref_squeeze %dma_start3A_299 : memref<1x!tpu.dma_semaphore, #tpu.memory_space<semaphore_mem>> -> memref<!tpu.dma_semaphore, #tpu.memory_space<semaphore_mem>>
    %dma_start3A_301 = arith.constant 0 : i32
    %dma_start3A_302 = arith.constant 0 : i32
    %dma_start3A_303 = tpu.memref_slice %arg6[%dma_start3A_291, %dma_start3A_301, %dma_start3A_302] : memref<16x32x128xf32, #tpu.memory_space<vmem>> -> memref<1x32x128xf32, #tpu.memory_space<vmem>>
    %dma_start3A_304 = tpu.memref_squeeze %dma_start3A_303 : memref<1x32x128xf32, #tpu.memory_space<vmem>> -> memref<32x128xf32, #tpu.memory_space<vmem>>
    %dma_start3A_305 = arith.constant 0 : i32
    %dma_start3A_306 = tpu.memref_slice %arg3[%dma_start3A_305, %multiple_of3A_290] : memref<32x1000001xf32, #tpu.memory_space<hbm>> -> memref<32x128xf32, #tpu.memory_space<hbm>>
    tpu.enqueue_dma source(%dma_start3A_306 : memref<32x128xf32, #tpu.memory_space<hbm>>) target(%dma_start3A_304 : memref<32x128xf32, #tpu.memory_space<vmem>>) target_semaphore(%dma_start3A_300 : memref<!tpu.dma_semaphore, #tpu.memory_space<semaphore_mem>>)
    %slice3A_307 = vector.extract_strided_slice %get3A_3 {offsets = [7], sizes = [1], strides = [1]} : vector<16xi32> to vector<1xi32>
    %squeeze3A_308 = vector.extract %slice3A_307[0] : i32 from vector<1xi32>
    %jit3A_309 = arith.constant 128 : i32
    %div3A_310 = arith.divsi %squeeze3A_308, %jit3A_309 : i32
    %sign3A_311 = arith.constant 0 : i32
    %sign3A_312 = arith.cmpi sgt, %squeeze3A_308, %sign3A_311 : i32
    %sign3A_313 = arith.extui %sign3A_312 : i1 to i32
    %sign3A_314 = arith.constant 0 : i32
    %sign3A_315 = arith.cmpi slt, %squeeze3A_308, %sign3A_314 : i32
    %sign3A_316 = arith.extui %sign3A_315 : i1 to i32
    %sign3A_317 = arith.subi %sign3A_313, %sign3A_316 : i32
    %sign3A_318 = arith.constant 0 : i32
    %sign3A_319 = arith.cmpi sgt, %jit3A_309, %sign3A_318 : i32
    %sign3A_320 = arith.extui %sign3A_319 : i1 to i32
    %sign3A_321 = arith.constant 0 : i32
    %sign3A_322 = arith.cmpi slt, %jit3A_309, %sign3A_321 : i32
    %sign3A_323 = arith.extui %sign3A_322 : i1 to i32
    %sign3A_324 = arith.subi %sign3A_320, %sign3A_323 : i32
    %ne3A_325 = arith.cmpi ne, %sign3A_317, %sign3A_324 : i32
    %rem3A_326 = arith.remsi %squeeze3A_308, %jit3A_309 : i32
    %ne3A_327 = arith.constant 0 : i32
    %ne3A_328 = arith.cmpi ne, %rem3A_326, %ne3A_327 : i32
    %and3A_329 = arith.andi %ne3A_325, %ne3A_328 : i1
    %sub3A_330 = arith.constant 1 : i32
    %sub3A_331 = arith.subi %div3A_310, %sub3A_330 : i32
    %select_n3A_332 = arith.select %and3A_329, %sub3A_331, %div3A_310 : i32
    %mul3A_333 = arith.constant 128 : i32
    %mul3A_334 = arith.muli %select_n3A_332, %mul3A_333 : i32
    %multiple_of3A_335 = tpu.assume_multiple %mul3A_334, 128 : i32
    %dma_start3A_336 = arith.constant 7 : i32
    %dma_start3A_337 = arith.constant 7 : i32
    %dma_start3A_338 = arith.constant 0 : i32
    %dma_start3A_339 = arith.constant 0 : i32
    %dma_start3A_340 = tpu.memref_slice %arg6[%dma_start3A_336, %dma_start3A_338, %dma_start3A_339] : memref<16x32x128xf32, #tpu.memory_space<vmem>> -> memref<1x32x128xf32, #tpu.memory_space<vmem>>
    %dma_start3A_341 = tpu.memref_squeeze %dma_start3A_340 : memref<1x32x128xf32, #tpu.memory_space<vmem>> -> memref<32x128xf32, #tpu.memory_space<vmem>>
    %dma_start3A_342 = arith.constant 0 : i32
    %dma_start3A_343 = tpu.memref_slice %arg3[%dma_start3A_342, %multiple_of3A_335] : memref<32x1000001xf32, #tpu.memory_space<hbm>> -> memref<32x128xf32, #tpu.memory_space<hbm>>
    %dma_start3A_344 = tpu.memref_slice %arg8[%dma_start3A_337] : memref<16x!tpu.dma_semaphore, #tpu.memory_space<semaphore_mem>> -> memref<1x!tpu.dma_semaphore, #tpu.memory_space<semaphore_mem>>
    %dma_start3A_345 = tpu.memref_squeeze %dma_start3A_344 : memref<1x!tpu.dma_semaphore, #tpu.memory_space<semaphore_mem>> -> memref<!tpu.dma_semaphore, #tpu.memory_space<semaphore_mem>>
    %dma_start3A_346 = arith.constant 0 : i32
    %dma_start3A_347 = arith.constant 0 : i32
    %dma_start3A_348 = tpu.memref_slice %arg6[%dma_start3A_336, %dma_start3A_346, %dma_start3A_347] : memref<16x32x128xf32, #tpu.memory_space<vmem>> -> memref<1x32x128xf32, #tpu.memory_space<vmem>>
    %dma_start3A_349 = tpu.memref_squeeze %dma_start3A_348 : memref<1x32x128xf32, #tpu.memory_space<vmem>> -> memref<32x128xf32, #tpu.memory_space<vmem>>
    %dma_start3A_350 = arith.constant 0 : i32
    %dma_start3A_351 = tpu.memref_slice %arg3[%dma_start3A_350, %multiple_of3A_335] : memref<32x1000001xf32, #tpu.memory_space<hbm>> -> memref<32x128xf32, #tpu.memory_space<hbm>>
    tpu.enqueue_dma source(%dma_start3A_351 : memref<32x128xf32, #tpu.memory_space<hbm>>) target(%dma_start3A_349 : memref<32x128xf32, #tpu.memory_space<vmem>>) target_semaphore(%dma_start3A_345 : memref<!tpu.dma_semaphore, #tpu.memory_space<semaphore_mem>>)
    %slice3A_352 = vector.extract_strided_slice %get3A_3 {offsets = [8], sizes = [1], strides = [1]} : vector<16xi32> to vector<1xi32>
    %squeeze3A_353 = vector.extract %slice3A_352[0] : i32 from vector<1xi32>
    %jit3A_354 = arith.constant 128 : i32
    %div3A_355 = arith.divsi %squeeze3A_353, %jit3A_354 : i32
    %sign3A_356 = arith.constant 0 : i32
    %sign3A_357 = arith.cmpi sgt, %squeeze3A_353, %sign3A_356 : i32
    %sign3A_358 = arith.extui %sign3A_357 : i1 to i32
    %sign3A_359 = arith.constant 0 : i32
    %sign3A_360 = arith.cmpi slt, %squeeze3A_353, %sign3A_359 : i32
    %sign3A_361 = arith.extui %sign3A_360 : i1 to i32
    %sign3A_362 = arith.subi %sign3A_358, %sign3A_361 : i32
    %sign3A_363 = arith.constant 0 : i32
    %sign3A_364 = arith.cmpi sgt, %jit3A_354, %sign3A_363 : i32
    %sign3A_365 = arith.extui %sign3A_364 : i1 to i32
    %sign3A_366 = arith.constant 0 : i32
    %sign3A_367 = arith.cmpi slt, %jit3A_354, %sign3A_366 : i32
    %sign3A_368 = arith.extui %sign3A_367 : i1 to i32
    %sign3A_369 = arith.subi %sign3A_365, %sign3A_368 : i32
    %ne3A_370 = arith.cmpi ne, %sign3A_362, %sign3A_369 : i32
    %rem3A_371 = arith.remsi %squeeze3A_353, %jit3A_354 : i32
    %ne3A_372 = arith.constant 0 : i32
    %ne3A_373 = arith.cmpi ne, %rem3A_371, %ne3A_372 : i32
    %and3A_374 = arith.andi %ne3A_370, %ne3A_373 : i1
    %sub3A_375 = arith.constant 1 : i32
    %sub3A_376 = arith.subi %div3A_355, %sub3A_375 : i32
    %select_n3A_377 = arith.select %and3A_374, %sub3A_376, %div3A_355 : i32
    %mul3A_378 = arith.constant 128 : i32
    %mul3A_379 = arith.muli %select_n3A_377, %mul3A_378 : i32
    %multiple_of3A_380 = tpu.assume_multiple %mul3A_379, 128 : i32
    %dma_start3A_381 = arith.constant 8 : i32
    %dma_start3A_382 = arith.constant 8 : i32
    %dma_start3A_383 = arith.constant 0 : i32
    %dma_start3A_384 = arith.constant 0 : i32
    %dma_start3A_385 = tpu.memref_slice %arg6[%dma_start3A_381, %dma_start3A_383, %dma_start3A_384] : memref<16x32x128xf32, #tpu.memory_space<vmem>> -> memref<1x32x128xf32, #tpu.memory_space<vmem>>
    %dma_start3A_386 = tpu.memref_squeeze %dma_start3A_385 : memref<1x32x128xf32, #tpu.memory_space<vmem>> -> memref<32x128xf32, #tpu.memory_space<vmem>>
    %dma_start3A_387 = arith.constant 0 : i32
    %dma_start3A_388 = tpu.memref_slice %arg3[%dma_start3A_387, %multiple_of3A_380] : memref<32x1000001xf32, #tpu.memory_space<hbm>> -> memref<32x128xf32, #tpu.memory_space<hbm>>
    %dma_start3A_389 = tpu.memref_slice %arg8[%dma_start3A_382] : memref<16x!tpu.dma_semaphore, #tpu.memory_space<semaphore_mem>> -> memref<1x!tpu.dma_semaphore, #tpu.memory_space<semaphore_mem>>
    %dma_start3A_390 = tpu.memref_squeeze %dma_start3A_389 : memref<1x!tpu.dma_semaphore, #tpu.memory_space<semaphore_mem>> -> memref<!tpu.dma_semaphore, #tpu.memory_space<semaphore_mem>>
    %dma_start3A_391 = arith.constant 0 : i32
    %dma_start3A_392 = arith.constant 0 : i32
    %dma_start3A_393 = tpu.memref_slice %arg6[%dma_start3A_381, %dma_start3A_391, %dma_start3A_392] : memref<16x32x128xf32, #tpu.memory_space<vmem>> -> memref<1x32x128xf32, #tpu.memory_space<vmem>>
    %dma_start3A_394 = tpu.memref_squeeze %dma_start3A_393 : memref<1x32x128xf32, #tpu.memory_space<vmem>> -> memref<32x128xf32, #tpu.memory_space<vmem>>
    %dma_start3A_395 = arith.constant 0 : i32
    %dma_start3A_396 = tpu.memref_slice %arg3[%dma_start3A_395, %multiple_of3A_380] : memref<32x1000001xf32, #tpu.memory_space<hbm>> -> memref<32x128xf32, #tpu.memory_space<hbm>>
    tpu.enqueue_dma source(%dma_start3A_396 : memref<32x128xf32, #tpu.memory_space<hbm>>) target(%dma_start3A_394 : memref<32x128xf32, #tpu.memory_space<vmem>>) target_semaphore(%dma_start3A_390 : memref<!tpu.dma_semaphore, #tpu.memory_space<semaphore_mem>>)
    %slice3A_397 = vector.extract_strided_slice %get3A_3 {offsets = [9], sizes = [1], strides = [1]} : vector<16xi32> to vector<1xi32>
    %squeeze3A_398 = vector.extract %slice3A_397[0] : i32 from vector<1xi32>
    %jit3A_399 = arith.constant 128 : i32
    %div3A_400 = arith.divsi %squeeze3A_398, %jit3A_399 : i32
    %sign3A_401 = arith.constant 0 : i32
    %sign3A_402 = arith.cmpi sgt, %squeeze3A_398, %sign3A_401 : i32
    %sign3A_403 = arith.extui %sign3A_402 : i1 to i32
    %sign3A_404 = arith.constant 0 : i32
    %sign3A_405 = arith.cmpi slt, %squeeze3A_398, %sign3A_404 : i32
    %sign3A_406 = arith.extui %sign3A_405 : i1 to i32
    %sign3A_407 = arith.subi %sign3A_403, %sign3A_406 : i32
    %sign3A_408 = arith.constant 0 : i32
    %sign3A_409 = arith.cmpi sgt, %jit3A_399, %sign3A_408 : i32
    %sign3A_410 = arith.extui %sign3A_409 : i1 to i32
    %sign3A_411 = arith.constant 0 : i32
    %sign3A_412 = arith.cmpi slt, %jit3A_399, %sign3A_411 : i32
    %sign3A_413 = arith.extui %sign3A_412 : i1 to i32
    %sign3A_414 = arith.subi %sign3A_410, %sign3A_413 : i32
    %ne3A_415 = arith.cmpi ne, %sign3A_407, %sign3A_414 : i32
    %rem3A_416 = arith.remsi %squeeze3A_398, %jit3A_399 : i32
    %ne3A_417 = arith.constant 0 : i32
    %ne3A_418 = arith.cmpi ne, %rem3A_416, %ne3A_417 : i32
    %and3A_419 = arith.andi %ne3A_415, %ne3A_418 : i1
    %sub3A_420 = arith.constant 1 : i32
    %sub3A_421 = arith.subi %div3A_400, %sub3A_420 : i32
    %select_n3A_422 = arith.select %and3A_419, %sub3A_421, %div3A_400 : i32
    %mul3A_423 = arith.constant 128 : i32
    %mul3A_424 = arith.muli %select_n3A_422, %mul3A_423 : i32
    %multiple_of3A_425 = tpu.assume_multiple %mul3A_424, 128 : i32
    %dma_start3A_426 = arith.constant 9 : i32
    %dma_start3A_427 = arith.constant 9 : i32
    %dma_start3A_428 = arith.constant 0 : i32
    %dma_start3A_429 = arith.constant 0 : i32
    %dma_start3A_430 = tpu.memref_slice %arg6[%dma_start3A_426, %dma_start3A_428, %dma_start3A_429] : memref<16x32x128xf32, #tpu.memory_space<vmem>> -> memref<1x32x128xf32, #tpu.memory_space<vmem>>
    %dma_start3A_431 = tpu.memref_squeeze %dma_start3A_430 : memref<1x32x128xf32, #tpu.memory_space<vmem>> -> memref<32x128xf32, #tpu.memory_space<vmem>>
    %dma_start3A_432 = arith.constant 0 : i32
    %dma_start3A_433 = tpu.memref_slice %arg3[%dma_start3A_432, %multiple_of3A_425] : memref<32x1000001xf32, #tpu.memory_space<hbm>> -> memref<32x128xf32, #tpu.memory_space<hbm>>
    %dma_start3A_434 = tpu.memref_slice %arg8[%dma_start3A_427] : memref<16x!tpu.dma_semaphore, #tpu.memory_space<semaphore_mem>> -> memref<1x!tpu.dma_semaphore, #tpu.memory_space<semaphore_mem>>
    %dma_start3A_435 = tpu.memref_squeeze %dma_start3A_434 : memref<1x!tpu.dma_semaphore, #tpu.memory_space<semaphore_mem>> -> memref<!tpu.dma_semaphore, #tpu.memory_space<semaphore_mem>>
    %dma_start3A_436 = arith.constant 0 : i32
    %dma_start3A_437 = arith.constant 0 : i32
    %dma_start3A_438 = tpu.memref_slice %arg6[%dma_start3A_426, %dma_start3A_436, %dma_start3A_437] : memref<16x32x128xf32, #tpu.memory_space<vmem>> -> memref<1x32x128xf32, #tpu.memory_space<vmem>>
    %dma_start3A_439 = tpu.memref_squeeze %dma_start3A_438 : memref<1x32x128xf32, #tpu.memory_space<vmem>> -> memref<32x128xf32, #tpu.memory_space<vmem>>
    %dma_start3A_440 = arith.constant 0 : i32
    %dma_start3A_441 = tpu.memref_slice %arg3[%dma_start3A_440, %multiple_of3A_425] : memref<32x1000001xf32, #tpu.memory_space<hbm>> -> memref<32x128xf32, #tpu.memory_space<hbm>>
    tpu.enqueue_dma source(%dma_start3A_441 : memref<32x128xf32, #tpu.memory_space<hbm>>) target(%dma_start3A_439 : memref<32x128xf32, #tpu.memory_space<vmem>>) target_semaphore(%dma_start3A_435 : memref<!tpu.dma_semaphore, #tpu.memory_space<semaphore_mem>>)
    %slice3A_442 = vector.extract_strided_slice %get3A_3 {offsets = [10], sizes = [1], strides = [1]} : vector<16xi32> to vector<1xi32>
    %squeeze3A_443 = vector.extract %slice3A_442[0] : i32 from vector<1xi32>
    %jit3A_444 = arith.constant 128 : i32
    %div3A_445 = arith.divsi %squeeze3A_443, %jit3A_444 : i32
    %sign3A_446 = arith.constant 0 : i32
    %sign3A_447 = arith.cmpi sgt, %squeeze3A_443, %sign3A_446 : i32
    %sign3A_448 = arith.extui %sign3A_447 : i1 to i32
    %sign3A_449 = arith.constant 0 : i32
    %sign3A_450 = arith.cmpi slt, %squeeze3A_443, %sign3A_449 : i32
    %sign3A_451 = arith.extui %sign3A_450 : i1 to i32
    %sign3A_452 = arith.subi %sign3A_448, %sign3A_451 : i32
    %sign3A_453 = arith.constant 0 : i32
    %sign3A_454 = arith.cmpi sgt, %jit3A_444, %sign3A_453 : i32
    %sign3A_455 = arith.extui %sign3A_454 : i1 to i32
    %sign3A_456 = arith.constant 0 : i32
    %sign3A_457 = arith.cmpi slt, %jit3A_444, %sign3A_456 : i32
    %sign3A_458 = arith.extui %sign3A_457 : i1 to i32
    %sign3A_459 = arith.subi %sign3A_455, %sign3A_458 : i32
    %ne3A_460 = arith.cmpi ne, %sign3A_452, %sign3A_459 : i32
    %rem3A_461 = arith.remsi %squeeze3A_443, %jit3A_444 : i32
    %ne3A_462 = arith.constant 0 : i32
    %ne3A_463 = arith.cmpi ne, %rem3A_461, %ne3A_462 : i32
    %and3A_464 = arith.andi %ne3A_460, %ne3A_463 : i1
    %sub3A_465 = arith.constant 1 : i32
    %sub3A_466 = arith.subi %div3A_445, %sub3A_465 : i32
    %select_n3A_467 = arith.select %and3A_464, %sub3A_466, %div3A_445 : i32
    %mul3A_468 = arith.constant 128 : i32
    %mul3A_469 = arith.muli %select_n3A_467, %mul3A_468 : i32
    %multiple_of3A_470 = tpu.assume_multiple %mul3A_469, 128 : i32
    %dma_start3A_471 = arith.constant 10 : i32
    %dma_start3A_472 = arith.constant 10 : i32
    %dma_start3A_473 = arith.constant 0 : i32
    %dma_start3A_474 = arith.constant 0 : i32
    %dma_start3A_475 = tpu.memref_slice %arg6[%dma_start3A_471, %dma_start3A_473, %dma_start3A_474] : memref<16x32x128xf32, #tpu.memory_space<vmem>> -> memref<1x32x128xf32, #tpu.memory_space<vmem>>
    %dma_start3A_476 = tpu.memref_squeeze %dma_start3A_475 : memref<1x32x128xf32, #tpu.memory_space<vmem>> -> memref<32x128xf32, #tpu.memory_space<vmem>>
    %dma_start3A_477 = arith.constant 0 : i32
    %dma_start3A_478 = tpu.memref_slice %arg3[%dma_start3A_477, %multiple_of3A_470] : memref<32x1000001xf32, #tpu.memory_space<hbm>> -> memref<32x128xf32, #tpu.memory_space<hbm>>
    %dma_start3A_479 = tpu.memref_slice %arg8[%dma_start3A_472] : memref<16x!tpu.dma_semaphore, #tpu.memory_space<semaphore_mem>> -> memref<1x!tpu.dma_semaphore, #tpu.memory_space<semaphore_mem>>
    %dma_start3A_480 = tpu.memref_squeeze %dma_start3A_479 : memref<1x!tpu.dma_semaphore, #tpu.memory_space<semaphore_mem>> -> memref<!tpu.dma_semaphore, #tpu.memory_space<semaphore_mem>>
    %dma_start3A_481 = arith.constant 0 : i32
    %dma_start3A_482 = arith.constant 0 : i32
    %dma_start3A_483 = tpu.memref_slice %arg6[%dma_start3A_471, %dma_start3A_481, %dma_start3A_482] : memref<16x32x128xf32, #tpu.memory_space<vmem>> -> memref<1x32x128xf32, #tpu.memory_space<vmem>>
    %dma_start3A_484 = tpu.memref_squeeze %dma_start3A_483 : memref<1x32x128xf32, #tpu.memory_space<vmem>> -> memref<32x128xf32, #tpu.memory_space<vmem>>
    %dma_start3A_485 = arith.constant 0 : i32
    %dma_start3A_486 = tpu.memref_slice %arg3[%dma_start3A_485, %multiple_of3A_470] : memref<32x1000001xf32, #tpu.memory_space<hbm>> -> memref<32x128xf32, #tpu.memory_space<hbm>>
    tpu.enqueue_dma source(%dma_start3A_486 : memref<32x128xf32, #tpu.memory_space<hbm>>) target(%dma_start3A_484 : memref<32x128xf32, #tpu.memory_space<vmem>>) target_semaphore(%dma_start3A_480 : memref<!tpu.dma_semaphore, #tpu.memory_space<semaphore_mem>>)
    %slice3A_487 = vector.extract_strided_slice %get3A_3 {offsets = [11], sizes = [1], strides = [1]} : vector<16xi32> to vector<1xi32>
    %squeeze3A_488 = vector.extract %slice3A_487[0] : i32 from vector<1xi32>
    %jit3A_489 = arith.constant 128 : i32
    %div3A_490 = arith.divsi %squeeze3A_488, %jit3A_489 : i32
    %sign3A_491 = arith.constant 0 : i32
    %sign3A_492 = arith.cmpi sgt, %squeeze3A_488, %sign3A_491 : i32
    %sign3A_493 = arith.extui %sign3A_492 : i1 to i32
    %sign3A_494 = arith.constant 0 : i32
    %sign3A_495 = arith.cmpi slt, %squeeze3A_488, %sign3A_494 : i32
    %sign3A_496 = arith.extui %sign3A_495 : i1 to i32
    %sign3A_497 = arith.subi %sign3A_493, %sign3A_496 : i32
    %sign3A_498 = arith.constant 0 : i32
    %sign3A_499 = arith.cmpi sgt, %jit3A_489, %sign3A_498 : i32
    %sign3A_500 = arith.extui %sign3A_499 : i1 to i32
    %sign3A_501 = arith.constant 0 : i32
    %sign3A_502 = arith.cmpi slt, %jit3A_489, %sign3A_501 : i32
    %sign3A_503 = arith.extui %sign3A_502 : i1 to i32
    %sign3A_504 = arith.subi %sign3A_500, %sign3A_503 : i32
    %ne3A_505 = arith.cmpi ne, %sign3A_497, %sign3A_504 : i32
    %rem3A_506 = arith.remsi %squeeze3A_488, %jit3A_489 : i32
    %ne3A_507 = arith.constant 0 : i32
    %ne3A_508 = arith.cmpi ne, %rem3A_506, %ne3A_507 : i32
    %and3A_509 = arith.andi %ne3A_505, %ne3A_508 : i1
    %sub3A_510 = arith.constant 1 : i32
    %sub3A_511 = arith.subi %div3A_490, %sub3A_510 : i32
    %select_n3A_512 = arith.select %and3A_509, %sub3A_511, %div3A_490 : i32
    %mul3A_513 = arith.constant 128 : i32
    %mul3A_514 = arith.muli %select_n3A_512, %mul3A_513 : i32
    %multiple_of3A_515 = tpu.assume_multiple %mul3A_514, 128 : i32
    %dma_start3A_516 = arith.constant 11 : i32
    %dma_start3A_517 = arith.constant 11 : i32
    %dma_start3A_518 = arith.constant 0 : i32
    %dma_start3A_519 = arith.constant 0 : i32
    %dma_start3A_520 = tpu.memref_slice %arg6[%dma_start3A_516, %dma_start3A_518, %dma_start3A_519] : memref<16x32x128xf32, #tpu.memory_space<vmem>> -> memref<1x32x128xf32, #tpu.memory_space<vmem>>
    %dma_start3A_521 = tpu.memref_squeeze %dma_start3A_520 : memref<1x32x128xf32, #tpu.memory_space<vmem>> -> memref<32x128xf32, #tpu.memory_space<vmem>>
    %dma_start3A_522 = arith.constant 0 : i32
    %dma_start3A_523 = tpu.memref_slice %arg3[%dma_start3A_522, %multiple_of3A_515] : memref<32x1000001xf32, #tpu.memory_space<hbm>> -> memref<32x128xf32, #tpu.memory_space<hbm>>
    %dma_start3A_524 = tpu.memref_slice %arg8[%dma_start3A_517] : memref<16x!tpu.dma_semaphore, #tpu.memory_space<semaphore_mem>> -> memref<1x!tpu.dma_semaphore, #tpu.memory_space<semaphore_mem>>
    %dma_start3A_525 = tpu.memref_squeeze %dma_start3A_524 : memref<1x!tpu.dma_semaphore, #tpu.memory_space<semaphore_mem>> -> memref<!tpu.dma_semaphore, #tpu.memory_space<semaphore_mem>>
    %dma_start3A_526 = arith.constant 0 : i32
    %dma_start3A_527 = arith.constant 0 : i32
    %dma_start3A_528 = tpu.memref_slice %arg6[%dma_start3A_516, %dma_start3A_526, %dma_start3A_527] : memref<16x32x128xf32, #tpu.memory_space<vmem>> -> memref<1x32x128xf32, #tpu.memory_space<vmem>>
    %dma_start3A_529 = tpu.memref_squeeze %dma_start3A_528 : memref<1x32x128xf32, #tpu.memory_space<vmem>> -> memref<32x128xf32, #tpu.memory_space<vmem>>
    %dma_start3A_530 = arith.constant 0 : i32
    %dma_start3A_531 = tpu.memref_slice %arg3[%dma_start3A_530, %multiple_of3A_515] : memref<32x1000001xf32, #tpu.memory_space<hbm>> -> memref<32x128xf32, #tpu.memory_space<hbm>>
    tpu.enqueue_dma source(%dma_start3A_531 : memref<32x128xf32, #tpu.memory_space<hbm>>) target(%dma_start3A_529 : memref<32x128xf32, #tpu.memory_space<vmem>>) target_semaphore(%dma_start3A_525 : memref<!tpu.dma_semaphore, #tpu.memory_space<semaphore_mem>>)
    %slice3A_532 = vector.extract_strided_slice %get3A_3 {offsets = [12], sizes = [1], strides = [1]} : vector<16xi32> to vector<1xi32>
    %squeeze3A_533 = vector.extract %slice3A_532[0] : i32 from vector<1xi32>
    %jit3A_534 = arith.constant 128 : i32
    %div3A_535 = arith.divsi %squeeze3A_533, %jit3A_534 : i32
    %sign3A_536 = arith.constant 0 : i32
    %sign3A_537 = arith.cmpi sgt, %squeeze3A_533, %sign3A_536 : i32
    %sign3A_538 = arith.extui %sign3A_537 : i1 to i32
    %sign3A_539 = arith.constant 0 : i32
    %sign3A_540 = arith.cmpi slt, %squeeze3A_533, %sign3A_539 : i32
    %sign3A_541 = arith.extui %sign3A_540 : i1 to i32
    %sign3A_542 = arith.subi %sign3A_538, %sign3A_541 : i32
    %sign3A_543 = arith.constant 0 : i32
    %sign3A_544 = arith.cmpi sgt, %jit3A_534, %sign3A_543 : i32
    %sign3A_545 = arith.extui %sign3A_544 : i1 to i32
    %sign3A_546 = arith.constant 0 : i32
    %sign3A_547 = arith.cmpi slt, %jit3A_534, %sign3A_546 : i32
    %sign3A_548 = arith.extui %sign3A_547 : i1 to i32
    %sign3A_549 = arith.subi %sign3A_545, %sign3A_548 : i32
    %ne3A_550 = arith.cmpi ne, %sign3A_542, %sign3A_549 : i32
    %rem3A_551 = arith.remsi %squeeze3A_533, %jit3A_534 : i32
    %ne3A_552 = arith.constant 0 : i32
    %ne3A_553 = arith.cmpi ne, %rem3A_551, %ne3A_552 : i32
    %and3A_554 = arith.andi %ne3A_550, %ne3A_553 : i1
    %sub3A_555 = arith.constant 1 : i32
    %sub3A_556 = arith.subi %div3A_535, %sub3A_555 : i32
    %select_n3A_557 = arith.select %and3A_554, %sub3A_556, %div3A_535 : i32
    %mul3A_558 = arith.constant 128 : i32
    %mul3A_559 = arith.muli %select_n3A_557, %mul3A_558 : i32
    %multiple_of3A_560 = tpu.assume_multiple %mul3A_559, 128 : i32
    %dma_start3A_561 = arith.constant 12 : i32
    %dma_start3A_562 = arith.constant 12 : i32
    %dma_start3A_563 = arith.constant 0 : i32
    %dma_start3A_564 = arith.constant 0 : i32
    %dma_start3A_565 = tpu.memref_slice %arg6[%dma_start3A_561, %dma_start3A_563, %dma_start3A_564] : memref<16x32x128xf32, #tpu.memory_space<vmem>> -> memref<1x32x128xf32, #tpu.memory_space<vmem>>
    %dma_start3A_566 = tpu.memref_squeeze %dma_start3A_565 : memref<1x32x128xf32, #tpu.memory_space<vmem>> -> memref<32x128xf32, #tpu.memory_space<vmem>>
    %dma_start3A_567 = arith.constant 0 : i32
    %dma_start3A_568 = tpu.memref_slice %arg3[%dma_start3A_567, %multiple_of3A_560] : memref<32x1000001xf32, #tpu.memory_space<hbm>> -> memref<32x128xf32, #tpu.memory_space<hbm>>
    %dma_start3A_569 = tpu.memref_slice %arg8[%dma_start3A_562] : memref<16x!tpu.dma_semaphore, #tpu.memory_space<semaphore_mem>> -> memref<1x!tpu.dma_semaphore, #tpu.memory_space<semaphore_mem>>
    %dma_start3A_570 = tpu.memref_squeeze %dma_start3A_569 : memref<1x!tpu.dma_semaphore, #tpu.memory_space<semaphore_mem>> -> memref<!tpu.dma_semaphore, #tpu.memory_space<semaphore_mem>>
    %dma_start3A_571 = arith.constant 0 : i32
    %dma_start3A_572 = arith.constant 0 : i32
    %dma_start3A_573 = tpu.memref_slice %arg6[%dma_start3A_561, %dma_start3A_571, %dma_start3A_572] : memref<16x32x128xf32, #tpu.memory_space<vmem>> -> memref<1x32x128xf32, #tpu.memory_space<vmem>>
    %dma_start3A_574 = tpu.memref_squeeze %dma_start3A_573 : memref<1x32x128xf32, #tpu.memory_space<vmem>> -> memref<32x128xf32, #tpu.memory_space<vmem>>
    %dma_start3A_575 = arith.constant 0 : i32
    %dma_start3A_576 = tpu.memref_slice %arg3[%dma_start3A_575, %multiple_of3A_560] : memref<32x1000001xf32, #tpu.memory_space<hbm>> -> memref<32x128xf32, #tpu.memory_space<hbm>>
    tpu.enqueue_dma source(%dma_start3A_576 : memref<32x128xf32, #tpu.memory_space<hbm>>) target(%dma_start3A_574 : memref<32x128xf32, #tpu.memory_space<vmem>>) target_semaphore(%dma_start3A_570 : memref<!tpu.dma_semaphore, #tpu.memory_space<semaphore_mem>>)
    %slice3A_577 = vector.extract_strided_slice %get3A_3 {offsets = [13], sizes = [1], strides = [1]} : vector<16xi32> to vector<1xi32>
    %squeeze3A_578 = vector.extract %slice3A_577[0] : i32 from vector<1xi32>
    %jit3A_579 = arith.constant 128 : i32
    %div3A_580 = arith.divsi %squeeze3A_578, %jit3A_579 : i32
    %sign3A_581 = arith.constant 0 : i32
    %sign3A_582 = arith.cmpi sgt, %squeeze3A_578, %sign3A_581 : i32
    %sign3A_583 = arith.extui %sign3A_582 : i1 to i32
    %sign3A_584 = arith.constant 0 : i32
    %sign3A_585 = arith.cmpi slt, %squeeze3A_578, %sign3A_584 : i32
    %sign3A_586 = arith.extui %sign3A_585 : i1 to i32
    %sign3A_587 = arith.subi %sign3A_583, %sign3A_586 : i32
    %sign3A_588 = arith.constant 0 : i32
    %sign3A_589 = arith.cmpi sgt, %jit3A_579, %sign3A_588 : i32
    %sign3A_590 = arith.extui %sign3A_589 : i1 to i32
    %sign3A_591 = arith.constant 0 : i32
    %sign3A_592 = arith.cmpi slt, %jit3A_579, %sign3A_591 : i32
    %sign3A_593 = arith.extui %sign3A_592 : i1 to i32
    %sign3A_594 = arith.subi %sign3A_590, %sign3A_593 : i32
    %ne3A_595 = arith.cmpi ne, %sign3A_587, %sign3A_594 : i32
    %rem3A_596 = arith.remsi %squeeze3A_578, %jit3A_579 : i32
    %ne3A_597 = arith.constant 0 : i32
    %ne3A_598 = arith.cmpi ne, %rem3A_596, %ne3A_597 : i32
    %and3A_599 = arith.andi %ne3A_595, %ne3A_598 : i1
    %sub3A_600 = arith.constant 1 : i32
    %sub3A_601 = arith.subi %div3A_580, %sub3A_600 : i32
    %select_n3A_602 = arith.select %and3A_599, %sub3A_601, %div3A_580 : i32
    %mul3A_603 = arith.constant 128 : i32
    %mul3A_604 = arith.muli %select_n3A_602, %mul3A_603 : i32
    %multiple_of3A_605 = tpu.assume_multiple %mul3A_604, 128 : i32
    %dma_start3A_606 = arith.constant 13 : i32
    %dma_start3A_607 = arith.constant 13 : i32
    %dma_start3A_608 = arith.constant 0 : i32
    %dma_start3A_609 = arith.constant 0 : i32
    %dma_start3A_610 = tpu.memref_slice %arg6[%dma_start3A_606, %dma_start3A_608, %dma_start3A_609] : memref<16x32x128xf32, #tpu.memory_space<vmem>> -> memref<1x32x128xf32, #tpu.memory_space<vmem>>
    %dma_start3A_611 = tpu.memref_squeeze %dma_start3A_610 : memref<1x32x128xf32, #tpu.memory_space<vmem>> -> memref<32x128xf32, #tpu.memory_space<vmem>>
    %dma_start3A_612 = arith.constant 0 : i32
    %dma_start3A_613 = tpu.memref_slice %arg3[%dma_start3A_612, %multiple_of3A_605] : memref<32x1000001xf32, #tpu.memory_space<hbm>> -> memref<32x128xf32, #tpu.memory_space<hbm>>
    %dma_start3A_614 = tpu.memref_slice %arg8[%dma_start3A_607] : memref<16x!tpu.dma_semaphore, #tpu.memory_space<semaphore_mem>> -> memref<1x!tpu.dma_semaphore, #tpu.memory_space<semaphore_mem>>
    %dma_start3A_615 = tpu.memref_squeeze %dma_start3A_614 : memref<1x!tpu.dma_semaphore, #tpu.memory_space<semaphore_mem>> -> memref<!tpu.dma_semaphore, #tpu.memory_space<semaphore_mem>>
    %dma_start3A_616 = arith.constant 0 : i32
    %dma_start3A_617 = arith.constant 0 : i32
    %dma_start3A_618 = tpu.memref_slice %arg6[%dma_start3A_606, %dma_start3A_616, %dma_start3A_617] : memref<16x32x128xf32, #tpu.memory_space<vmem>> -> memref<1x32x128xf32, #tpu.memory_space<vmem>>
    %dma_start3A_619 = tpu.memref_squeeze %dma_start3A_618 : memref<1x32x128xf32, #tpu.memory_space<vmem>> -> memref<32x128xf32, #tpu.memory_space<vmem>>
    %dma_start3A_620 = arith.constant 0 : i32
    %dma_start3A_621 = tpu.memref_slice %arg3[%dma_start3A_620, %multiple_of3A_605] : memref<32x1000001xf32, #tpu.memory_space<hbm>> -> memref<32x128xf32, #tpu.memory_space<hbm>>
    tpu.enqueue_dma source(%dma_start3A_621 : memref<32x128xf32, #tpu.memory_space<hbm>>) target(%dma_start3A_619 : memref<32x128xf32, #tpu.memory_space<vmem>>) target_semaphore(%dma_start3A_615 : memref<!tpu.dma_semaphore, #tpu.memory_space<semaphore_mem>>)
    %slice3A_622 = vector.extract_strided_slice %get3A_3 {offsets = [14], sizes = [1], strides = [1]} : vector<16xi32> to vector<1xi32>
    %squeeze3A_623 = vector.extract %slice3A_622[0] : i32 from vector<1xi32>
    %jit3A_624 = arith.constant 128 : i32
    %div3A_625 = arith.divsi %squeeze3A_623, %jit3A_624 : i32
    %sign3A_626 = arith.constant 0 : i32
    %sign3A_627 = arith.cmpi sgt, %squeeze3A_623, %sign3A_626 : i32
    %sign3A_628 = arith.extui %sign3A_627 : i1 to i32
    %sign3A_629 = arith.constant 0 : i32
    %sign3A_630 = arith.cmpi slt, %squeeze3A_623, %sign3A_629 : i32
    %sign3A_631 = arith.extui %sign3A_630 : i1 to i32
    %sign3A_632 = arith.subi %sign3A_628, %sign3A_631 : i32
    %sign3A_633 = arith.constant 0 : i32
    %sign3A_634 = arith.cmpi sgt, %jit3A_624, %sign3A_633 : i32
    %sign3A_635 = arith.extui %sign3A_634 : i1 to i32
    %sign3A_636 = arith.constant 0 : i32
    %sign3A_637 = arith.cmpi slt, %jit3A_624, %sign3A_636 : i32
    %sign3A_638 = arith.extui %sign3A_637 : i1 to i32
    %sign3A_639 = arith.subi %sign3A_635, %sign3A_638 : i32
    %ne3A_640 = arith.cmpi ne, %sign3A_632, %sign3A_639 : i32
    %rem3A_641 = arith.remsi %squeeze3A_623, %jit3A_624 : i32
    %ne3A_642 = arith.constant 0 : i32
    %ne3A_643 = arith.cmpi ne, %rem3A_641, %ne3A_642 : i32
    %and3A_644 = arith.andi %ne3A_640, %ne3A_643 : i1
    %sub3A_645 = arith.constant 1 : i32
    %sub3A_646 = arith.subi %div3A_625, %sub3A_645 : i32
    %select_n3A_647 = arith.select %and3A_644, %sub3A_646, %div3A_625 : i32
    %mul3A_648 = arith.constant 128 : i32
    %mul3A_649 = arith.muli %select_n3A_647, %mul3A_648 : i32
    %multiple_of3A_650 = tpu.assume_multiple %mul3A_649, 128 : i32
    %dma_start3A_651 = arith.constant 14 : i32
    %dma_start3A_652 = arith.constant 14 : i32
    %dma_start3A_653 = arith.constant 0 : i32
    %dma_start3A_654 = arith.constant 0 : i32
    %dma_start3A_655 = tpu.memref_slice %arg6[%dma_start3A_651, %dma_start3A_653, %dma_start3A_654] : memref<16x32x128xf32, #tpu.memory_space<vmem>> -> memref<1x32x128xf32, #tpu.memory_space<vmem>>
    %dma_start3A_656 = tpu.memref_squeeze %dma_start3A_655 : memref<1x32x128xf32, #tpu.memory_space<vmem>> -> memref<32x128xf32, #tpu.memory_space<vmem>>
    %dma_start3A_657 = arith.constant 0 : i32
    %dma_start3A_658 = tpu.memref_slice %arg3[%dma_start3A_657, %multiple_of3A_650] : memref<32x1000001xf32, #tpu.memory_space<hbm>> -> memref<32x128xf32, #tpu.memory_space<hbm>>
    %dma_start3A_659 = tpu.memref_slice %arg8[%dma_start3A_652] : memref<16x!tpu.dma_semaphore, #tpu.memory_space<semaphore_mem>> -> memref<1x!tpu.dma_semaphore, #tpu.memory_space<semaphore_mem>>
    %dma_start3A_660 = tpu.memref_squeeze %dma_start3A_659 : memref<1x!tpu.dma_semaphore, #tpu.memory_space<semaphore_mem>> -> memref<!tpu.dma_semaphore, #tpu.memory_space<semaphore_mem>>
    %dma_start3A_661 = arith.constant 0 : i32
    %dma_start3A_662 = arith.constant 0 : i32
    %dma_start3A_663 = tpu.memref_slice %arg6[%dma_start3A_651, %dma_start3A_661, %dma_start3A_662] : memref<16x32x128xf32, #tpu.memory_space<vmem>> -> memref<1x32x128xf32, #tpu.memory_space<vmem>>
    %dma_start3A_664 = tpu.memref_squeeze %dma_start3A_663 : memref<1x32x128xf32, #tpu.memory_space<vmem>> -> memref<32x128xf32, #tpu.memory_space<vmem>>
    %dma_start3A_665 = arith.constant 0 : i32
    %dma_start3A_666 = tpu.memref_slice %arg3[%dma_start3A_665, %multiple_of3A_650] : memref<32x1000001xf32, #tpu.memory_space<hbm>> -> memref<32x128xf32, #tpu.memory_space<hbm>>
    tpu.enqueue_dma source(%dma_start3A_666 : memref<32x128xf32, #tpu.memory_space<hbm>>) target(%dma_start3A_664 : memref<32x128xf32, #tpu.memory_space<vmem>>) target_semaphore(%dma_start3A_660 : memref<!tpu.dma_semaphore, #tpu.memory_space<semaphore_mem>>)
    %slice3A_667 = vector.extract_strided_slice %get3A_3 {offsets = [15], sizes = [1], strides = [1]} : vector<16xi32> to vector<1xi32>
    %squeeze3A_668 = vector.extract %slice3A_667[0] : i32 from vector<1xi32>
    %jit3A_669 = arith.constant 128 : i32
    %div3A_670 = arith.divsi %squeeze3A_668, %jit3A_669 : i32
    %sign3A_671 = arith.constant 0 : i32
    %sign3A_672 = arith.cmpi sgt, %squeeze3A_668, %sign3A_671 : i32
    %sign3A_673 = arith.extui %sign3A_672 : i1 to i32
    %sign3A_674 = arith.constant 0 : i32
    %sign3A_675 = arith.cmpi slt, %squeeze3A_668, %sign3A_674 : i32
    %sign3A_676 = arith.extui %sign3A_675 : i1 to i32
    %sign3A_677 = arith.subi %sign3A_673, %sign3A_676 : i32
    %sign3A_678 = arith.constant 0 : i32
    %sign3A_679 = arith.cmpi sgt, %jit3A_669, %sign3A_678 : i32
    %sign3A_680 = arith.extui %sign3A_679 : i1 to i32
    %sign3A_681 = arith.constant 0 : i32
    %sign3A_682 = arith.cmpi slt, %jit3A_669, %sign3A_681 : i32
    %sign3A_683 = arith.extui %sign3A_682 : i1 to i32
    %sign3A_684 = arith.subi %sign3A_680, %sign3A_683 : i32
    %ne3A_685 = arith.cmpi ne, %sign3A_677, %sign3A_684 : i32
    %rem3A_686 = arith.remsi %squeeze3A_668, %jit3A_669 : i32
    %ne3A_687 = arith.constant 0 : i32
    %ne3A_688 = arith.cmpi ne, %rem3A_686, %ne3A_687 : i32
    %and3A_689 = arith.andi %ne3A_685, %ne3A_688 : i1
    %sub3A_690 = arith.constant 1 : i32
    %sub3A_691 = arith.subi %div3A_670, %sub3A_690 : i32
    %select_n3A_692 = arith.select %and3A_689, %sub3A_691, %div3A_670 : i32
    %mul3A_693 = arith.constant 128 : i32
    %mul3A_694 = arith.muli %select_n3A_692, %mul3A_693 : i32
    %multiple_of3A_695 = tpu.assume_multiple %mul3A_694, 128 : i32
    %dma_start3A_696 = arith.constant 15 : i32
    %dma_start3A_697 = arith.constant 15 : i32
    %dma_start3A_698 = arith.constant 0 : i32
    %dma_start3A_699 = arith.constant 0 : i32
    %dma_start3A_700 = tpu.memref_slice %arg6[%dma_start3A_696, %dma_start3A_698, %dma_start3A_699] : memref<16x32x128xf32, #tpu.memory_space<vmem>> -> memref<1x32x128xf32, #tpu.memory_space<vmem>>
    %dma_start3A_701 = tpu.memref_squeeze %dma_start3A_700 : memref<1x32x128xf32, #tpu.memory_space<vmem>> -> memref<32x128xf32, #tpu.memory_space<vmem>>
    %dma_start3A_702 = arith.constant 0 : i32
    %dma_start3A_703 = tpu.memref_slice %arg3[%dma_start3A_702, %multiple_of3A_695] : memref<32x1000001xf32, #tpu.memory_space<hbm>> -> memref<32x128xf32, #tpu.memory_space<hbm>>
    %dma_start3A_704 = tpu.memref_slice %arg8[%dma_start3A_697] : memref<16x!tpu.dma_semaphore, #tpu.memory_space<semaphore_mem>> -> memref<1x!tpu.dma_semaphore, #tpu.memory_space<semaphore_mem>>
    %dma_start3A_705 = tpu.memref_squeeze %dma_start3A_704 : memref<1x!tpu.dma_semaphore, #tpu.memory_space<semaphore_mem>> -> memref<!tpu.dma_semaphore, #tpu.memory_space<semaphore_mem>>
    %dma_start3A_706 = arith.constant 0 : i32
    %dma_start3A_707 = arith.constant 0 : i32
    %dma_start3A_708 = tpu.memref_slice %arg6[%dma_start3A_696, %dma_start3A_706, %dma_start3A_707] : memref<16x32x128xf32, #tpu.memory_space<vmem>> -> memref<1x32x128xf32, #tpu.memory_space<vmem>>
    %dma_start3A_709 = tpu.memref_squeeze %dma_start3A_708 : memref<1x32x128xf32, #tpu.memory_space<vmem>> -> memref<32x128xf32, #tpu.memory_space<vmem>>
    %dma_start3A_710 = arith.constant 0 : i32
    %dma_start3A_711 = tpu.memref_slice %arg3[%dma_start3A_710, %multiple_of3A_695] : memref<32x1000001xf32, #tpu.memory_space<hbm>> -> memref<32x128xf32, #tpu.memory_space<hbm>>
    tpu.enqueue_dma source(%dma_start3A_711 : memref<32x128xf32, #tpu.memory_space<hbm>>) target(%dma_start3A_709 : memref<32x128xf32, #tpu.memory_space<vmem>>) target_semaphore(%dma_start3A_705 : memref<!tpu.dma_semaphore, #tpu.memory_space<semaphore_mem>>)
    %iota3A = tpu.iota {dimensions = array<i32: 0>} : vector<16xi32>
    %scan3A = arith.constant 0 : i32
    %scan3A_712 = arith.constant 0 : i32
    %scan3A_713 = arith.constant 32 : i32
    %scan3A_714 = arith.addi %scan3A_712, %scan3A_713 : i32
    %scan3A_715 = arith.constant 1 : i32
    scf.for %scan3A_717 = %scan3A_712 to %scan3A_714 step %scan3A_715  : i32 {
      %mul3A_718 = arith.constant 16 : i32
      %mul3A_719 = arith.muli %scan3A_717, %mul3A_718 : i32
      %get3A_720 = arith.index_cast %mul3A_719 : i32 to index
      %get3A_721 = tpu.vector_load %arg5[%get3A_720] {strides = array<i32>} : memref<528xi32, #tpu.memory_space<vmem>>, vector<16xi32>,
      %add3A_722 = arith.constant 16 : i32
      %add3A_723 = arith.addi %mul3A_719, %add3A_722 : i32
      %get3A_724 = arith.index_cast %add3A_723 : i32 to index
      %get3A_725 = tpu.vector_load %arg5[%get3A_724] {strides = array<i32>} : memref<528xi32, #tpu.memory_space<vmem>>, vector<16xi32>,
      %dma_wait3A = arith.constant 0 : i32
      %dma_wait3A_726 = arith.constant 0 : i32
      %dma_wait3A_727 = arith.constant 0 : i32
      %dma_wait3A_728 = arith.constant 0 : i32
      %dma_wait3A_729 = tpu.memref_slice %arg6[%dma_wait3A, %dma_wait3A_727, %dma_wait3A_728] : memref<16x32x128xf32, #tpu.memory_space<vmem>> -> memref<1x32x128xf32, #tpu.memory_space<vmem>>
      %dma_wait3A_730 = tpu.memref_squeeze %dma_wait3A_729 : memref<1x32x128xf32, #tpu.memory_space<vmem>> -> memref<32x128xf32, #tpu.memory_space<vmem>>
      %dma_wait3A_731 = arith.constant 0 : i32
      %dma_wait3A_732 = arith.constant 0 : i32
      %dma_wait3A_733 = tpu.memref_slice %arg3[%dma_wait3A_731, %dma_wait3A_732] : memref<32x1000001xf32, #tpu.memory_space<hbm>> -> memref<32x128xf32, #tpu.memory_space<hbm>>
      %dma_wait3A_734 = tpu.memref_slice %arg8[%dma_wait3A_726] : memref<16x!tpu.dma_semaphore, #tpu.memory_space<semaphore_mem>> -> memref<1x!tpu.dma_semaphore, #tpu.memory_space<semaphore_mem>>
      %dma_wait3A_735 = tpu.memref_squeeze %dma_wait3A_734 : memref<1x!tpu.dma_semaphore, #tpu.memory_space<semaphore_mem>> -> memref<!tpu.dma_semaphore, #tpu.memory_space<semaphore_mem>>
      %dma_wait3A_736 = arith.constant 0 : i32
      %dma_wait3A_737 = arith.constant 0 : i32
      %dma_wait3A_738 = tpu.memref_slice %arg6[%dma_wait3A, %dma_wait3A_736, %dma_wait3A_737] : memref<16x32x128xf32, #tpu.memory_space<vmem>> -> memref<1x32x128xf32, #tpu.memory_space<vmem>>
      %dma_wait3A_739 = tpu.memref_squeeze %dma_wait3A_738 : memref<1x32x128xf32, #tpu.memory_space<vmem>> -> memref<32x128xf32, #tpu.memory_space<vmem>>
      %dma_wait3A_740 = arith.constant 0 : i32
      %dma_wait3A_741 = arith.constant 0 : i32
      %dma_wait3A_742 = tpu.memref_slice %arg3[%dma_wait3A_740, %dma_wait3A_741] : memref<32x1000001xf32, #tpu.memory_space<hbm>> -> memref<32x128xf32, #tpu.memory_space<hbm>>
      tpu.wait_dma2 semaphore(%dma_wait3A_735 : memref<!tpu.dma_semaphore, #tpu.memory_space<semaphore_mem>>) src(%dma_wait3A_742 : memref<32x128xf32, #tpu.memory_space<hbm>>) dst(%dma_wait3A_739 : memref<32x128xf32, #tpu.memory_space<vmem>>)
      %slice3A_743 = vector.extract_strided_slice %get3A_721 {offsets = [0], sizes = [1], strides = [1]} : vector<16xi32> to vector<1xi32>
      %squeeze3A_744 = vector.extract %slice3A_743[0] : i32 from vector<1xi32>
      %rem3A_745 = arith.constant 128 : i32
      %rem3A_746 = arith.remsi %squeeze3A_744, %rem3A_745 : i32
      %broadcast_in_dim3A = vector.broadcast %rem3A_746 : i32 to vector<16xi32>
      %add3A_747 = arith.constant 0 : i32
      %add3A_748 = arith.addi %mul3A_719, %add3A_747 : i32
      %broadcast_in_dim3A_749 = vector.broadcast %add3A_748 : i32 to vector<16xi32>
      %add3A_750 = arith.constant 0 : i32
      %add3A_751 = vector.broadcast %add3A_750 : i32 to vector<16xi32>
      %add3A_752 = arith.addi %iota3A, %add3A_751 : vector<16xi32>
      %gather3A = arith.constant 0 : i32
      %gather3A_753 = arith.constant 0 : i32
      %gather3A_754 = arith.constant 0 : i32
      %gather3A_755 = tpu.memref_slice %arg6[%gather3A, %gather3A_753, %gather3A_754] : memref<16x32x128xf32, #tpu.memory_space<vmem>> -> memref<1x32x128xf32, #tpu.memory_space<vmem>>
      %gather3A_756 = tpu.memref_squeeze %gather3A_755 : memref<1x32x128xf32, #tpu.memory_space<vmem>> -> memref<32x128xf32, #tpu.memory_space<vmem>>
      %gather3A_757 = tpu.vector_load_idx %gather3A_756[%add3A_752, %broadcast_in_dim3A] : memref<32x128xf32, #tpu.memory_space<vmem>>[vector<16xi32>, vector<16xi32>], vector<16xf32>,
      tpu.vector_store_idx %arg7[%add3A_752, %broadcast_in_dim3A_749], %gather3A_757 : memref<32x512xf32, #tpu.memory_space<vmem>>[vector<16xi32>, vector<16xi32>], vector<16xf32>,
      %add3A_758 = arith.constant 16 : i32
      %add3A_759 = vector.broadcast %add3A_758 : i32 to vector<16xi32>
      %add3A_760 = arith.addi %iota3A, %add3A_759 : vector<16xi32>
      %gather3A_761 = arith.constant 0 : i32
      %gather3A_762 = arith.constant 0 : i32
      %gather3A_763 = arith.constant 0 : i32
      %gather3A_764 = tpu.memref_slice %arg6[%gather3A_761, %gather3A_762, %gather3A_763] : memref<16x32x128xf32, #tpu.memory_space<vmem>> -> memref<1x32x128xf32, #tpu.memory_space<vmem>>
      %gather3A_765 = tpu.memref_squeeze %gather3A_764 : memref<1x32x128xf32, #tpu.memory_space<vmem>> -> memref<32x128xf32, #tpu.memory_space<vmem>>
      %gather3A_766 = tpu.vector_load_idx %gather3A_765[%add3A_760, %broadcast_in_dim3A] : memref<32x128xf32, #tpu.memory_space<vmem>>[vector<16xi32>, vector<16xi32>], vector<16xf32>,
      tpu.vector_store_idx %arg7[%add3A_760, %broadcast_in_dim3A_749], %gather3A_766 : memref<32x512xf32, #tpu.memory_space<vmem>>[vector<16xi32>, vector<16xi32>], vector<16xf32>,
      %add3A_767 = arith.constant 1 : i32
      %add3A_768 = arith.addi %scan3A_717, %add3A_767 : i32
      %lt3A = arith.constant 32 : i32
      %lt3A_769 = arith.cmpi slt, %add3A_768, %lt3A : i32
      %convert_element_type3A = arith.extui %lt3A_769 : i1 to i32
      %cond3A = arith.constant 0 : i32
      %cond3A_770 = arith.cmpi ne, %convert_element_type3A, %cond3A : i32
      scf.if %cond3A_770 {
        %slice3A_1536 = vector.extract_strided_slice %get3A_725 {offsets = [0], sizes = [1], strides = [1]} : vector<16xi32> to vector<1xi32>
        %squeeze3A_1537 = vector.extract %slice3A_1536[0] : i32 from vector<1xi32>
        %jit3A_1538 = arith.constant 128 : i32
        %div3A_1539 = arith.divsi %squeeze3A_1537, %jit3A_1538 : i32
        %sign3A_1540 = arith.constant 0 : i32
        %sign3A_1541 = arith.cmpi sgt, %squeeze3A_1537, %sign3A_1540 : i32
        %sign3A_1542 = arith.extui %sign3A_1541 : i1 to i32
        %sign3A_1543 = arith.constant 0 : i32
        %sign3A_1544 = arith.cmpi slt, %squeeze3A_1537, %sign3A_1543 : i32
        %sign3A_1545 = arith.extui %sign3A_1544 : i1 to i32
        %sign3A_1546 = arith.subi %sign3A_1542, %sign3A_1545 : i32
        %sign3A_1547 = arith.constant 0 : i32
        %sign3A_1548 = arith.cmpi sgt, %jit3A_1538, %sign3A_1547 : i32
        %sign3A_1549 = arith.extui %sign3A_1548 : i1 to i32
        %sign3A_1550 = arith.constant 0 : i32
        %sign3A_1551 = arith.cmpi slt, %jit3A_1538, %sign3A_1550 : i32
        %sign3A_1552 = arith.extui %sign3A_1551 : i1 to i32
        %sign3A_1553 = arith.subi %sign3A_1549, %sign3A_1552 : i32
        %ne3A_1554 = arith.cmpi ne, %sign3A_1546, %sign3A_1553 : i32
        %rem3A_1555 = arith.remsi %squeeze3A_1537, %jit3A_1538 : i32
        %ne3A_1556 = arith.constant 0 : i32
        %ne3A_1557 = arith.cmpi ne, %rem3A_1555, %ne3A_1556 : i32
        %and3A_1558 = arith.andi %ne3A_1554, %ne3A_1557 : i1
        %sub3A_1559 = arith.constant 1 : i32
        %sub3A_1560 = arith.subi %div3A_1539, %sub3A_1559 : i32
        %select_n3A_1561 = arith.select %and3A_1558, %sub3A_1560, %div3A_1539 : i32
        %mul3A_1562 = arith.constant 128 : i32
        %mul3A_1563 = arith.muli %select_n3A_1561, %mul3A_1562 : i32
        %multiple_of3A_1564 = tpu.assume_multiple %mul3A_1563, 128 : i32
        %dma_start3A_1565 = arith.constant 0 : i32
        %dma_start3A_1566 = arith.constant 0 : i32
        %dma_start3A_1567 = arith.constant 0 : i32
        %dma_start3A_1568 = arith.constant 0 : i32
        %dma_start3A_1569 = tpu.memref_slice %arg6[%dma_start3A_1565, %dma_start3A_1567, %dma_start3A_1568] : memref<16x32x128xf32, #tpu.memory_space<vmem>> -> memref<1x32x128xf32, #tpu.memory_space<vmem>>
        %dma_start3A_1570 = tpu.memref_squeeze %dma_start3A_1569 : memref<1x32x128xf32, #tpu.memory_space<vmem>> -> memref<32x128xf32, #tpu.memory_space<vmem>>
        %dma_start3A_1571 = arith.constant 0 : i32
        %dma_start3A_1572 = tpu.memref_slice %arg3[%dma_start3A_1571, %multiple_of3A_1564] : memref<32x1000001xf32, #tpu.memory_space<hbm>> -> memref<32x128xf32, #tpu.memory_space<hbm>>
        %dma_start3A_1573 = tpu.memref_slice %arg8[%dma_start3A_1566] : memref<16x!tpu.dma_semaphore, #tpu.memory_space<semaphore_mem>> -> memref<1x!tpu.dma_semaphore, #tpu.memory_space<semaphore_mem>>
        %dma_start3A_1574 = tpu.memref_squeeze %dma_start3A_1573 : memref<1x!tpu.dma_semaphore, #tpu.memory_space<semaphore_mem>> -> memref<!tpu.dma_semaphore, #tpu.memory_space<semaphore_mem>>
        %dma_start3A_1575 = arith.constant 0 : i32
        %dma_start3A_1576 = arith.constant 0 : i32
        %dma_start3A_1577 = tpu.memref_slice %arg6[%dma_start3A_1565, %dma_start3A_1575, %dma_start3A_1576] : memref<16x32x128xf32, #tpu.memory_space<vmem>> -> memref<1x32x128xf32, #tpu.memory_space<vmem>>
        %dma_start3A_1578 = tpu.memref_squeeze %dma_start3A_1577 : memref<1x32x128xf32, #tpu.memory_space<vmem>> -> memref<32x128xf32, #tpu.memory_space<vmem>>
        %dma_start3A_1579 = arith.constant 0 : i32
        %dma_start3A_1580 = tpu.memref_slice %arg3[%dma_start3A_1579, %multiple_of3A_1564] : memref<32x1000001xf32, #tpu.memory_space<hbm>> -> memref<32x128xf32, #tpu.memory_space<hbm>>
        tpu.enqueue_dma source(%dma_start3A_1580 : memref<32x128xf32, #tpu.memory_space<hbm>>) target(%dma_start3A_1578 : memref<32x128xf32, #tpu.memory_space<vmem>>) target_semaphore(%dma_start3A_1574 : memref<!tpu.dma_semaphore, #tpu.memory_space<semaphore_mem>>)
      } else {
      }
      %dma_wait3A_771 = arith.constant 1 : i32
      %dma_wait3A_772 = arith.constant 1 : i32
      %dma_wait3A_773 = arith.constant 0 : i32
      %dma_wait3A_774 = arith.constant 0 : i32
      %dma_wait3A_775 = tpu.memref_slice %arg6[%dma_wait3A_771, %dma_wait3A_773, %dma_wait3A_774] : memref<16x32x128xf32, #tpu.memory_space<vmem>> -> memref<1x32x128xf32, #tpu.memory_space<vmem>>
      %dma_wait3A_776 = tpu.memref_squeeze %dma_wait3A_775 : memref<1x32x128xf32, #tpu.memory_space<vmem>> -> memref<32x128xf32, #tpu.memory_space<vmem>>
      %dma_wait3A_777 = arith.constant 0 : i32
      %dma_wait3A_778 = arith.constant 0 : i32
      %dma_wait3A_779 = tpu.memref_slice %arg3[%dma_wait3A_777, %dma_wait3A_778] : memref<32x1000001xf32, #tpu.memory_space<hbm>> -> memref<32x128xf32, #tpu.memory_space<hbm>>
      %dma_wait3A_780 = tpu.memref_slice %arg8[%dma_wait3A_772] : memref<16x!tpu.dma_semaphore, #tpu.memory_space<semaphore_mem>> -> memref<1x!tpu.dma_semaphore, #tpu.memory_space<semaphore_mem>>
      %dma_wait3A_781 = tpu.memref_squeeze %dma_wait3A_780 : memref<1x!tpu.dma_semaphore, #tpu.memory_space<semaphore_mem>> -> memref<!tpu.dma_semaphore, #tpu.memory_space<semaphore_mem>>
      %dma_wait3A_782 = arith.constant 0 : i32
      %dma_wait3A_783 = arith.constant 0 : i32
      %dma_wait3A_784 = tpu.memref_slice %arg6[%dma_wait3A_771, %dma_wait3A_782, %dma_wait3A_783] : memref<16x32x128xf32, #tpu.memory_space<vmem>> -> memref<1x32x128xf32, #tpu.memory_space<vmem>>
      %dma_wait3A_785 = tpu.memref_squeeze %dma_wait3A_784 : memref<1x32x128xf32, #tpu.memory_space<vmem>> -> memref<32x128xf32, #tpu.memory_space<vmem>>
      %dma_wait3A_786 = arith.constant 0 : i32
      %dma_wait3A_787 = arith.constant 0 : i32
      %dma_wait3A_788 = tpu.memref_slice %arg3[%dma_wait3A_786, %dma_wait3A_787] : memref<32x1000001xf32, #tpu.memory_space<hbm>> -> memref<32x128xf32, #tpu.memory_space<hbm>>
      tpu.wait_dma2 semaphore(%dma_wait3A_781 : memref<!tpu.dma_semaphore, #tpu.memory_space<semaphore_mem>>) src(%dma_wait3A_788 : memref<32x128xf32, #tpu.memory_space<hbm>>) dst(%dma_wait3A_785 : memref<32x128xf32, #tpu.memory_space<vmem>>)
      %slice3A_789 = vector.extract_strided_slice %get3A_721 {offsets = [1], sizes = [1], strides = [1]} : vector<16xi32> to vector<1xi32>
      %squeeze3A_790 = vector.extract %slice3A_789[0] : i32 from vector<1xi32>
      %rem3A_791 = arith.constant 128 : i32
      %rem3A_792 = arith.remsi %squeeze3A_790, %rem3A_791 : i32
      %broadcast_in_dim3A_793 = vector.broadcast %rem3A_792 : i32 to vector<16xi32>
      %add3A_794 = arith.constant 1 : i32
      %add3A_795 = arith.addi %mul3A_719, %add3A_794 : i32
      %broadcast_in_dim3A_796 = vector.broadcast %add3A_795 : i32 to vector<16xi32>
      %add3A_797 = arith.constant 0 : i32
      %add3A_798 = vector.broadcast %add3A_797 : i32 to vector<16xi32>
      %add3A_799 = arith.addi %iota3A, %add3A_798 : vector<16xi32>
      %gather3A_800 = arith.constant 1 : i32
      %gather3A_801 = arith.constant 0 : i32
      %gather3A_802 = arith.constant 0 : i32
      %gather3A_803 = tpu.memref_slice %arg6[%gather3A_800, %gather3A_801, %gather3A_802] : memref<16x32x128xf32, #tpu.memory_space<vmem>> -> memref<1x32x128xf32, #tpu.memory_space<vmem>>
      %gather3A_804 = tpu.memref_squeeze %gather3A_803 : memref<1x32x128xf32, #tpu.memory_space<vmem>> -> memref<32x128xf32, #tpu.memory_space<vmem>>
      %gather3A_805 = tpu.vector_load_idx %gather3A_804[%add3A_799, %broadcast_in_dim3A_793] : memref<32x128xf32, #tpu.memory_space<vmem>>[vector<16xi32>, vector<16xi32>], vector<16xf32>,
      tpu.vector_store_idx %arg7[%add3A_799, %broadcast_in_dim3A_796], %gather3A_805 : memref<32x512xf32, #tpu.memory_space<vmem>>[vector<16xi32>, vector<16xi32>], vector<16xf32>,
      %add3A_806 = arith.constant 16 : i32
      %add3A_807 = vector.broadcast %add3A_806 : i32 to vector<16xi32>
      %add3A_808 = arith.addi %iota3A, %add3A_807 : vector<16xi32>
      %gather3A_809 = arith.constant 1 : i32
      %gather3A_810 = arith.constant 0 : i32
      %gather3A_811 = arith.constant 0 : i32
      %gather3A_812 = tpu.memref_slice %arg6[%gather3A_809, %gather3A_810, %gather3A_811] : memref<16x32x128xf32, #tpu.memory_space<vmem>> -> memref<1x32x128xf32, #tpu.memory_space<vmem>>
      %gather3A_813 = tpu.memref_squeeze %gather3A_812 : memref<1x32x128xf32, #tpu.memory_space<vmem>> -> memref<32x128xf32, #tpu.memory_space<vmem>>
      %gather3A_814 = tpu.vector_load_idx %gather3A_813[%add3A_808, %broadcast_in_dim3A_793] : memref<32x128xf32, #tpu.memory_space<vmem>>[vector<16xi32>, vector<16xi32>], vector<16xf32>,
      tpu.vector_store_idx %arg7[%add3A_808, %broadcast_in_dim3A_796], %gather3A_814 : memref<32x512xf32, #tpu.memory_space<vmem>>[vector<16xi32>, vector<16xi32>], vector<16xf32>,
      %add3A_815 = arith.constant 1 : i32
      %add3A_816 = arith.addi %scan3A_717, %add3A_815 : i32
      %lt3A_817 = arith.constant 32 : i32
      %lt3A_818 = arith.cmpi slt, %add3A_816, %lt3A_817 : i32
      %convert_element_type3A_819 = arith.extui %lt3A_818 : i1 to i32
      %cond3A_820 = arith.constant 0 : i32
      %cond3A_821 = arith.cmpi ne, %convert_element_type3A_819, %cond3A_820 : i32
      scf.if %cond3A_821 {
        %slice3A_1536 = vector.extract_strided_slice %get3A_725 {offsets = [1], sizes = [1], strides = [1]} : vector<16xi32> to vector<1xi32>
        %squeeze3A_1537 = vector.extract %slice3A_1536[0] : i32 from vector<1xi32>
        %jit3A_1538 = arith.constant 128 : i32
        %div3A_1539 = arith.divsi %squeeze3A_1537, %jit3A_1538 : i32
        %sign3A_1540 = arith.constant 0 : i32
        %sign3A_1541 = arith.cmpi sgt, %squeeze3A_1537, %sign3A_1540 : i32
        %sign3A_1542 = arith.extui %sign3A_1541 : i1 to i32
        %sign3A_1543 = arith.constant 0 : i32
        %sign3A_1544 = arith.cmpi slt, %squeeze3A_1537, %sign3A_1543 : i32
        %sign3A_1545 = arith.extui %sign3A_1544 : i1 to i32
        %sign3A_1546 = arith.subi %sign3A_1542, %sign3A_1545 : i32
        %sign3A_1547 = arith.constant 0 : i32
        %sign3A_1548 = arith.cmpi sgt, %jit3A_1538, %sign3A_1547 : i32
        %sign3A_1549 = arith.extui %sign3A_1548 : i1 to i32
        %sign3A_1550 = arith.constant 0 : i32
        %sign3A_1551 = arith.cmpi slt, %jit3A_1538, %sign3A_1550 : i32
        %sign3A_1552 = arith.extui %sign3A_1551 : i1 to i32
        %sign3A_1553 = arith.subi %sign3A_1549, %sign3A_1552 : i32
        %ne3A_1554 = arith.cmpi ne, %sign3A_1546, %sign3A_1553 : i32
        %rem3A_1555 = arith.remsi %squeeze3A_1537, %jit3A_1538 : i32
        %ne3A_1556 = arith.constant 0 : i32
        %ne3A_1557 = arith.cmpi ne, %rem3A_1555, %ne3A_1556 : i32
        %and3A_1558 = arith.andi %ne3A_1554, %ne3A_1557 : i1
        %sub3A_1559 = arith.constant 1 : i32
        %sub3A_1560 = arith.subi %div3A_1539, %sub3A_1559 : i32
        %select_n3A_1561 = arith.select %and3A_1558, %sub3A_1560, %div3A_1539 : i32
        %mul3A_1562 = arith.constant 128 : i32
        %mul3A_1563 = arith.muli %select_n3A_1561, %mul3A_1562 : i32
        %multiple_of3A_1564 = tpu.assume_multiple %mul3A_1563, 128 : i32
        %dma_start3A_1565 = arith.constant 1 : i32
        %dma_start3A_1566 = arith.constant 1 : i32
        %dma_start3A_1567 = arith.constant 0 : i32
        %dma_start3A_1568 = arith.constant 0 : i32
        %dma_start3A_1569 = tpu.memref_slice %arg6[%dma_start3A_1565, %dma_start3A_1567, %dma_start3A_1568] : memref<16x32x128xf32, #tpu.memory_space<vmem>> -> memref<1x32x128xf32, #tpu.memory_space<vmem>>
        %dma_start3A_1570 = tpu.memref_squeeze %dma_start3A_1569 : memref<1x32x128xf32, #tpu.memory_space<vmem>> -> memref<32x128xf32, #tpu.memory_space<vmem>>
        %dma_start3A_1571 = arith.constant 0 : i32
        %dma_start3A_1572 = tpu.memref_slice %arg3[%dma_start3A_1571, %multiple_of3A_1564] : memref<32x1000001xf32, #tpu.memory_space<hbm>> -> memref<32x128xf32, #tpu.memory_space<hbm>>
        %dma_start3A_1573 = tpu.memref_slice %arg8[%dma_start3A_1566] : memref<16x!tpu.dma_semaphore, #tpu.memory_space<semaphore_mem>> -> memref<1x!tpu.dma_semaphore, #tpu.memory_space<semaphore_mem>>
        %dma_start3A_1574 = tpu.memref_squeeze %dma_start3A_1573 : memref<1x!tpu.dma_semaphore, #tpu.memory_space<semaphore_mem>> -> memref<!tpu.dma_semaphore, #tpu.memory_space<semaphore_mem>>
        %dma_start3A_1575 = arith.constant 0 : i32
        %dma_start3A_1576 = arith.constant 0 : i32
        %dma_start3A_1577 = tpu.memref_slice %arg6[%dma_start3A_1565, %dma_start3A_1575, %dma_start3A_1576] : memref<16x32x128xf32, #tpu.memory_space<vmem>> -> memref<1x32x128xf32, #tpu.memory_space<vmem>>
        %dma_start3A_1578 = tpu.memref_squeeze %dma_start3A_1577 : memref<1x32x128xf32, #tpu.memory_space<vmem>> -> memref<32x128xf32, #tpu.memory_space<vmem>>
        %dma_start3A_1579 = arith.constant 0 : i32
        %dma_start3A_1580 = tpu.memref_slice %arg3[%dma_start3A_1579, %multiple_of3A_1564] : memref<32x1000001xf32, #tpu.memory_space<hbm>> -> memref<32x128xf32, #tpu.memory_space<hbm>>
        tpu.enqueue_dma source(%dma_start3A_1580 : memref<32x128xf32, #tpu.memory_space<hbm>>) target(%dma_start3A_1578 : memref<32x128xf32, #tpu.memory_space<vmem>>) target_semaphore(%dma_start3A_1574 : memref<!tpu.dma_semaphore, #tpu.memory_space<semaphore_mem>>)
      } else {
      }
      %dma_wait3A_822 = arith.constant 2 : i32
      %dma_wait3A_823 = arith.constant 2 : i32
      %dma_wait3A_824 = arith.constant 0 : i32
      %dma_wait3A_825 = arith.constant 0 : i32
      %dma_wait3A_826 = tpu.memref_slice %arg6[%dma_wait3A_822, %dma_wait3A_824, %dma_wait3A_825] : memref<16x32x128xf32, #tpu.memory_space<vmem>> -> memref<1x32x128xf32, #tpu.memory_space<vmem>>
      %dma_wait3A_827 = tpu.memref_squeeze %dma_wait3A_826 : memref<1x32x128xf32, #tpu.memory_space<vmem>> -> memref<32x128xf32, #tpu.memory_space<vmem>>
      %dma_wait3A_828 = arith.constant 0 : i32
      %dma_wait3A_829 = arith.constant 0 : i32
      %dma_wait3A_830 = tpu.memref_slice %arg3[%dma_wait3A_828, %dma_wait3A_829] : memref<32x1000001xf32, #tpu.memory_space<hbm>> -> memref<32x128xf32, #tpu.memory_space<hbm>>
      %dma_wait3A_831 = tpu.memref_slice %arg8[%dma_wait3A_823] : memref<16x!tpu.dma_semaphore, #tpu.memory_space<semaphore_mem>> -> memref<1x!tpu.dma_semaphore, #tpu.memory_space<semaphore_mem>>
      %dma_wait3A_832 = tpu.memref_squeeze %dma_wait3A_831 : memref<1x!tpu.dma_semaphore, #tpu.memory_space<semaphore_mem>> -> memref<!tpu.dma_semaphore, #tpu.memory_space<semaphore_mem>>
      %dma_wait3A_833 = arith.constant 0 : i32
      %dma_wait3A_834 = arith.constant 0 : i32
      %dma_wait3A_835 = tpu.memref_slice %arg6[%dma_wait3A_822, %dma_wait3A_833, %dma_wait3A_834] : memref<16x32x128xf32, #tpu.memory_space<vmem>> -> memref<1x32x128xf32, #tpu.memory_space<vmem>>
      %dma_wait3A_836 = tpu.memref_squeeze %dma_wait3A_835 : memref<1x32x128xf32, #tpu.memory_space<vmem>> -> memref<32x128xf32, #tpu.memory_space<vmem>>
      %dma_wait3A_837 = arith.constant 0 : i32
      %dma_wait3A_838 = arith.constant 0 : i32
      %dma_wait3A_839 = tpu.memref_slice %arg3[%dma_wait3A_837, %dma_wait3A_838] : memref<32x1000001xf32, #tpu.memory_space<hbm>> -> memref<32x128xf32, #tpu.memory_space<hbm>>
      tpu.wait_dma2 semaphore(%dma_wait3A_832 : memref<!tpu.dma_semaphore, #tpu.memory_space<semaphore_mem>>) src(%dma_wait3A_839 : memref<32x128xf32, #tpu.memory_space<hbm>>) dst(%dma_wait3A_836 : memref<32x128xf32, #tpu.memory_space<vmem>>)
      %slice3A_840 = vector.extract_strided_slice %get3A_721 {offsets = [2], sizes = [1], strides = [1]} : vector<16xi32> to vector<1xi32>
      %squeeze3A_841 = vector.extract %slice3A_840[0] : i32 from vector<1xi32>
      %rem3A_842 = arith.constant 128 : i32
      %rem3A_843 = arith.remsi %squeeze3A_841, %rem3A_842 : i32
      %broadcast_in_dim3A_844 = vector.broadcast %rem3A_843 : i32 to vector<16xi32>
      %add3A_845 = arith.constant 2 : i32
      %add3A_846 = arith.addi %mul3A_719, %add3A_845 : i32
      %broadcast_in_dim3A_847 = vector.broadcast %add3A_846 : i32 to vector<16xi32>
      %add3A_848 = arith.constant 0 : i32
      %add3A_849 = vector.broadcast %add3A_848 : i32 to vector<16xi32>
      %add3A_850 = arith.addi %iota3A, %add3A_849 : vector<16xi32>
      %gather3A_851 = arith.constant 2 : i32
      %gather3A_852 = arith.constant 0 : i32
      %gather3A_853 = arith.constant 0 : i32
      %gather3A_854 = tpu.memref_slice %arg6[%gather3A_851, %gather3A_852, %gather3A_853] : memref<16x32x128xf32, #tpu.memory_space<vmem>> -> memref<1x32x128xf32, #tpu.memory_space<vmem>>
      %gather3A_855 = tpu.memref_squeeze %gather3A_854 : memref<1x32x128xf32, #tpu.memory_space<vmem>> -> memref<32x128xf32, #tpu.memory_space<vmem>>
      %gather3A_856 = tpu.vector_load_idx %gather3A_855[%add3A_850, %broadcast_in_dim3A_844] : memref<32x128xf32, #tpu.memory_space<vmem>>[vector<16xi32>, vector<16xi32>], vector<16xf32>,
      tpu.vector_store_idx %arg7[%add3A_850, %broadcast_in_dim3A_847], %gather3A_856 : memref<32x512xf32, #tpu.memory_space<vmem>>[vector<16xi32>, vector<16xi32>], vector<16xf32>,
      %add3A_857 = arith.constant 16 : i32
      %add3A_858 = vector.broadcast %add3A_857 : i32 to vector<16xi32>
      %add3A_859 = arith.addi %iota3A, %add3A_858 : vector<16xi32>
      %gather3A_860 = arith.constant 2 : i32
      %gather3A_861 = arith.constant 0 : i32
      %gather3A_862 = arith.constant 0 : i32
      %gather3A_863 = tpu.memref_slice %arg6[%gather3A_860, %gather3A_861, %gather3A_862] : memref<16x32x128xf32, #tpu.memory_space<vmem>> -> memref<1x32x128xf32, #tpu.memory_space<vmem>>
      %gather3A_864 = tpu.memref_squeeze %gather3A_863 : memref<1x32x128xf32, #tpu.memory_space<vmem>> -> memref<32x128xf32, #tpu.memory_space<vmem>>
      %gather3A_865 = tpu.vector_load_idx %gather3A_864[%add3A_859, %broadcast_in_dim3A_844] : memref<32x128xf32, #tpu.memory_space<vmem>>[vector<16xi32>, vector<16xi32>], vector<16xf32>,
      tpu.vector_store_idx %arg7[%add3A_859, %broadcast_in_dim3A_847], %gather3A_865 : memref<32x512xf32, #tpu.memory_space<vmem>>[vector<16xi32>, vector<16xi32>], vector<16xf32>,
      %add3A_866 = arith.constant 1 : i32
      %add3A_867 = arith.addi %scan3A_717, %add3A_866 : i32
      %lt3A_868 = arith.constant 32 : i32
      %lt3A_869 = arith.cmpi slt, %add3A_867, %lt3A_868 : i32
      %convert_element_type3A_870 = arith.extui %lt3A_869 : i1 to i32
      %cond3A_871 = arith.constant 0 : i32
      %cond3A_872 = arith.cmpi ne, %convert_element_type3A_870, %cond3A_871 : i32
      scf.if %cond3A_872 {
        %slice3A_1536 = vector.extract_strided_slice %get3A_725 {offsets = [2], sizes = [1], strides = [1]} : vector<16xi32> to vector<1xi32>
        %squeeze3A_1537 = vector.extract %slice3A_1536[0] : i32 from vector<1xi32>
        %jit3A_1538 = arith.constant 128 : i32
        %div3A_1539 = arith.divsi %squeeze3A_1537, %jit3A_1538 : i32
        %sign3A_1540 = arith.constant 0 : i32
        %sign3A_1541 = arith.cmpi sgt, %squeeze3A_1537, %sign3A_1540 : i32
        %sign3A_1542 = arith.extui %sign3A_1541 : i1 to i32
        %sign3A_1543 = arith.constant 0 : i32
        %sign3A_1544 = arith.cmpi slt, %squeeze3A_1537, %sign3A_1543 : i32
        %sign3A_1545 = arith.extui %sign3A_1544 : i1 to i32
        %sign3A_1546 = arith.subi %sign3A_1542, %sign3A_1545 : i32
        %sign3A_1547 = arith.constant 0 : i32
        %sign3A_1548 = arith.cmpi sgt, %jit3A_1538, %sign3A_1547 : i32
        %sign3A_1549 = arith.extui %sign3A_1548 : i1 to i32
        %sign3A_1550 = arith.constant 0 : i32
        %sign3A_1551 = arith.cmpi slt, %jit3A_1538, %sign3A_1550 : i32
        %sign3A_1552 = arith.extui %sign3A_1551 : i1 to i32
        %sign3A_1553 = arith.subi %sign3A_1549, %sign3A_1552 : i32
        %ne3A_1554 = arith.cmpi ne, %sign3A_1546, %sign3A_1553 : i32
        %rem3A_1555 = arith.remsi %squeeze3A_1537, %jit3A_1538 : i32
        %ne3A_1556 = arith.constant 0 : i32
        %ne3A_1557 = arith.cmpi ne, %rem3A_1555, %ne3A_1556 : i32
        %and3A_1558 = arith.andi %ne3A_1554, %ne3A_1557 : i1
        %sub3A_1559 = arith.constant 1 : i32
        %sub3A_1560 = arith.subi %div3A_1539, %sub3A_1559 : i32
        %select_n3A_1561 = arith.select %and3A_1558, %sub3A_1560, %div3A_1539 : i32
        %mul3A_1562 = arith.constant 128 : i32
        %mul3A_1563 = arith.muli %select_n3A_1561, %mul3A_1562 : i32
        %multiple_of3A_1564 = tpu.assume_multiple %mul3A_1563, 128 : i32
        %dma_start3A_1565 = arith.constant 2 : i32
        %dma_start3A_1566 = arith.constant 2 : i32
        %dma_start3A_1567 = arith.constant 0 : i32
        %dma_start3A_1568 = arith.constant 0 : i32
        %dma_start3A_1569 = tpu.memref_slice %arg6[%dma_start3A_1565, %dma_start3A_1567, %dma_start3A_1568] : memref<16x32x128xf32, #tpu.memory_space<vmem>> -> memref<1x32x128xf32, #tpu.memory_space<vmem>>
        %dma_start3A_1570 = tpu.memref_squeeze %dma_start3A_1569 : memref<1x32x128xf32, #tpu.memory_space<vmem>> -> memref<32x128xf32, #tpu.memory_space<vmem>>
        %dma_start3A_1571 = arith.constant 0 : i32
        %dma_start3A_1572 = tpu.memref_slice %arg3[%dma_start3A_1571, %multiple_of3A_1564] : memref<32x1000001xf32, #tpu.memory_space<hbm>> -> memref<32x128xf32, #tpu.memory_space<hbm>>
        %dma_start3A_1573 = tpu.memref_slice %arg8[%dma_start3A_1566] : memref<16x!tpu.dma_semaphore, #tpu.memory_space<semaphore_mem>> -> memref<1x!tpu.dma_semaphore, #tpu.memory_space<semaphore_mem>>
        %dma_start3A_1574 = tpu.memref_squeeze %dma_start3A_1573 : memref<1x!tpu.dma_semaphore, #tpu.memory_space<semaphore_mem>> -> memref<!tpu.dma_semaphore, #tpu.memory_space<semaphore_mem>>
        %dma_start3A_1575 = arith.constant 0 : i32
        %dma_start3A_1576 = arith.constant 0 : i32
        %dma_start3A_1577 = tpu.memref_slice %arg6[%dma_start3A_1565, %dma_start3A_1575, %dma_start3A_1576] : memref<16x32x128xf32, #tpu.memory_space<vmem>> -> memref<1x32x128xf32, #tpu.memory_space<vmem>>
        %dma_start3A_1578 = tpu.memref_squeeze %dma_start3A_1577 : memref<1x32x128xf32, #tpu.memory_space<vmem>> -> memref<32x128xf32, #tpu.memory_space<vmem>>
        %dma_start3A_1579 = arith.constant 0 : i32
        %dma_start3A_1580 = tpu.memref_slice %arg3[%dma_start3A_1579, %multiple_of3A_1564] : memref<32x1000001xf32, #tpu.memory_space<hbm>> -> memref<32x128xf32, #tpu.memory_space<hbm>>
        tpu.enqueue_dma source(%dma_start3A_1580 : memref<32x128xf32, #tpu.memory_space<hbm>>) target(%dma_start3A_1578 : memref<32x128xf32, #tpu.memory_space<vmem>>) target_semaphore(%dma_start3A_1574 : memref<!tpu.dma_semaphore, #tpu.memory_space<semaphore_mem>>)
      } else {
      }
      %dma_wait3A_873 = arith.constant 3 : i32
      %dma_wait3A_874 = arith.constant 3 : i32
      %dma_wait3A_875 = arith.constant 0 : i32
      %dma_wait3A_876 = arith.constant 0 : i32
      %dma_wait3A_877 = tpu.memref_slice %arg6[%dma_wait3A_873, %dma_wait3A_875, %dma_wait3A_876] : memref<16x32x128xf32, #tpu.memory_space<vmem>> -> memref<1x32x128xf32, #tpu.memory_space<vmem>>
      %dma_wait3A_878 = tpu.memref_squeeze %dma_wait3A_877 : memref<1x32x128xf32, #tpu.memory_space<vmem>> -> memref<32x128xf32, #tpu.memory_space<vmem>>
      %dma_wait3A_879 = arith.constant 0 : i32
      %dma_wait3A_880 = arith.constant 0 : i32
      %dma_wait3A_881 = tpu.memref_slice %arg3[%dma_wait3A_879, %dma_wait3A_880] : memref<32x1000001xf32, #tpu.memory_space<hbm>> -> memref<32x128xf32, #tpu.memory_space<hbm>>
      %dma_wait3A_882 = tpu.memref_slice %arg8[%dma_wait3A_874] : memref<16x!tpu.dma_semaphore, #tpu.memory_space<semaphore_mem>> -> memref<1x!tpu.dma_semaphore, #tpu.memory_space<semaphore_mem>>
      %dma_wait3A_883 = tpu.memref_squeeze %dma_wait3A_882 : memref<1x!tpu.dma_semaphore, #tpu.memory_space<semaphore_mem>> -> memref<!tpu.dma_semaphore, #tpu.memory_space<semaphore_mem>>
      %dma_wait3A_884 = arith.constant 0 : i32
      %dma_wait3A_885 = arith.constant 0 : i32
      %dma_wait3A_886 = tpu.memref_slice %arg6[%dma_wait3A_873, %dma_wait3A_884, %dma_wait3A_885] : memref<16x32x128xf32, #tpu.memory_space<vmem>> -> memref<1x32x128xf32, #tpu.memory_space<vmem>>
      %dma_wait3A_887 = tpu.memref_squeeze %dma_wait3A_886 : memref<1x32x128xf32, #tpu.memory_space<vmem>> -> memref<32x128xf32, #tpu.memory_space<vmem>>
      %dma_wait3A_888 = arith.constant 0 : i32
      %dma_wait3A_889 = arith.constant 0 : i32
      %dma_wait3A_890 = tpu.memref_slice %arg3[%dma_wait3A_888, %dma_wait3A_889] : memref<32x1000001xf32, #tpu.memory_space<hbm>> -> memref<32x128xf32, #tpu.memory_space<hbm>>
      tpu.wait_dma2 semaphore(%dma_wait3A_883 : memref<!tpu.dma_semaphore, #tpu.memory_space<semaphore_mem>>) src(%dma_wait3A_890 : memref<32x128xf32, #tpu.memory_space<hbm>>) dst(%dma_wait3A_887 : memref<32x128xf32, #tpu.memory_space<vmem>>)
      %slice3A_891 = vector.extract_strided_slice %get3A_721 {offsets = [3], sizes = [1], strides = [1]} : vector<16xi32> to vector<1xi32>
      %squeeze3A_892 = vector.extract %slice3A_891[0] : i32 from vector<1xi32>
      %rem3A_893 = arith.constant 128 : i32
      %rem3A_894 = arith.remsi %squeeze3A_892, %rem3A_893 : i32
      %broadcast_in_dim3A_895 = vector.broadcast %rem3A_894 : i32 to vector<16xi32>
      %add3A_896 = arith.constant 3 : i32
      %add3A_897 = arith.addi %mul3A_719, %add3A_896 : i32
      %broadcast_in_dim3A_898 = vector.broadcast %add3A_897 : i32 to vector<16xi32>
      %add3A_899 = arith.constant 0 : i32
      %add3A_900 = vector.broadcast %add3A_899 : i32 to vector<16xi32>
      %add3A_901 = arith.addi %iota3A, %add3A_900 : vector<16xi32>
      %gather3A_902 = arith.constant 3 : i32
      %gather3A_903 = arith.constant 0 : i32
      %gather3A_904 = arith.constant 0 : i32
      %gather3A_905 = tpu.memref_slice %arg6[%gather3A_902, %gather3A_903, %gather3A_904] : memref<16x32x128xf32, #tpu.memory_space<vmem>> -> memref<1x32x128xf32, #tpu.memory_space<vmem>>
      %gather3A_906 = tpu.memref_squeeze %gather3A_905 : memref<1x32x128xf32, #tpu.memory_space<vmem>> -> memref<32x128xf32, #tpu.memory_space<vmem>>
      %gather3A_907 = tpu.vector_load_idx %gather3A_906[%add3A_901, %broadcast_in_dim3A_895] : memref<32x128xf32, #tpu.memory_space<vmem>>[vector<16xi32>, vector<16xi32>], vector<16xf32>,
      tpu.vector_store_idx %arg7[%add3A_901, %broadcast_in_dim3A_898], %gather3A_907 : memref<32x512xf32, #tpu.memory_space<vmem>>[vector<16xi32>, vector<16xi32>], vector<16xf32>,
      %add3A_908 = arith.constant 16 : i32
      %add3A_909 = vector.broadcast %add3A_908 : i32 to vector<16xi32>
      %add3A_910 = arith.addi %iota3A, %add3A_909 : vector<16xi32>
      %gather3A_911 = arith.constant 3 : i32
      %gather3A_912 = arith.constant 0 : i32
      %gather3A_913 = arith.constant 0 : i32
      %gather3A_914 = tpu.memref_slice %arg6[%gather3A_911, %gather3A_912, %gather3A_913] : memref<16x32x128xf32, #tpu.memory_space<vmem>> -> memref<1x32x128xf32, #tpu.memory_space<vmem>>
      %gather3A_915 = tpu.memref_squeeze %gather3A_914 : memref<1x32x128xf32, #tpu.memory_space<vmem>> -> memref<32x128xf32, #tpu.memory_space<vmem>>
      %gather3A_916 = tpu.vector_load_idx %gather3A_915[%add3A_910, %broadcast_in_dim3A_895] : memref<32x128xf32, #tpu.memory_space<vmem>>[vector<16xi32>, vector<16xi32>], vector<16xf32>,
      tpu.vector_store_idx %arg7[%add3A_910, %broadcast_in_dim3A_898], %gather3A_916 : memref<32x512xf32, #tpu.memory_space<vmem>>[vector<16xi32>, vector<16xi32>], vector<16xf32>,
      %add3A_917 = arith.constant 1 : i32
      %add3A_918 = arith.addi %scan3A_717, %add3A_917 : i32
      %lt3A_919 = arith.constant 32 : i32
      %lt3A_920 = arith.cmpi slt, %add3A_918, %lt3A_919 : i32
      %convert_element_type3A_921 = arith.extui %lt3A_920 : i1 to i32
      %cond3A_922 = arith.constant 0 : i32
      %cond3A_923 = arith.cmpi ne, %convert_element_type3A_921, %cond3A_922 : i32
      scf.if %cond3A_923 {
        %slice3A_1536 = vector.extract_strided_slice %get3A_725 {offsets = [3], sizes = [1], strides = [1]} : vector<16xi32> to vector<1xi32>
        %squeeze3A_1537 = vector.extract %slice3A_1536[0] : i32 from vector<1xi32>
        %jit3A_1538 = arith.constant 128 : i32
        %div3A_1539 = arith.divsi %squeeze3A_1537, %jit3A_1538 : i32
        %sign3A_1540 = arith.constant 0 : i32
        %sign3A_1541 = arith.cmpi sgt, %squeeze3A_1537, %sign3A_1540 : i32
        %sign3A_1542 = arith.extui %sign3A_1541 : i1 to i32
        %sign3A_1543 = arith.constant 0 : i32
        %sign3A_1544 = arith.cmpi slt, %squeeze3A_1537, %sign3A_1543 : i32
        %sign3A_1545 = arith.extui %sign3A_1544 : i1 to i32
        %sign3A_1546 = arith.subi %sign3A_1542, %sign3A_1545 : i32
        %sign3A_1547 = arith.constant 0 : i32
        %sign3A_1548 = arith.cmpi sgt, %jit3A_1538, %sign3A_1547 : i32
        %sign3A_1549 = arith.extui %sign3A_1548 : i1 to i32
        %sign3A_1550 = arith.constant 0 : i32
        %sign3A_1551 = arith.cmpi slt, %jit3A_1538, %sign3A_1550 : i32
        %sign3A_1552 = arith.extui %sign3A_1551 : i1 to i32
        %sign3A_1553 = arith.subi %sign3A_1549, %sign3A_1552 : i32
        %ne3A_1554 = arith.cmpi ne, %sign3A_1546, %sign3A_1553 : i32
        %rem3A_1555 = arith.remsi %squeeze3A_1537, %jit3A_1538 : i32
        %ne3A_1556 = arith.constant 0 : i32
        %ne3A_1557 = arith.cmpi ne, %rem3A_1555, %ne3A_1556 : i32
        %and3A_1558 = arith.andi %ne3A_1554, %ne3A_1557 : i1
        %sub3A_1559 = arith.constant 1 : i32
        %sub3A_1560 = arith.subi %div3A_1539, %sub3A_1559 : i32
        %select_n3A_1561 = arith.select %and3A_1558, %sub3A_1560, %div3A_1539 : i32
        %mul3A_1562 = arith.constant 128 : i32
        %mul3A_1563 = arith.muli %select_n3A_1561, %mul3A_1562 : i32
        %multiple_of3A_1564 = tpu.assume_multiple %mul3A_1563, 128 : i32
        %dma_start3A_1565 = arith.constant 3 : i32
        %dma_start3A_1566 = arith.constant 3 : i32
        %dma_start3A_1567 = arith.constant 0 : i32
        %dma_start3A_1568 = arith.constant 0 : i32
        %dma_start3A_1569 = tpu.memref_slice %arg6[%dma_start3A_1565, %dma_start3A_1567, %dma_start3A_1568] : memref<16x32x128xf32, #tpu.memory_space<vmem>> -> memref<1x32x128xf32, #tpu.memory_space<vmem>>
        %dma_start3A_1570 = tpu.memref_squeeze %dma_start3A_1569 : memref<1x32x128xf32, #tpu.memory_space<vmem>> -> memref<32x128xf32, #tpu.memory_space<vmem>>
        %dma_start3A_1571 = arith.constant 0 : i32
        %dma_start3A_1572 = tpu.memref_slice %arg3[%dma_start3A_1571, %multiple_of3A_1564] : memref<32x1000001xf32, #tpu.memory_space<hbm>> -> memref<32x128xf32, #tpu.memory_space<hbm>>
        %dma_start3A_1573 = tpu.memref_slice %arg8[%dma_start3A_1566] : memref<16x!tpu.dma_semaphore, #tpu.memory_space<semaphore_mem>> -> memref<1x!tpu.dma_semaphore, #tpu.memory_space<semaphore_mem>>
        %dma_start3A_1574 = tpu.memref_squeeze %dma_start3A_1573 : memref<1x!tpu.dma_semaphore, #tpu.memory_space<semaphore_mem>> -> memref<!tpu.dma_semaphore, #tpu.memory_space<semaphore_mem>>
        %dma_start3A_1575 = arith.constant 0 : i32
        %dma_start3A_1576 = arith.constant 0 : i32
        %dma_start3A_1577 = tpu.memref_slice %arg6[%dma_start3A_1565, %dma_start3A_1575, %dma_start3A_1576] : memref<16x32x128xf32, #tpu.memory_space<vmem>> -> memref<1x32x128xf32, #tpu.memory_space<vmem>>
        %dma_start3A_1578 = tpu.memref_squeeze %dma_start3A_1577 : memref<1x32x128xf32, #tpu.memory_space<vmem>> -> memref<32x128xf32, #tpu.memory_space<vmem>>
        %dma_start3A_1579 = arith.constant 0 : i32
        %dma_start3A_1580 = tpu.memref_slice %arg3[%dma_start3A_1579, %multiple_of3A_1564] : memref<32x1000001xf32, #tpu.memory_space<hbm>> -> memref<32x128xf32, #tpu.memory_space<hbm>>
        tpu.enqueue_dma source(%dma_start3A_1580 : memref<32x128xf32, #tpu.memory_space<hbm>>) target(%dma_start3A_1578 : memref<32x128xf32, #tpu.memory_space<vmem>>) target_semaphore(%dma_start3A_1574 : memref<!tpu.dma_semaphore, #tpu.memory_space<semaphore_mem>>)
      } else {
      }
      %dma_wait3A_924 = arith.constant 4 : i32
      %dma_wait3A_925 = arith.constant 4 : i32
      %dma_wait3A_926 = arith.constant 0 : i32
      %dma_wait3A_927 = arith.constant 0 : i32
      %dma_wait3A_928 = tpu.memref_slice %arg6[%dma_wait3A_924, %dma_wait3A_926, %dma_wait3A_927] : memref<16x32x128xf32, #tpu.memory_space<vmem>> -> memref<1x32x128xf32, #tpu.memory_space<vmem>>
      %dma_wait3A_929 = tpu.memref_squeeze %dma_wait3A_928 : memref<1x32x128xf32, #tpu.memory_space<vmem>> -> memref<32x128xf32, #tpu.memory_space<vmem>>
      %dma_wait3A_930 = arith.constant 0 : i32
      %dma_wait3A_931 = arith.constant 0 : i32
      %dma_wait3A_932 = tpu.memref_slice %arg3[%dma_wait3A_930, %dma_wait3A_931] : memref<32x1000001xf32, #tpu.memory_space<hbm>> -> memref<32x128xf32, #tpu.memory_space<hbm>>
      %dma_wait3A_933 = tpu.memref_slice %arg8[%dma_wait3A_925] : memref<16x!tpu.dma_semaphore, #tpu.memory_space<semaphore_mem>> -> memref<1x!tpu.dma_semaphore, #tpu.memory_space<semaphore_mem>>
      %dma_wait3A_934 = tpu.memref_squeeze %dma_wait3A_933 : memref<1x!tpu.dma_semaphore, #tpu.memory_space<semaphore_mem>> -> memref<!tpu.dma_semaphore, #tpu.memory_space<semaphore_mem>>
      %dma_wait3A_935 = arith.constant 0 : i32
      %dma_wait3A_936 = arith.constant 0 : i32
      %dma_wait3A_937 = tpu.memref_slice %arg6[%dma_wait3A_924, %dma_wait3A_935, %dma_wait3A_936] : memref<16x32x128xf32, #tpu.memory_space<vmem>> -> memref<1x32x128xf32, #tpu.memory_space<vmem>>
      %dma_wait3A_938 = tpu.memref_squeeze %dma_wait3A_937 : memref<1x32x128xf32, #tpu.memory_space<vmem>> -> memref<32x128xf32, #tpu.memory_space<vmem>>
      %dma_wait3A_939 = arith.constant 0 : i32
      %dma_wait3A_940 = arith.constant 0 : i32
      %dma_wait3A_941 = tpu.memref_slice %arg3[%dma_wait3A_939, %dma_wait3A_940] : memref<32x1000001xf32, #tpu.memory_space<hbm>> -> memref<32x128xf32, #tpu.memory_space<hbm>>
      tpu.wait_dma2 semaphore(%dma_wait3A_934 : memref<!tpu.dma_semaphore, #tpu.memory_space<semaphore_mem>>) src(%dma_wait3A_941 : memref<32x128xf32, #tpu.memory_space<hbm>>) dst(%dma_wait3A_938 : memref<32x128xf32, #tpu.memory_space<vmem>>)
      %slice3A_942 = vector.extract_strided_slice %get3A_721 {offsets = [4], sizes = [1], strides = [1]} : vector<16xi32> to vector<1xi32>
      %squeeze3A_943 = vector.extract %slice3A_942[0] : i32 from vector<1xi32>
      %rem3A_944 = arith.constant 128 : i32
      %rem3A_945 = arith.remsi %squeeze3A_943, %rem3A_944 : i32
      %broadcast_in_dim3A_946 = vector.broadcast %rem3A_945 : i32 to vector<16xi32>
      %add3A_947 = arith.constant 4 : i32
      %add3A_948 = arith.addi %mul3A_719, %add3A_947 : i32
      %broadcast_in_dim3A_949 = vector.broadcast %add3A_948 : i32 to vector<16xi32>
      %add3A_950 = arith.constant 0 : i32
      %add3A_951 = vector.broadcast %add3A_950 : i32 to vector<16xi32>
      %add3A_952 = arith.addi %iota3A, %add3A_951 : vector<16xi32>
      %gather3A_953 = arith.constant 4 : i32
      %gather3A_954 = arith.constant 0 : i32
      %gather3A_955 = arith.constant 0 : i32
      %gather3A_956 = tpu.memref_slice %arg6[%gather3A_953, %gather3A_954, %gather3A_955] : memref<16x32x128xf32, #tpu.memory_space<vmem>> -> memref<1x32x128xf32, #tpu.memory_space<vmem>>
      %gather3A_957 = tpu.memref_squeeze %gather3A_956 : memref<1x32x128xf32, #tpu.memory_space<vmem>> -> memref<32x128xf32, #tpu.memory_space<vmem>>
      %gather3A_958 = tpu.vector_load_idx %gather3A_957[%add3A_952, %broadcast_in_dim3A_946] : memref<32x128xf32, #tpu.memory_space<vmem>>[vector<16xi32>, vector<16xi32>], vector<16xf32>,
      tpu.vector_store_idx %arg7[%add3A_952, %broadcast_in_dim3A_949], %gather3A_958 : memref<32x512xf32, #tpu.memory_space<vmem>>[vector<16xi32>, vector<16xi32>], vector<16xf32>,
      %add3A_959 = arith.constant 16 : i32
      %add3A_960 = vector.broadcast %add3A_959 : i32 to vector<16xi32>
      %add3A_961 = arith.addi %iota3A, %add3A_960 : vector<16xi32>
      %gather3A_962 = arith.constant 4 : i32
      %gather3A_963 = arith.constant 0 : i32
      %gather3A_964 = arith.constant 0 : i32
      %gather3A_965 = tpu.memref_slice %arg6[%gather3A_962, %gather3A_963, %gather3A_964] : memref<16x32x128xf32, #tpu.memory_space<vmem>> -> memref<1x32x128xf32, #tpu.memory_space<vmem>>
      %gather3A_966 = tpu.memref_squeeze %gather3A_965 : memref<1x32x128xf32, #tpu.memory_space<vmem>> -> memref<32x128xf32, #tpu.memory_space<vmem>>
      %gather3A_967 = tpu.vector_load_idx %gather3A_966[%add3A_961, %broadcast_in_dim3A_946] : memref<32x128xf32, #tpu.memory_space<vmem>>[vector<16xi32>, vector<16xi32>], vector<16xf32>,
      tpu.vector_store_idx %arg7[%add3A_961, %broadcast_in_dim3A_949], %gather3A_967 : memref<32x512xf32, #tpu.memory_space<vmem>>[vector<16xi32>, vector<16xi32>], vector<16xf32>,
      %add3A_968 = arith.constant 1 : i32
      %add3A_969 = arith.addi %scan3A_717, %add3A_968 : i32
      %lt3A_970 = arith.constant 32 : i32
      %lt3A_971 = arith.cmpi slt, %add3A_969, %lt3A_970 : i32
      %convert_element_type3A_972 = arith.extui %lt3A_971 : i1 to i32
      %cond3A_973 = arith.constant 0 : i32
      %cond3A_974 = arith.cmpi ne, %convert_element_type3A_972, %cond3A_973 : i32
      scf.if %cond3A_974 {
        %slice3A_1536 = vector.extract_strided_slice %get3A_725 {offsets = [4], sizes = [1], strides = [1]} : vector<16xi32> to vector<1xi32>
        %squeeze3A_1537 = vector.extract %slice3A_1536[0] : i32 from vector<1xi32>
        %jit3A_1538 = arith.constant 128 : i32
        %div3A_1539 = arith.divsi %squeeze3A_1537, %jit3A_1538 : i32
        %sign3A_1540 = arith.constant 0 : i32
        %sign3A_1541 = arith.cmpi sgt, %squeeze3A_1537, %sign3A_1540 : i32
        %sign3A_1542 = arith.extui %sign3A_1541 : i1 to i32
        %sign3A_1543 = arith.constant 0 : i32
        %sign3A_1544 = arith.cmpi slt, %squeeze3A_1537, %sign3A_1543 : i32
        %sign3A_1545 = arith.extui %sign3A_1544 : i1 to i32
        %sign3A_1546 = arith.subi %sign3A_1542, %sign3A_1545 : i32
        %sign3A_1547 = arith.constant 0 : i32
        %sign3A_1548 = arith.cmpi sgt, %jit3A_1538, %sign3A_1547 : i32
        %sign3A_1549 = arith.extui %sign3A_1548 : i1 to i32
        %sign3A_1550 = arith.constant 0 : i32
        %sign3A_1551 = arith.cmpi slt, %jit3A_1538, %sign3A_1550 : i32
        %sign3A_1552 = arith.extui %sign3A_1551 : i1 to i32
        %sign3A_1553 = arith.subi %sign3A_1549, %sign3A_1552 : i32
        %ne3A_1554 = arith.cmpi ne, %sign3A_1546, %sign3A_1553 : i32
        %rem3A_1555 = arith.remsi %squeeze3A_1537, %jit3A_1538 : i32
        %ne3A_1556 = arith.constant 0 : i32
        %ne3A_1557 = arith.cmpi ne, %rem3A_1555, %ne3A_1556 : i32
        %and3A_1558 = arith.andi %ne3A_1554, %ne3A_1557 : i1
        %sub3A_1559 = arith.constant 1 : i32
        %sub3A_1560 = arith.subi %div3A_1539, %sub3A_1559 : i32
        %select_n3A_1561 = arith.select %and3A_1558, %sub3A_1560, %div3A_1539 : i32
        %mul3A_1562 = arith.constant 128 : i32
        %mul3A_1563 = arith.muli %select_n3A_1561, %mul3A_1562 : i32
        %multiple_of3A_1564 = tpu.assume_multiple %mul3A_1563, 128 : i32
        %dma_start3A_1565 = arith.constant 4 : i32
        %dma_start3A_1566 = arith.constant 4 : i32
        %dma_start3A_1567 = arith.constant 0 : i32
        %dma_start3A_1568 = arith.constant 0 : i32
        %dma_start3A_1569 = tpu.memref_slice %arg6[%dma_start3A_1565, %dma_start3A_1567, %dma_start3A_1568] : memref<16x32x128xf32, #tpu.memory_space<vmem>> -> memref<1x32x128xf32, #tpu.memory_space<vmem>>
        %dma_start3A_1570 = tpu.memref_squeeze %dma_start3A_1569 : memref<1x32x128xf32, #tpu.memory_space<vmem>> -> memref<32x128xf32, #tpu.memory_space<vmem>>
        %dma_start3A_1571 = arith.constant 0 : i32
        %dma_start3A_1572 = tpu.memref_slice %arg3[%dma_start3A_1571, %multiple_of3A_1564] : memref<32x1000001xf32, #tpu.memory_space<hbm>> -> memref<32x128xf32, #tpu.memory_space<hbm>>
        %dma_start3A_1573 = tpu.memref_slice %arg8[%dma_start3A_1566] : memref<16x!tpu.dma_semaphore, #tpu.memory_space<semaphore_mem>> -> memref<1x!tpu.dma_semaphore, #tpu.memory_space<semaphore_mem>>
        %dma_start3A_1574 = tpu.memref_squeeze %dma_start3A_1573 : memref<1x!tpu.dma_semaphore, #tpu.memory_space<semaphore_mem>> -> memref<!tpu.dma_semaphore, #tpu.memory_space<semaphore_mem>>
        %dma_start3A_1575 = arith.constant 0 : i32
        %dma_start3A_1576 = arith.constant 0 : i32
        %dma_start3A_1577 = tpu.memref_slice %arg6[%dma_start3A_1565, %dma_start3A_1575, %dma_start3A_1576] : memref<16x32x128xf32, #tpu.memory_space<vmem>> -> memref<1x32x128xf32, #tpu.memory_space<vmem>>
        %dma_start3A_1578 = tpu.memref_squeeze %dma_start3A_1577 : memref<1x32x128xf32, #tpu.memory_space<vmem>> -> memref<32x128xf32, #tpu.memory_space<vmem>>
        %dma_start3A_1579 = arith.constant 0 : i32
        %dma_start3A_1580 = tpu.memref_slice %arg3[%dma_start3A_1579, %multiple_of3A_1564] : memref<32x1000001xf32, #tpu.memory_space<hbm>> -> memref<32x128xf32, #tpu.memory_space<hbm>>
        tpu.enqueue_dma source(%dma_start3A_1580 : memref<32x128xf32, #tpu.memory_space<hbm>>) target(%dma_start3A_1578 : memref<32x128xf32, #tpu.memory_space<vmem>>) target_semaphore(%dma_start3A_1574 : memref<!tpu.dma_semaphore, #tpu.memory_space<semaphore_mem>>)
      } else {
      }
      %dma_wait3A_975 = arith.constant 5 : i32
      %dma_wait3A_976 = arith.constant 5 : i32
      %dma_wait3A_977 = arith.constant 0 : i32
      %dma_wait3A_978 = arith.constant 0 : i32
      %dma_wait3A_979 = tpu.memref_slice %arg6[%dma_wait3A_975, %dma_wait3A_977, %dma_wait3A_978] : memref<16x32x128xf32, #tpu.memory_space<vmem>> -> memref<1x32x128xf32, #tpu.memory_space<vmem>>
      %dma_wait3A_980 = tpu.memref_squeeze %dma_wait3A_979 : memref<1x32x128xf32, #tpu.memory_space<vmem>> -> memref<32x128xf32, #tpu.memory_space<vmem>>
      %dma_wait3A_981 = arith.constant 0 : i32
      %dma_wait3A_982 = arith.constant 0 : i32
      %dma_wait3A_983 = tpu.memref_slice %arg3[%dma_wait3A_981, %dma_wait3A_982] : memref<32x1000001xf32, #tpu.memory_space<hbm>> -> memref<32x128xf32, #tpu.memory_space<hbm>>
      %dma_wait3A_984 = tpu.memref_slice %arg8[%dma_wait3A_976] : memref<16x!tpu.dma_semaphore, #tpu.memory_space<semaphore_mem>> -> memref<1x!tpu.dma_semaphore, #tpu.memory_space<semaphore_mem>>
      %dma_wait3A_985 = tpu.memref_squeeze %dma_wait3A_984 : memref<1x!tpu.dma_semaphore, #tpu.memory_space<semaphore_mem>> -> memref<!tpu.dma_semaphore, #tpu.memory_space<semaphore_mem>>
      %dma_wait3A_986 = arith.constant 0 : i32
      %dma_wait3A_987 = arith.constant 0 : i32
      %dma_wait3A_988 = tpu.memref_slice %arg6[%dma_wait3A_975, %dma_wait3A_986, %dma_wait3A_987] : memref<16x32x128xf32, #tpu.memory_space<vmem>> -> memref<1x32x128xf32, #tpu.memory_space<vmem>>
      %dma_wait3A_989 = tpu.memref_squeeze %dma_wait3A_988 : memref<1x32x128xf32, #tpu.memory_space<vmem>> -> memref<32x128xf32, #tpu.memory_space<vmem>>
      %dma_wait3A_990 = arith.constant 0 : i32
      %dma_wait3A_991 = arith.constant 0 : i32
      %dma_wait3A_992 = tpu.memref_slice %arg3[%dma_wait3A_990, %dma_wait3A_991] : memref<32x1000001xf32, #tpu.memory_space<hbm>> -> memref<32x128xf32, #tpu.memory_space<hbm>>
      tpu.wait_dma2 semaphore(%dma_wait3A_985 : memref<!tpu.dma_semaphore, #tpu.memory_space<semaphore_mem>>) src(%dma_wait3A_992 : memref<32x128xf32, #tpu.memory_space<hbm>>) dst(%dma_wait3A_989 : memref<32x128xf32, #tpu.memory_space<vmem>>)
      %slice3A_993 = vector.extract_strided_slice %get3A_721 {offsets = [5], sizes = [1], strides = [1]} : vector<16xi32> to vector<1xi32>
      %squeeze3A_994 = vector.extract %slice3A_993[0] : i32 from vector<1xi32>
      %rem3A_995 = arith.constant 128 : i32
      %rem3A_996 = arith.remsi %squeeze3A_994, %rem3A_995 : i32
      %broadcast_in_dim3A_997 = vector.broadcast %rem3A_996 : i32 to vector<16xi32>
      %add3A_998 = arith.constant 5 : i32
      %add3A_999 = arith.addi %mul3A_719, %add3A_998 : i32
      %broadcast_in_dim3A_1000 = vector.broadcast %add3A_999 : i32 to vector<16xi32>
      %add3A_1001 = arith.constant 0 : i32
      %add3A_1002 = vector.broadcast %add3A_1001 : i32 to vector<16xi32>
      %add3A_1003 = arith.addi %iota3A, %add3A_1002 : vector<16xi32>
      %gather3A_1004 = arith.constant 5 : i32
      %gather3A_1005 = arith.constant 0 : i32
      %gather3A_1006 = arith.constant 0 : i32
      %gather3A_1007 = tpu.memref_slice %arg6[%gather3A_1004, %gather3A_1005, %gather3A_1006] : memref<16x32x128xf32, #tpu.memory_space<vmem>> -> memref<1x32x128xf32, #tpu.memory_space<vmem>>
      %gather3A_1008 = tpu.memref_squeeze %gather3A_1007 : memref<1x32x128xf32, #tpu.memory_space<vmem>> -> memref<32x128xf32, #tpu.memory_space<vmem>>
      %gather3A_1009 = tpu.vector_load_idx %gather3A_1008[%add3A_1003, %broadcast_in_dim3A_997] : memref<32x128xf32, #tpu.memory_space<vmem>>[vector<16xi32>, vector<16xi32>], vector<16xf32>,
      tpu.vector_store_idx %arg7[%add3A_1003, %broadcast_in_dim3A_1000], %gather3A_1009 : memref<32x512xf32, #tpu.memory_space<vmem>>[vector<16xi32>, vector<16xi32>], vector<16xf32>,
      %add3A_1010 = arith.constant 16 : i32
      %add3A_1011 = vector.broadcast %add3A_1010 : i32 to vector<16xi32>
      %add3A_1012 = arith.addi %iota3A, %add3A_1011 : vector<16xi32>
      %gather3A_1013 = arith.constant 5 : i32
      %gather3A_1014 = arith.constant 0 : i32
      %gather3A_1015 = arith.constant 0 : i32
      %gather3A_1016 = tpu.memref_slice %arg6[%gather3A_1013, %gather3A_1014, %gather3A_1015] : memref<16x32x128xf32, #tpu.memory_space<vmem>> -> memref<1x32x128xf32, #tpu.memory_space<vmem>>
      %gather3A_1017 = tpu.memref_squeeze %gather3A_1016 : memref<1x32x128xf32, #tpu.memory_space<vmem>> -> memref<32x128xf32, #tpu.memory_space<vmem>>
      %gather3A_1018 = tpu.vector_load_idx %gather3A_1017[%add3A_1012, %broadcast_in_dim3A_997] : memref<32x128xf32, #tpu.memory_space<vmem>>[vector<16xi32>, vector<16xi32>], vector<16xf32>,
      tpu.vector_store_idx %arg7[%add3A_1012, %broadcast_in_dim3A_1000], %gather3A_1018 : memref<32x512xf32, #tpu.memory_space<vmem>>[vector<16xi32>, vector<16xi32>], vector<16xf32>,
      %add3A_1019 = arith.constant 1 : i32
      %add3A_1020 = arith.addi %scan3A_717, %add3A_1019 : i32
      %lt3A_1021 = arith.constant 32 : i32
      %lt3A_1022 = arith.cmpi slt, %add3A_1020, %lt3A_1021 : i32
      %convert_element_type3A_1023 = arith.extui %lt3A_1022 : i1 to i32
      %cond3A_1024 = arith.constant 0 : i32
      %cond3A_1025 = arith.cmpi ne, %convert_element_type3A_1023, %cond3A_1024 : i32
      scf.if %cond3A_1025 {
        %slice3A_1536 = vector.extract_strided_slice %get3A_725 {offsets = [5], sizes = [1], strides = [1]} : vector<16xi32> to vector<1xi32>
        %squeeze3A_1537 = vector.extract %slice3A_1536[0] : i32 from vector<1xi32>
        %jit3A_1538 = arith.constant 128 : i32
        %div3A_1539 = arith.divsi %squeeze3A_1537, %jit3A_1538 : i32
        %sign3A_1540 = arith.constant 0 : i32
        %sign3A_1541 = arith.cmpi sgt, %squeeze3A_1537, %sign3A_1540 : i32
        %sign3A_1542 = arith.extui %sign3A_1541 : i1 to i32
        %sign3A_1543 = arith.constant 0 : i32
        %sign3A_1544 = arith.cmpi slt, %squeeze3A_1537, %sign3A_1543 : i32
        %sign3A_1545 = arith.extui %sign3A_1544 : i1 to i32
        %sign3A_1546 = arith.subi %sign3A_1542, %sign3A_1545 : i32
        %sign3A_1547 = arith.constant 0 : i32
        %sign3A_1548 = arith.cmpi sgt, %jit3A_1538, %sign3A_1547 : i32
        %sign3A_1549 = arith.extui %sign3A_1548 : i1 to i32
        %sign3A_1550 = arith.constant 0 : i32
        %sign3A_1551 = arith.cmpi slt, %jit3A_1538, %sign3A_1550 : i32
        %sign3A_1552 = arith.extui %sign3A_1551 : i1 to i32
        %sign3A_1553 = arith.subi %sign3A_1549, %sign3A_1552 : i32
        %ne3A_1554 = arith.cmpi ne, %sign3A_1546, %sign3A_1553 : i32
        %rem3A_1555 = arith.remsi %squeeze3A_1537, %jit3A_1538 : i32
        %ne3A_1556 = arith.constant 0 : i32
        %ne3A_1557 = arith.cmpi ne, %rem3A_1555, %ne3A_1556 : i32
        %and3A_1558 = arith.andi %ne3A_1554, %ne3A_1557 : i1
        %sub3A_1559 = arith.constant 1 : i32
        %sub3A_1560 = arith.subi %div3A_1539, %sub3A_1559 : i32
        %select_n3A_1561 = arith.select %and3A_1558, %sub3A_1560, %div3A_1539 : i32
        %mul3A_1562 = arith.constant 128 : i32
        %mul3A_1563 = arith.muli %select_n3A_1561, %mul3A_1562 : i32
        %multiple_of3A_1564 = tpu.assume_multiple %mul3A_1563, 128 : i32
        %dma_start3A_1565 = arith.constant 5 : i32
        %dma_start3A_1566 = arith.constant 5 : i32
        %dma_start3A_1567 = arith.constant 0 : i32
        %dma_start3A_1568 = arith.constant 0 : i32
        %dma_start3A_1569 = tpu.memref_slice %arg6[%dma_start3A_1565, %dma_start3A_1567, %dma_start3A_1568] : memref<16x32x128xf32, #tpu.memory_space<vmem>> -> memref<1x32x128xf32, #tpu.memory_space<vmem>>
        %dma_start3A_1570 = tpu.memref_squeeze %dma_start3A_1569 : memref<1x32x128xf32, #tpu.memory_space<vmem>> -> memref<32x128xf32, #tpu.memory_space<vmem>>
        %dma_start3A_1571 = arith.constant 0 : i32
        %dma_start3A_1572 = tpu.memref_slice %arg3[%dma_start3A_1571, %multiple_of3A_1564] : memref<32x1000001xf32, #tpu.memory_space<hbm>> -> memref<32x128xf32, #tpu.memory_space<hbm>>
        %dma_start3A_1573 = tpu.memref_slice %arg8[%dma_start3A_1566] : memref<16x!tpu.dma_semaphore, #tpu.memory_space<semaphore_mem>> -> memref<1x!tpu.dma_semaphore, #tpu.memory_space<semaphore_mem>>
        %dma_start3A_1574 = tpu.memref_squeeze %dma_start3A_1573 : memref<1x!tpu.dma_semaphore, #tpu.memory_space<semaphore_mem>> -> memref<!tpu.dma_semaphore, #tpu.memory_space<semaphore_mem>>
        %dma_start3A_1575 = arith.constant 0 : i32
        %dma_start3A_1576 = arith.constant 0 : i32
        %dma_start3A_1577 = tpu.memref_slice %arg6[%dma_start3A_1565, %dma_start3A_1575, %dma_start3A_1576] : memref<16x32x128xf32, #tpu.memory_space<vmem>> -> memref<1x32x128xf32, #tpu.memory_space<vmem>>
        %dma_start3A_1578 = tpu.memref_squeeze %dma_start3A_1577 : memref<1x32x128xf32, #tpu.memory_space<vmem>> -> memref<32x128xf32, #tpu.memory_space<vmem>>
        %dma_start3A_1579 = arith.constant 0 : i32
        %dma_start3A_1580 = tpu.memref_slice %arg3[%dma_start3A_1579, %multiple_of3A_1564] : memref<32x1000001xf32, #tpu.memory_space<hbm>> -> memref<32x128xf32, #tpu.memory_space<hbm>>
        tpu.enqueue_dma source(%dma_start3A_1580 : memref<32x128xf32, #tpu.memory_space<hbm>>) target(%dma_start3A_1578 : memref<32x128xf32, #tpu.memory_space<vmem>>) target_semaphore(%dma_start3A_1574 : memref<!tpu.dma_semaphore, #tpu.memory_space<semaphore_mem>>)
      } else {
      }
      %dma_wait3A_1026 = arith.constant 6 : i32
      %dma_wait3A_1027 = arith.constant 6 : i32
      %dma_wait3A_1028 = arith.constant 0 : i32
      %dma_wait3A_1029 = arith.constant 0 : i32
      %dma_wait3A_1030 = tpu.memref_slice %arg6[%dma_wait3A_1026, %dma_wait3A_1028, %dma_wait3A_1029] : memref<16x32x128xf32, #tpu.memory_space<vmem>> -> memref<1x32x128xf32, #tpu.memory_space<vmem>>
      %dma_wait3A_1031 = tpu.memref_squeeze %dma_wait3A_1030 : memref<1x32x128xf32, #tpu.memory_space<vmem>> -> memref<32x128xf32, #tpu.memory_space<vmem>>
      %dma_wait3A_1032 = arith.constant 0 : i32
      %dma_wait3A_1033 = arith.constant 0 : i32
      %dma_wait3A_1034 = tpu.memref_slice %arg3[%dma_wait3A_1032, %dma_wait3A_1033] : memref<32x1000001xf32, #tpu.memory_space<hbm>> -> memref<32x128xf32, #tpu.memory_space<hbm>>
      %dma_wait3A_1035 = tpu.memref_slice %arg8[%dma_wait3A_1027] : memref<16x!tpu.dma_semaphore, #tpu.memory_space<semaphore_mem>> -> memref<1x!tpu.dma_semaphore, #tpu.memory_space<semaphore_mem>>
      %dma_wait3A_1036 = tpu.memref_squeeze %dma_wait3A_1035 : memref<1x!tpu.dma_semaphore, #tpu.memory_space<semaphore_mem>> -> memref<!tpu.dma_semaphore, #tpu.memory_space<semaphore_mem>>
      %dma_wait3A_1037 = arith.constant 0 : i32
      %dma_wait3A_1038 = arith.constant 0 : i32
      %dma_wait3A_1039 = tpu.memref_slice %arg6[%dma_wait3A_1026, %dma_wait3A_1037, %dma_wait3A_1038] : memref<16x32x128xf32, #tpu.memory_space<vmem>> -> memref<1x32x128xf32, #tpu.memory_space<vmem>>
      %dma_wait3A_1040 = tpu.memref_squeeze %dma_wait3A_1039 : memref<1x32x128xf32, #tpu.memory_space<vmem>> -> memref<32x128xf32, #tpu.memory_space<vmem>>
      %dma_wait3A_1041 = arith.constant 0 : i32
      %dma_wait3A_1042 = arith.constant 0 : i32
      %dma_wait3A_1043 = tpu.memref_slice %arg3[%dma_wait3A_1041, %dma_wait3A_1042] : memref<32x1000001xf32, #tpu.memory_space<hbm>> -> memref<32x128xf32, #tpu.memory_space<hbm>>
      tpu.wait_dma2 semaphore(%dma_wait3A_1036 : memref<!tpu.dma_semaphore, #tpu.memory_space<semaphore_mem>>) src(%dma_wait3A_1043 : memref<32x128xf32, #tpu.memory_space<hbm>>) dst(%dma_wait3A_1040 : memref<32x128xf32, #tpu.memory_space<vmem>>)
      %slice3A_1044 = vector.extract_strided_slice %get3A_721 {offsets = [6], sizes = [1], strides = [1]} : vector<16xi32> to vector<1xi32>
      %squeeze3A_1045 = vector.extract %slice3A_1044[0] : i32 from vector<1xi32>
      %rem3A_1046 = arith.constant 128 : i32
      %rem3A_1047 = arith.remsi %squeeze3A_1045, %rem3A_1046 : i32
      %broadcast_in_dim3A_1048 = vector.broadcast %rem3A_1047 : i32 to vector<16xi32>
      %add3A_1049 = arith.constant 6 : i32
      %add3A_1050 = arith.addi %mul3A_719, %add3A_1049 : i32
      %broadcast_in_dim3A_1051 = vector.broadcast %add3A_1050 : i32 to vector<16xi32>
      %add3A_1052 = arith.constant 0 : i32
      %add3A_1053 = vector.broadcast %add3A_1052 : i32 to vector<16xi32>
      %add3A_1054 = arith.addi %iota3A, %add3A_1053 : vector<16xi32>
      %gather3A_1055 = arith.constant 6 : i32
      %gather3A_1056 = arith.constant 0 : i32
      %gather3A_1057 = arith.constant 0 : i32
      %gather3A_1058 = tpu.memref_slice %arg6[%gather3A_1055, %gather3A_1056, %gather3A_1057] : memref<16x32x128xf32, #tpu.memory_space<vmem>> -> memref<1x32x128xf32, #tpu.memory_space<vmem>>
      %gather3A_1059 = tpu.memref_squeeze %gather3A_1058 : memref<1x32x128xf32, #tpu.memory_space<vmem>> -> memref<32x128xf32, #tpu.memory_space<vmem>>
      %gather3A_1060 = tpu.vector_load_idx %gather3A_1059[%add3A_1054, %broadcast_in_dim3A_1048] : memref<32x128xf32, #tpu.memory_space<vmem>>[vector<16xi32>, vector<16xi32>], vector<16xf32>,
      tpu.vector_store_idx %arg7[%add3A_1054, %broadcast_in_dim3A_1051], %gather3A_1060 : memref<32x512xf32, #tpu.memory_space<vmem>>[vector<16xi32>, vector<16xi32>], vector<16xf32>,
      %add3A_1061 = arith.constant 16 : i32
      %add3A_1062 = vector.broadcast %add3A_1061 : i32 to vector<16xi32>
      %add3A_1063 = arith.addi %iota3A, %add3A_1062 : vector<16xi32>
      %gather3A_1064 = arith.constant 6 : i32
      %gather3A_1065 = arith.constant 0 : i32
      %gather3A_1066 = arith.constant 0 : i32
      %gather3A_1067 = tpu.memref_slice %arg6[%gather3A_1064, %gather3A_1065, %gather3A_1066] : memref<16x32x128xf32, #tpu.memory_space<vmem>> -> memref<1x32x128xf32, #tpu.memory_space<vmem>>
      %gather3A_1068 = tpu.memref_squeeze %gather3A_1067 : memref<1x32x128xf32, #tpu.memory_space<vmem>> -> memref<32x128xf32, #tpu.memory_space<vmem>>
      %gather3A_1069 = tpu.vector_load_idx %gather3A_1068[%add3A_1063, %broadcast_in_dim3A_1048] : memref<32x128xf32, #tpu.memory_space<vmem>>[vector<16xi32>, vector<16xi32>], vector<16xf32>,
      tpu.vector_store_idx %arg7[%add3A_1063, %broadcast_in_dim3A_1051], %gather3A_1069 : memref<32x512xf32, #tpu.memory_space<vmem>>[vector<16xi32>, vector<16xi32>], vector<16xf32>,
      %add3A_1070 = arith.constant 1 : i32
      %add3A_1071 = arith.addi %scan3A_717, %add3A_1070 : i32
      %lt3A_1072 = arith.constant 32 : i32
      %lt3A_1073 = arith.cmpi slt, %add3A_1071, %lt3A_1072 : i32
      %convert_element_type3A_1074 = arith.extui %lt3A_1073 : i1 to i32
      %cond3A_1075 = arith.constant 0 : i32
      %cond3A_1076 = arith.cmpi ne, %convert_element_type3A_1074, %cond3A_1075 : i32
      scf.if %cond3A_1076 {
        %slice3A_1536 = vector.extract_strided_slice %get3A_725 {offsets = [6], sizes = [1], strides = [1]} : vector<16xi32> to vector<1xi32>
        %squeeze3A_1537 = vector.extract %slice3A_1536[0] : i32 from vector<1xi32>
        %jit3A_1538 = arith.constant 128 : i32
        %div3A_1539 = arith.divsi %squeeze3A_1537, %jit3A_1538 : i32
        %sign3A_1540 = arith.constant 0 : i32
        %sign3A_1541 = arith.cmpi sgt, %squeeze3A_1537, %sign3A_1540 : i32
        %sign3A_1542 = arith.extui %sign3A_1541 : i1 to i32
        %sign3A_1543 = arith.constant 0 : i32
        %sign3A_1544 = arith.cmpi slt, %squeeze3A_1537, %sign3A_1543 : i32
        %sign3A_1545 = arith.extui %sign3A_1544 : i1 to i32
        %sign3A_1546 = arith.subi %sign3A_1542, %sign3A_1545 : i32
        %sign3A_1547 = arith.constant 0 : i32
        %sign3A_1548 = arith.cmpi sgt, %jit3A_1538, %sign3A_1547 : i32
        %sign3A_1549 = arith.extui %sign3A_1548 : i1 to i32
        %sign3A_1550 = arith.constant 0 : i32
        %sign3A_1551 = arith.cmpi slt, %jit3A_1538, %sign3A_1550 : i32
        %sign3A_1552 = arith.extui %sign3A_1551 : i1 to i32
        %sign3A_1553 = arith.subi %sign3A_1549, %sign3A_1552 : i32
        %ne3A_1554 = arith.cmpi ne, %sign3A_1546, %sign3A_1553 : i32
        %rem3A_1555 = arith.remsi %squeeze3A_1537, %jit3A_1538 : i32
        %ne3A_1556 = arith.constant 0 : i32
        %ne3A_1557 = arith.cmpi ne, %rem3A_1555, %ne3A_1556 : i32
        %and3A_1558 = arith.andi %ne3A_1554, %ne3A_1557 : i1
        %sub3A_1559 = arith.constant 1 : i32
        %sub3A_1560 = arith.subi %div3A_1539, %sub3A_1559 : i32
        %select_n3A_1561 = arith.select %and3A_1558, %sub3A_1560, %div3A_1539 : i32
        %mul3A_1562 = arith.constant 128 : i32
        %mul3A_1563 = arith.muli %select_n3A_1561, %mul3A_1562 : i32
        %multiple_of3A_1564 = tpu.assume_multiple %mul3A_1563, 128 : i32
        %dma_start3A_1565 = arith.constant 6 : i32
        %dma_start3A_1566 = arith.constant 6 : i32
        %dma_start3A_1567 = arith.constant 0 : i32
        %dma_start3A_1568 = arith.constant 0 : i32
        %dma_start3A_1569 = tpu.memref_slice %arg6[%dma_start3A_1565, %dma_start3A_1567, %dma_start3A_1568] : memref<16x32x128xf32, #tpu.memory_space<vmem>> -> memref<1x32x128xf32, #tpu.memory_space<vmem>>
        %dma_start3A_1570 = tpu.memref_squeeze %dma_start3A_1569 : memref<1x32x128xf32, #tpu.memory_space<vmem>> -> memref<32x128xf32, #tpu.memory_space<vmem>>
        %dma_start3A_1571 = arith.constant 0 : i32
        %dma_start3A_1572 = tpu.memref_slice %arg3[%dma_start3A_1571, %multiple_of3A_1564] : memref<32x1000001xf32, #tpu.memory_space<hbm>> -> memref<32x128xf32, #tpu.memory_space<hbm>>
        %dma_start3A_1573 = tpu.memref_slice %arg8[%dma_start3A_1566] : memref<16x!tpu.dma_semaphore, #tpu.memory_space<semaphore_mem>> -> memref<1x!tpu.dma_semaphore, #tpu.memory_space<semaphore_mem>>
        %dma_start3A_1574 = tpu.memref_squeeze %dma_start3A_1573 : memref<1x!tpu.dma_semaphore, #tpu.memory_space<semaphore_mem>> -> memref<!tpu.dma_semaphore, #tpu.memory_space<semaphore_mem>>
        %dma_start3A_1575 = arith.constant 0 : i32
        %dma_start3A_1576 = arith.constant 0 : i32
        %dma_start3A_1577 = tpu.memref_slice %arg6[%dma_start3A_1565, %dma_start3A_1575, %dma_start3A_1576] : memref<16x32x128xf32, #tpu.memory_space<vmem>> -> memref<1x32x128xf32, #tpu.memory_space<vmem>>
        %dma_start3A_1578 = tpu.memref_squeeze %dma_start3A_1577 : memref<1x32x128xf32, #tpu.memory_space<vmem>> -> memref<32x128xf32, #tpu.memory_space<vmem>>
        %dma_start3A_1579 = arith.constant 0 : i32
        %dma_start3A_1580 = tpu.memref_slice %arg3[%dma_start3A_1579, %multiple_of3A_1564] : memref<32x1000001xf32, #tpu.memory_space<hbm>> -> memref<32x128xf32, #tpu.memory_space<hbm>>
        tpu.enqueue_dma source(%dma_start3A_1580 : memref<32x128xf32, #tpu.memory_space<hbm>>) target(%dma_start3A_1578 : memref<32x128xf32, #tpu.memory_space<vmem>>) target_semaphore(%dma_start3A_1574 : memref<!tpu.dma_semaphore, #tpu.memory_space<semaphore_mem>>)
      } else {
      }
      %dma_wait3A_1077 = arith.constant 7 : i32
      %dma_wait3A_1078 = arith.constant 7 : i32
      %dma_wait3A_1079 = arith.constant 0 : i32
      %dma_wait3A_1080 = arith.constant 0 : i32
      %dma_wait3A_1081 = tpu.memref_slice %arg6[%dma_wait3A_1077, %dma_wait3A_1079, %dma_wait3A_1080] : memref<16x32x128xf32, #tpu.memory_space<vmem>> -> memref<1x32x128xf32, #tpu.memory_space<vmem>>
      %dma_wait3A_1082 = tpu.memref_squeeze %dma_wait3A_1081 : memref<1x32x128xf32, #tpu.memory_space<vmem>> -> memref<32x128xf32, #tpu.memory_space<vmem>>
      %dma_wait3A_1083 = arith.constant 0 : i32
      %dma_wait3A_1084 = arith.constant 0 : i32
      %dma_wait3A_1085 = tpu.memref_slice %arg3[%dma_wait3A_1083, %dma_wait3A_1084] : memref<32x1000001xf32, #tpu.memory_space<hbm>> -> memref<32x128xf32, #tpu.memory_space<hbm>>
      %dma_wait3A_1086 = tpu.memref_slice %arg8[%dma_wait3A_1078] : memref<16x!tpu.dma_semaphore, #tpu.memory_space<semaphore_mem>> -> memref<1x!tpu.dma_semaphore, #tpu.memory_space<semaphore_mem>>
      %dma_wait3A_1087 = tpu.memref_squeeze %dma_wait3A_1086 : memref<1x!tpu.dma_semaphore, #tpu.memory_space<semaphore_mem>> -> memref<!tpu.dma_semaphore, #tpu.memory_space<semaphore_mem>>
      %dma_wait3A_1088 = arith.constant 0 : i32
      %dma_wait3A_1089 = arith.constant 0 : i32
      %dma_wait3A_1090 = tpu.memref_slice %arg6[%dma_wait3A_1077, %dma_wait3A_1088, %dma_wait3A_1089] : memref<16x32x128xf32, #tpu.memory_space<vmem>> -> memref<1x32x128xf32, #tpu.memory_space<vmem>>
      %dma_wait3A_1091 = tpu.memref_squeeze %dma_wait3A_1090 : memref<1x32x128xf32, #tpu.memory_space<vmem>> -> memref<32x128xf32, #tpu.memory_space<vmem>>
      %dma_wait3A_1092 = arith.constant 0 : i32
      %dma_wait3A_1093 = arith.constant 0 : i32
      %dma_wait3A_1094 = tpu.memref_slice %arg3[%dma_wait3A_1092, %dma_wait3A_1093] : memref<32x1000001xf32, #tpu.memory_space<hbm>> -> memref<32x128xf32, #tpu.memory_space<hbm>>
      tpu.wait_dma2 semaphore(%dma_wait3A_1087 : memref<!tpu.dma_semaphore, #tpu.memory_space<semaphore_mem>>) src(%dma_wait3A_1094 : memref<32x128xf32, #tpu.memory_space<hbm>>) dst(%dma_wait3A_1091 : memref<32x128xf32, #tpu.memory_space<vmem>>)
      %slice3A_1095 = vector.extract_strided_slice %get3A_721 {offsets = [7], sizes = [1], strides = [1]} : vector<16xi32> to vector<1xi32>
      %squeeze3A_1096 = vector.extract %slice3A_1095[0] : i32 from vector<1xi32>
      %rem3A_1097 = arith.constant 128 : i32
      %rem3A_1098 = arith.remsi %squeeze3A_1096, %rem3A_1097 : i32
      %broadcast_in_dim3A_1099 = vector.broadcast %rem3A_1098 : i32 to vector<16xi32>
      %add3A_1100 = arith.constant 7 : i32
      %add3A_1101 = arith.addi %mul3A_719, %add3A_1100 : i32
      %broadcast_in_dim3A_1102 = vector.broadcast %add3A_1101 : i32 to vector<16xi32>
      %add3A_1103 = arith.constant 0 : i32
      %add3A_1104 = vector.broadcast %add3A_1103 : i32 to vector<16xi32>
      %add3A_1105 = arith.addi %iota3A, %add3A_1104 : vector<16xi32>
      %gather3A_1106 = arith.constant 7 : i32
      %gather3A_1107 = arith.constant 0 : i32
      %gather3A_1108 = arith.constant 0 : i32
      %gather3A_1109 = tpu.memref_slice %arg6[%gather3A_1106, %gather3A_1107, %gather3A_1108] : memref<16x32x128xf32, #tpu.memory_space<vmem>> -> memref<1x32x128xf32, #tpu.memory_space<vmem>>
      %gather3A_1110 = tpu.memref_squeeze %gather3A_1109 : memref<1x32x128xf32, #tpu.memory_space<vmem>> -> memref<32x128xf32, #tpu.memory_space<vmem>>
      %gather3A_1111 = tpu.vector_load_idx %gather3A_1110[%add3A_1105, %broadcast_in_dim3A_1099] : memref<32x128xf32, #tpu.memory_space<vmem>>[vector<16xi32>, vector<16xi32>], vector<16xf32>,
      tpu.vector_store_idx %arg7[%add3A_1105, %broadcast_in_dim3A_1102], %gather3A_1111 : memref<32x512xf32, #tpu.memory_space<vmem>>[vector<16xi32>, vector<16xi32>], vector<16xf32>,
      %add3A_1112 = arith.constant 16 : i32
      %add3A_1113 = vector.broadcast %add3A_1112 : i32 to vector<16xi32>
      %add3A_1114 = arith.addi %iota3A, %add3A_1113 : vector<16xi32>
      %gather3A_1115 = arith.constant 7 : i32
      %gather3A_1116 = arith.constant 0 : i32
      %gather3A_1117 = arith.constant 0 : i32
      %gather3A_1118 = tpu.memref_slice %arg6[%gather3A_1115, %gather3A_1116, %gather3A_1117] : memref<16x32x128xf32, #tpu.memory_space<vmem>> -> memref<1x32x128xf32, #tpu.memory_space<vmem>>
      %gather3A_1119 = tpu.memref_squeeze %gather3A_1118 : memref<1x32x128xf32, #tpu.memory_space<vmem>> -> memref<32x128xf32, #tpu.memory_space<vmem>>
      %gather3A_1120 = tpu.vector_load_idx %gather3A_1119[%add3A_1114, %broadcast_in_dim3A_1099] : memref<32x128xf32, #tpu.memory_space<vmem>>[vector<16xi32>, vector<16xi32>], vector<16xf32>,
      tpu.vector_store_idx %arg7[%add3A_1114, %broadcast_in_dim3A_1102], %gather3A_1120 : memref<32x512xf32, #tpu.memory_space<vmem>>[vector<16xi32>, vector<16xi32>], vector<16xf32>,
      %add3A_1121 = arith.constant 1 : i32
      %add3A_1122 = arith.addi %scan3A_717, %add3A_1121 : i32
      %lt3A_1123 = arith.constant 32 : i32
      %lt3A_1124 = arith.cmpi slt, %add3A_1122, %lt3A_1123 : i32
      %convert_element_type3A_1125 = arith.extui %lt3A_1124 : i1 to i32
      %cond3A_1126 = arith.constant 0 : i32
      %cond3A_1127 = arith.cmpi ne, %convert_element_type3A_1125, %cond3A_1126 : i32
      scf.if %cond3A_1127 {
        %slice3A_1536 = vector.extract_strided_slice %get3A_725 {offsets = [7], sizes = [1], strides = [1]} : vector<16xi32> to vector<1xi32>
        %squeeze3A_1537 = vector.extract %slice3A_1536[0] : i32 from vector<1xi32>
        %jit3A_1538 = arith.constant 128 : i32
        %div3A_1539 = arith.divsi %squeeze3A_1537, %jit3A_1538 : i32
        %sign3A_1540 = arith.constant 0 : i32
        %sign3A_1541 = arith.cmpi sgt, %squeeze3A_1537, %sign3A_1540 : i32
        %sign3A_1542 = arith.extui %sign3A_1541 : i1 to i32
        %sign3A_1543 = arith.constant 0 : i32
        %sign3A_1544 = arith.cmpi slt, %squeeze3A_1537, %sign3A_1543 : i32
        %sign3A_1545 = arith.extui %sign3A_1544 : i1 to i32
        %sign3A_1546 = arith.subi %sign3A_1542, %sign3A_1545 : i32
        %sign3A_1547 = arith.constant 0 : i32
        %sign3A_1548 = arith.cmpi sgt, %jit3A_1538, %sign3A_1547 : i32
        %sign3A_1549 = arith.extui %sign3A_1548 : i1 to i32
        %sign3A_1550 = arith.constant 0 : i32
        %sign3A_1551 = arith.cmpi slt, %jit3A_1538, %sign3A_1550 : i32
        %sign3A_1552 = arith.extui %sign3A_1551 : i1 to i32
        %sign3A_1553 = arith.subi %sign3A_1549, %sign3A_1552 : i32
        %ne3A_1554 = arith.cmpi ne, %sign3A_1546, %sign3A_1553 : i32
        %rem3A_1555 = arith.remsi %squeeze3A_1537, %jit3A_1538 : i32
        %ne3A_1556 = arith.constant 0 : i32
        %ne3A_1557 = arith.cmpi ne, %rem3A_1555, %ne3A_1556 : i32
        %and3A_1558 = arith.andi %ne3A_1554, %ne3A_1557 : i1
        %sub3A_1559 = arith.constant 1 : i32
        %sub3A_1560 = arith.subi %div3A_1539, %sub3A_1559 : i32
        %select_n3A_1561 = arith.select %and3A_1558, %sub3A_1560, %div3A_1539 : i32
        %mul3A_1562 = arith.constant 128 : i32
        %mul3A_1563 = arith.muli %select_n3A_1561, %mul3A_1562 : i32
        %multiple_of3A_1564 = tpu.assume_multiple %mul3A_1563, 128 : i32
        %dma_start3A_1565 = arith.constant 7 : i32
        %dma_start3A_1566 = arith.constant 7 : i32
        %dma_start3A_1567 = arith.constant 0 : i32
        %dma_start3A_1568 = arith.constant 0 : i32
        %dma_start3A_1569 = tpu.memref_slice %arg6[%dma_start3A_1565, %dma_start3A_1567, %dma_start3A_1568] : memref<16x32x128xf32, #tpu.memory_space<vmem>> -> memref<1x32x128xf32, #tpu.memory_space<vmem>>
        %dma_start3A_1570 = tpu.memref_squeeze %dma_start3A_1569 : memref<1x32x128xf32, #tpu.memory_space<vmem>> -> memref<32x128xf32, #tpu.memory_space<vmem>>
        %dma_start3A_1571 = arith.constant 0 : i32
        %dma_start3A_1572 = tpu.memref_slice %arg3[%dma_start3A_1571, %multiple_of3A_1564] : memref<32x1000001xf32, #tpu.memory_space<hbm>> -> memref<32x128xf32, #tpu.memory_space<hbm>>
        %dma_start3A_1573 = tpu.memref_slice %arg8[%dma_start3A_1566] : memref<16x!tpu.dma_semaphore, #tpu.memory_space<semaphore_mem>> -> memref<1x!tpu.dma_semaphore, #tpu.memory_space<semaphore_mem>>
        %dma_start3A_1574 = tpu.memref_squeeze %dma_start3A_1573 : memref<1x!tpu.dma_semaphore, #tpu.memory_space<semaphore_mem>> -> memref<!tpu.dma_semaphore, #tpu.memory_space<semaphore_mem>>
        %dma_start3A_1575 = arith.constant 0 : i32
        %dma_start3A_1576 = arith.constant 0 : i32
        %dma_start3A_1577 = tpu.memref_slice %arg6[%dma_start3A_1565, %dma_start3A_1575, %dma_start3A_1576] : memref<16x32x128xf32, #tpu.memory_space<vmem>> -> memref<1x32x128xf32, #tpu.memory_space<vmem>>
        %dma_start3A_1578 = tpu.memref_squeeze %dma_start3A_1577 : memref<1x32x128xf32, #tpu.memory_space<vmem>> -> memref<32x128xf32, #tpu.memory_space<vmem>>
        %dma_start3A_1579 = arith.constant 0 : i32
        %dma_start3A_1580 = tpu.memref_slice %arg3[%dma_start3A_1579, %multiple_of3A_1564] : memref<32x1000001xf32, #tpu.memory_space<hbm>> -> memref<32x128xf32, #tpu.memory_space<hbm>>
        tpu.enqueue_dma source(%dma_start3A_1580 : memref<32x128xf32, #tpu.memory_space<hbm>>) target(%dma_start3A_1578 : memref<32x128xf32, #tpu.memory_space<vmem>>) target_semaphore(%dma_start3A_1574 : memref<!tpu.dma_semaphore, #tpu.memory_space<semaphore_mem>>)
      } else {
      }
      %dma_wait3A_1128 = arith.constant 8 : i32
      %dma_wait3A_1129 = arith.constant 8 : i32
      %dma_wait3A_1130 = arith.constant 0 : i32
      %dma_wait3A_1131 = arith.constant 0 : i32
      %dma_wait3A_1132 = tpu.memref_slice %arg6[%dma_wait3A_1128, %dma_wait3A_1130, %dma_wait3A_1131] : memref<16x32x128xf32, #tpu.memory_space<vmem>> -> memref<1x32x128xf32, #tpu.memory_space<vmem>>
      %dma_wait3A_1133 = tpu.memref_squeeze %dma_wait3A_1132 : memref<1x32x128xf32, #tpu.memory_space<vmem>> -> memref<32x128xf32, #tpu.memory_space<vmem>>
      %dma_wait3A_1134 = arith.constant 0 : i32
      %dma_wait3A_1135 = arith.constant 0 : i32
      %dma_wait3A_1136 = tpu.memref_slice %arg3[%dma_wait3A_1134, %dma_wait3A_1135] : memref<32x1000001xf32, #tpu.memory_space<hbm>> -> memref<32x128xf32, #tpu.memory_space<hbm>>
      %dma_wait3A_1137 = tpu.memref_slice %arg8[%dma_wait3A_1129] : memref<16x!tpu.dma_semaphore, #tpu.memory_space<semaphore_mem>> -> memref<1x!tpu.dma_semaphore, #tpu.memory_space<semaphore_mem>>
      %dma_wait3A_1138 = tpu.memref_squeeze %dma_wait3A_1137 : memref<1x!tpu.dma_semaphore, #tpu.memory_space<semaphore_mem>> -> memref<!tpu.dma_semaphore, #tpu.memory_space<semaphore_mem>>
      %dma_wait3A_1139 = arith.constant 0 : i32
      %dma_wait3A_1140 = arith.constant 0 : i32
      %dma_wait3A_1141 = tpu.memref_slice %arg6[%dma_wait3A_1128, %dma_wait3A_1139, %dma_wait3A_1140] : memref<16x32x128xf32, #tpu.memory_space<vmem>> -> memref<1x32x128xf32, #tpu.memory_space<vmem>>
      %dma_wait3A_1142 = tpu.memref_squeeze %dma_wait3A_1141 : memref<1x32x128xf32, #tpu.memory_space<vmem>> -> memref<32x128xf32, #tpu.memory_space<vmem>>
      %dma_wait3A_1143 = arith.constant 0 : i32
      %dma_wait3A_1144 = arith.constant 0 : i32
      %dma_wait3A_1145 = tpu.memref_slice %arg3[%dma_wait3A_1143, %dma_wait3A_1144] : memref<32x1000001xf32, #tpu.memory_space<hbm>> -> memref<32x128xf32, #tpu.memory_space<hbm>>
      tpu.wait_dma2 semaphore(%dma_wait3A_1138 : memref<!tpu.dma_semaphore, #tpu.memory_space<semaphore_mem>>) src(%dma_wait3A_1145 : memref<32x128xf32, #tpu.memory_space<hbm>>) dst(%dma_wait3A_1142 : memref<32x128xf32, #tpu.memory_space<vmem>>)
      %slice3A_1146 = vector.extract_strided_slice %get3A_721 {offsets = [8], sizes = [1], strides = [1]} : vector<16xi32> to vector<1xi32>
      %squeeze3A_1147 = vector.extract %slice3A_1146[0] : i32 from vector<1xi32>
      %rem3A_1148 = arith.constant 128 : i32
      %rem3A_1149 = arith.remsi %squeeze3A_1147, %rem3A_1148 : i32
      %broadcast_in_dim3A_1150 = vector.broadcast %rem3A_1149 : i32 to vector<16xi32>
      %add3A_1151 = arith.constant 8 : i32
      %add3A_1152 = arith.addi %mul3A_719, %add3A_1151 : i32
      %broadcast_in_dim3A_1153 = vector.broadcast %add3A_1152 : i32 to vector<16xi32>
      %add3A_1154 = arith.constant 0 : i32
      %add3A_1155 = vector.broadcast %add3A_1154 : i32 to vector<16xi32>
      %add3A_1156 = arith.addi %iota3A, %add3A_1155 : vector<16xi32>
      %gather3A_1157 = arith.constant 8 : i32
      %gather3A_1158 = arith.constant 0 : i32
      %gather3A_1159 = arith.constant 0 : i32
      %gather3A_1160 = tpu.memref_slice %arg6[%gather3A_1157, %gather3A_1158, %gather3A_1159] : memref<16x32x128xf32, #tpu.memory_space<vmem>> -> memref<1x32x128xf32, #tpu.memory_space<vmem>>
      %gather3A_1161 = tpu.memref_squeeze %gather3A_1160 : memref<1x32x128xf32, #tpu.memory_space<vmem>> -> memref<32x128xf32, #tpu.memory_space<vmem>>
      %gather3A_1162 = tpu.vector_load_idx %gather3A_1161[%add3A_1156, %broadcast_in_dim3A_1150] : memref<32x128xf32, #tpu.memory_space<vmem>>[vector<16xi32>, vector<16xi32>], vector<16xf32>,
      tpu.vector_store_idx %arg7[%add3A_1156, %broadcast_in_dim3A_1153], %gather3A_1162 : memref<32x512xf32, #tpu.memory_space<vmem>>[vector<16xi32>, vector<16xi32>], vector<16xf32>,
      %add3A_1163 = arith.constant 16 : i32
      %add3A_1164 = vector.broadcast %add3A_1163 : i32 to vector<16xi32>
      %add3A_1165 = arith.addi %iota3A, %add3A_1164 : vector<16xi32>
      %gather3A_1166 = arith.constant 8 : i32
      %gather3A_1167 = arith.constant 0 : i32
      %gather3A_1168 = arith.constant 0 : i32
      %gather3A_1169 = tpu.memref_slice %arg6[%gather3A_1166, %gather3A_1167, %gather3A_1168] : memref<16x32x128xf32, #tpu.memory_space<vmem>> -> memref<1x32x128xf32, #tpu.memory_space<vmem>>
      %gather3A_1170 = tpu.memref_squeeze %gather3A_1169 : memref<1x32x128xf32, #tpu.memory_space<vmem>> -> memref<32x128xf32, #tpu.memory_space<vmem>>
      %gather3A_1171 = tpu.vector_load_idx %gather3A_1170[%add3A_1165, %broadcast_in_dim3A_1150] : memref<32x128xf32, #tpu.memory_space<vmem>>[vector<16xi32>, vector<16xi32>], vector<16xf32>,
      tpu.vector_store_idx %arg7[%add3A_1165, %broadcast_in_dim3A_1153], %gather3A_1171 : memref<32x512xf32, #tpu.memory_space<vmem>>[vector<16xi32>, vector<16xi32>], vector<16xf32>,
      %add3A_1172 = arith.constant 1 : i32
      %add3A_1173 = arith.addi %scan3A_717, %add3A_1172 : i32
      %lt3A_1174 = arith.constant 32 : i32
      %lt3A_1175 = arith.cmpi slt, %add3A_1173, %lt3A_1174 : i32
      %convert_element_type3A_1176 = arith.extui %lt3A_1175 : i1 to i32
      %cond3A_1177 = arith.constant 0 : i32
      %cond3A_1178 = arith.cmpi ne, %convert_element_type3A_1176, %cond3A_1177 : i32
      scf.if %cond3A_1178 {
        %slice3A_1536 = vector.extract_strided_slice %get3A_725 {offsets = [8], sizes = [1], strides = [1]} : vector<16xi32> to vector<1xi32>
        %squeeze3A_1537 = vector.extract %slice3A_1536[0] : i32 from vector<1xi32>
        %jit3A_1538 = arith.constant 128 : i32
        %div3A_1539 = arith.divsi %squeeze3A_1537, %jit3A_1538 : i32
        %sign3A_1540 = arith.constant 0 : i32
        %sign3A_1541 = arith.cmpi sgt, %squeeze3A_1537, %sign3A_1540 : i32
        %sign3A_1542 = arith.extui %sign3A_1541 : i1 to i32
        %sign3A_1543 = arith.constant 0 : i32
        %sign3A_1544 = arith.cmpi slt, %squeeze3A_1537, %sign3A_1543 : i32
        %sign3A_1545 = arith.extui %sign3A_1544 : i1 to i32
        %sign3A_1546 = arith.subi %sign3A_1542, %sign3A_1545 : i32
        %sign3A_1547 = arith.constant 0 : i32
        %sign3A_1548 = arith.cmpi sgt, %jit3A_1538, %sign3A_1547 : i32
        %sign3A_1549 = arith.extui %sign3A_1548 : i1 to i32
        %sign3A_1550 = arith.constant 0 : i32
        %sign3A_1551 = arith.cmpi slt, %jit3A_1538, %sign3A_1550 : i32
        %sign3A_1552 = arith.extui %sign3A_1551 : i1 to i32
        %sign3A_1553 = arith.subi %sign3A_1549, %sign3A_1552 : i32
        %ne3A_1554 = arith.cmpi ne, %sign3A_1546, %sign3A_1553 : i32
        %rem3A_1555 = arith.remsi %squeeze3A_1537, %jit3A_1538 : i32
        %ne3A_1556 = arith.constant 0 : i32
        %ne3A_1557 = arith.cmpi ne, %rem3A_1555, %ne3A_1556 : i32
        %and3A_1558 = arith.andi %ne3A_1554, %ne3A_1557 : i1
        %sub3A_1559 = arith.constant 1 : i32
        %sub3A_1560 = arith.subi %div3A_1539, %sub3A_1559 : i32
        %select_n3A_1561 = arith.select %and3A_1558, %sub3A_1560, %div3A_1539 : i32
        %mul3A_1562 = arith.constant 128 : i32
        %mul3A_1563 = arith.muli %select_n3A_1561, %mul3A_1562 : i32
        %multiple_of3A_1564 = tpu.assume_multiple %mul3A_1563, 128 : i32
        %dma_start3A_1565 = arith.constant 8 : i32
        %dma_start3A_1566 = arith.constant 8 : i32
        %dma_start3A_1567 = arith.constant 0 : i32
        %dma_start3A_1568 = arith.constant 0 : i32
        %dma_start3A_1569 = tpu.memref_slice %arg6[%dma_start3A_1565, %dma_start3A_1567, %dma_start3A_1568] : memref<16x32x128xf32, #tpu.memory_space<vmem>> -> memref<1x32x128xf32, #tpu.memory_space<vmem>>
        %dma_start3A_1570 = tpu.memref_squeeze %dma_start3A_1569 : memref<1x32x128xf32, #tpu.memory_space<vmem>> -> memref<32x128xf32, #tpu.memory_space<vmem>>
        %dma_start3A_1571 = arith.constant 0 : i32
        %dma_start3A_1572 = tpu.memref_slice %arg3[%dma_start3A_1571, %multiple_of3A_1564] : memref<32x1000001xf32, #tpu.memory_space<hbm>> -> memref<32x128xf32, #tpu.memory_space<hbm>>
        %dma_start3A_1573 = tpu.memref_slice %arg8[%dma_start3A_1566] : memref<16x!tpu.dma_semaphore, #tpu.memory_space<semaphore_mem>> -> memref<1x!tpu.dma_semaphore, #tpu.memory_space<semaphore_mem>>
        %dma_start3A_1574 = tpu.memref_squeeze %dma_start3A_1573 : memref<1x!tpu.dma_semaphore, #tpu.memory_space<semaphore_mem>> -> memref<!tpu.dma_semaphore, #tpu.memory_space<semaphore_mem>>
        %dma_start3A_1575 = arith.constant 0 : i32
        %dma_start3A_1576 = arith.constant 0 : i32
        %dma_start3A_1577 = tpu.memref_slice %arg6[%dma_start3A_1565, %dma_start3A_1575, %dma_start3A_1576] : memref<16x32x128xf32, #tpu.memory_space<vmem>> -> memref<1x32x128xf32, #tpu.memory_space<vmem>>
        %dma_start3A_1578 = tpu.memref_squeeze %dma_start3A_1577 : memref<1x32x128xf32, #tpu.memory_space<vmem>> -> memref<32x128xf32, #tpu.memory_space<vmem>>
        %dma_start3A_1579 = arith.constant 0 : i32
        %dma_start3A_1580 = tpu.memref_slice %arg3[%dma_start3A_1579, %multiple_of3A_1564] : memref<32x1000001xf32, #tpu.memory_space<hbm>> -> memref<32x128xf32, #tpu.memory_space<hbm>>
        tpu.enqueue_dma source(%dma_start3A_1580 : memref<32x128xf32, #tpu.memory_space<hbm>>) target(%dma_start3A_1578 : memref<32x128xf32, #tpu.memory_space<vmem>>) target_semaphore(%dma_start3A_1574 : memref<!tpu.dma_semaphore, #tpu.memory_space<semaphore_mem>>)
      } else {
      }
      %dma_wait3A_1179 = arith.constant 9 : i32
      %dma_wait3A_1180 = arith.constant 9 : i32
      %dma_wait3A_1181 = arith.constant 0 : i32
      %dma_wait3A_1182 = arith.constant 0 : i32
      %dma_wait3A_1183 = tpu.memref_slice %arg6[%dma_wait3A_1179, %dma_wait3A_1181, %dma_wait3A_1182] : memref<16x32x128xf32, #tpu.memory_space<vmem>> -> memref<1x32x128xf32, #tpu.memory_space<vmem>>
      %dma_wait3A_1184 = tpu.memref_squeeze %dma_wait3A_1183 : memref<1x32x128xf32, #tpu.memory_space<vmem>> -> memref<32x128xf32, #tpu.memory_space<vmem>>
      %dma_wait3A_1185 = arith.constant 0 : i32
      %dma_wait3A_1186 = arith.constant 0 : i32
      %dma_wait3A_1187 = tpu.memref_slice %arg3[%dma_wait3A_1185, %dma_wait3A_1186] : memref<32x1000001xf32, #tpu.memory_space<hbm>> -> memref<32x128xf32, #tpu.memory_space<hbm>>
      %dma_wait3A_1188 = tpu.memref_slice %arg8[%dma_wait3A_1180] : memref<16x!tpu.dma_semaphore, #tpu.memory_space<semaphore_mem>> -> memref<1x!tpu.dma_semaphore, #tpu.memory_space<semaphore_mem>>
      %dma_wait3A_1189 = tpu.memref_squeeze %dma_wait3A_1188 : memref<1x!tpu.dma_semaphore, #tpu.memory_space<semaphore_mem>> -> memref<!tpu.dma_semaphore, #tpu.memory_space<semaphore_mem>>
      %dma_wait3A_1190 = arith.constant 0 : i32
      %dma_wait3A_1191 = arith.constant 0 : i32
      %dma_wait3A_1192 = tpu.memref_slice %arg6[%dma_wait3A_1179, %dma_wait3A_1190, %dma_wait3A_1191] : memref<16x32x128xf32, #tpu.memory_space<vmem>> -> memref<1x32x128xf32, #tpu.memory_space<vmem>>
      %dma_wait3A_1193 = tpu.memref_squeeze %dma_wait3A_1192 : memref<1x32x128xf32, #tpu.memory_space<vmem>> -> memref<32x128xf32, #tpu.memory_space<vmem>>
      %dma_wait3A_1194 = arith.constant 0 : i32
      %dma_wait3A_1195 = arith.constant 0 : i32
      %dma_wait3A_1196 = tpu.memref_slice %arg3[%dma_wait3A_1194, %dma_wait3A_1195] : memref<32x1000001xf32, #tpu.memory_space<hbm>> -> memref<32x128xf32, #tpu.memory_space<hbm>>
      tpu.wait_dma2 semaphore(%dma_wait3A_1189 : memref<!tpu.dma_semaphore, #tpu.memory_space<semaphore_mem>>) src(%dma_wait3A_1196 : memref<32x128xf32, #tpu.memory_space<hbm>>) dst(%dma_wait3A_1193 : memref<32x128xf32, #tpu.memory_space<vmem>>)
      %slice3A_1197 = vector.extract_strided_slice %get3A_721 {offsets = [9], sizes = [1], strides = [1]} : vector<16xi32> to vector<1xi32>
      %squeeze3A_1198 = vector.extract %slice3A_1197[0] : i32 from vector<1xi32>
      %rem3A_1199 = arith.constant 128 : i32
      %rem3A_1200 = arith.remsi %squeeze3A_1198, %rem3A_1199 : i32
      %broadcast_in_dim3A_1201 = vector.broadcast %rem3A_1200 : i32 to vector<16xi32>
      %add3A_1202 = arith.constant 9 : i32
      %add3A_1203 = arith.addi %mul3A_719, %add3A_1202 : i32
      %broadcast_in_dim3A_1204 = vector.broadcast %add3A_1203 : i32 to vector<16xi32>
      %add3A_1205 = arith.constant 0 : i32
      %add3A_1206 = vector.broadcast %add3A_1205 : i32 to vector<16xi32>
      %add3A_1207 = arith.addi %iota3A, %add3A_1206 : vector<16xi32>
      %gather3A_1208 = arith.constant 9 : i32
      %gather3A_1209 = arith.constant 0 : i32
      %gather3A_1210 = arith.constant 0 : i32
      %gather3A_1211 = tpu.memref_slice %arg6[%gather3A_1208, %gather3A_1209, %gather3A_1210] : memref<16x32x128xf32, #tpu.memory_space<vmem>> -> memref<1x32x128xf32, #tpu.memory_space<vmem>>
      %gather3A_1212 = tpu.memref_squeeze %gather3A_1211 : memref<1x32x128xf32, #tpu.memory_space<vmem>> -> memref<32x128xf32, #tpu.memory_space<vmem>>
      %gather3A_1213 = tpu.vector_load_idx %gather3A_1212[%add3A_1207, %broadcast_in_dim3A_1201] : memref<32x128xf32, #tpu.memory_space<vmem>>[vector<16xi32>, vector<16xi32>], vector<16xf32>,
      tpu.vector_store_idx %arg7[%add3A_1207, %broadcast_in_dim3A_1204], %gather3A_1213 : memref<32x512xf32, #tpu.memory_space<vmem>>[vector<16xi32>, vector<16xi32>], vector<16xf32>,
      %add3A_1214 = arith.constant 16 : i32
      %add3A_1215 = vector.broadcast %add3A_1214 : i32 to vector<16xi32>
      %add3A_1216 = arith.addi %iota3A, %add3A_1215 : vector<16xi32>
      %gather3A_1217 = arith.constant 9 : i32
      %gather3A_1218 = arith.constant 0 : i32
      %gather3A_1219 = arith.constant 0 : i32
      %gather3A_1220 = tpu.memref_slice %arg6[%gather3A_1217, %gather3A_1218, %gather3A_1219] : memref<16x32x128xf32, #tpu.memory_space<vmem>> -> memref<1x32x128xf32, #tpu.memory_space<vmem>>
      %gather3A_1221 = tpu.memref_squeeze %gather3A_1220 : memref<1x32x128xf32, #tpu.memory_space<vmem>> -> memref<32x128xf32, #tpu.memory_space<vmem>>
      %gather3A_1222 = tpu.vector_load_idx %gather3A_1221[%add3A_1216, %broadcast_in_dim3A_1201] : memref<32x128xf32, #tpu.memory_space<vmem>>[vector<16xi32>, vector<16xi32>], vector<16xf32>,
      tpu.vector_store_idx %arg7[%add3A_1216, %broadcast_in_dim3A_1204], %gather3A_1222 : memref<32x512xf32, #tpu.memory_space<vmem>>[vector<16xi32>, vector<16xi32>], vector<16xf32>,
      %add3A_1223 = arith.constant 1 : i32
      %add3A_1224 = arith.addi %scan3A_717, %add3A_1223 : i32
      %lt3A_1225 = arith.constant 32 : i32
      %lt3A_1226 = arith.cmpi slt, %add3A_1224, %lt3A_1225 : i32
      %convert_element_type3A_1227 = arith.extui %lt3A_1226 : i1 to i32
      %cond3A_1228 = arith.constant 0 : i32
      %cond3A_1229 = arith.cmpi ne, %convert_element_type3A_1227, %cond3A_1228 : i32
      scf.if %cond3A_1229 {
        %slice3A_1536 = vector.extract_strided_slice %get3A_725 {offsets = [9], sizes = [1], strides = [1]} : vector<16xi32> to vector<1xi32>
        %squeeze3A_1537 = vector.extract %slice3A_1536[0] : i32 from vector<1xi32>
        %jit3A_1538 = arith.constant 128 : i32
        %div3A_1539 = arith.divsi %squeeze3A_1537, %jit3A_1538 : i32
        %sign3A_1540 = arith.constant 0 : i32
        %sign3A_1541 = arith.cmpi sgt, %squeeze3A_1537, %sign3A_1540 : i32
        %sign3A_1542 = arith.extui %sign3A_1541 : i1 to i32
        %sign3A_1543 = arith.constant 0 : i32
        %sign3A_1544 = arith.cmpi slt, %squeeze3A_1537, %sign3A_1543 : i32
        %sign3A_1545 = arith.extui %sign3A_1544 : i1 to i32
        %sign3A_1546 = arith.subi %sign3A_1542, %sign3A_1545 : i32
        %sign3A_1547 = arith.constant 0 : i32
        %sign3A_1548 = arith.cmpi sgt, %jit3A_1538, %sign3A_1547 : i32
        %sign3A_1549 = arith.extui %sign3A_1548 : i1 to i32
        %sign3A_1550 = arith.constant 0 : i32
        %sign3A_1551 = arith.cmpi slt, %jit3A_1538, %sign3A_1550 : i32
        %sign3A_1552 = arith.extui %sign3A_1551 : i1 to i32
        %sign3A_1553 = arith.subi %sign3A_1549, %sign3A_1552 : i32
        %ne3A_1554 = arith.cmpi ne, %sign3A_1546, %sign3A_1553 : i32
        %rem3A_1555 = arith.remsi %squeeze3A_1537, %jit3A_1538 : i32
        %ne3A_1556 = arith.constant 0 : i32
        %ne3A_1557 = arith.cmpi ne, %rem3A_1555, %ne3A_1556 : i32
        %and3A_1558 = arith.andi %ne3A_1554, %ne3A_1557 : i1
        %sub3A_1559 = arith.constant 1 : i32
        %sub3A_1560 = arith.subi %div3A_1539, %sub3A_1559 : i32
        %select_n3A_1561 = arith.select %and3A_1558, %sub3A_1560, %div3A_1539 : i32
        %mul3A_1562 = arith.constant 128 : i32
        %mul3A_1563 = arith.muli %select_n3A_1561, %mul3A_1562 : i32
        %multiple_of3A_1564 = tpu.assume_multiple %mul3A_1563, 128 : i32
        %dma_start3A_1565 = arith.constant 9 : i32
        %dma_start3A_1566 = arith.constant 9 : i32
        %dma_start3A_1567 = arith.constant 0 : i32
        %dma_start3A_1568 = arith.constant 0 : i32
        %dma_start3A_1569 = tpu.memref_slice %arg6[%dma_start3A_1565, %dma_start3A_1567, %dma_start3A_1568] : memref<16x32x128xf32, #tpu.memory_space<vmem>> -> memref<1x32x128xf32, #tpu.memory_space<vmem>>
        %dma_start3A_1570 = tpu.memref_squeeze %dma_start3A_1569 : memref<1x32x128xf32, #tpu.memory_space<vmem>> -> memref<32x128xf32, #tpu.memory_space<vmem>>
        %dma_start3A_1571 = arith.constant 0 : i32
        %dma_start3A_1572 = tpu.memref_slice %arg3[%dma_start3A_1571, %multiple_of3A_1564] : memref<32x1000001xf32, #tpu.memory_space<hbm>> -> memref<32x128xf32, #tpu.memory_space<hbm>>
        %dma_start3A_1573 = tpu.memref_slice %arg8[%dma_start3A_1566] : memref<16x!tpu.dma_semaphore, #tpu.memory_space<semaphore_mem>> -> memref<1x!tpu.dma_semaphore, #tpu.memory_space<semaphore_mem>>
        %dma_start3A_1574 = tpu.memref_squeeze %dma_start3A_1573 : memref<1x!tpu.dma_semaphore, #tpu.memory_space<semaphore_mem>> -> memref<!tpu.dma_semaphore, #tpu.memory_space<semaphore_mem>>
        %dma_start3A_1575 = arith.constant 0 : i32
        %dma_start3A_1576 = arith.constant 0 : i32
        %dma_start3A_1577 = tpu.memref_slice %arg6[%dma_start3A_1565, %dma_start3A_1575, %dma_start3A_1576] : memref<16x32x128xf32, #tpu.memory_space<vmem>> -> memref<1x32x128xf32, #tpu.memory_space<vmem>>
        %dma_start3A_1578 = tpu.memref_squeeze %dma_start3A_1577 : memref<1x32x128xf32, #tpu.memory_space<vmem>> -> memref<32x128xf32, #tpu.memory_space<vmem>>
        %dma_start3A_1579 = arith.constant 0 : i32
        %dma_start3A_1580 = tpu.memref_slice %arg3[%dma_start3A_1579, %multiple_of3A_1564] : memref<32x1000001xf32, #tpu.memory_space<hbm>> -> memref<32x128xf32, #tpu.memory_space<hbm>>
        tpu.enqueue_dma source(%dma_start3A_1580 : memref<32x128xf32, #tpu.memory_space<hbm>>) target(%dma_start3A_1578 : memref<32x128xf32, #tpu.memory_space<vmem>>) target_semaphore(%dma_start3A_1574 : memref<!tpu.dma_semaphore, #tpu.memory_space<semaphore_mem>>)
      } else {
      }
      %dma_wait3A_1230 = arith.constant 10 : i32
      %dma_wait3A_1231 = arith.constant 10 : i32
      %dma_wait3A_1232 = arith.constant 0 : i32
      %dma_wait3A_1233 = arith.constant 0 : i32
      %dma_wait3A_1234 = tpu.memref_slice %arg6[%dma_wait3A_1230, %dma_wait3A_1232, %dma_wait3A_1233] : memref<16x32x128xf32, #tpu.memory_space<vmem>> -> memref<1x32x128xf32, #tpu.memory_space<vmem>>
      %dma_wait3A_1235 = tpu.memref_squeeze %dma_wait3A_1234 : memref<1x32x128xf32, #tpu.memory_space<vmem>> -> memref<32x128xf32, #tpu.memory_space<vmem>>
      %dma_wait3A_1236 = arith.constant 0 : i32
      %dma_wait3A_1237 = arith.constant 0 : i32
      %dma_wait3A_1238 = tpu.memref_slice %arg3[%dma_wait3A_1236, %dma_wait3A_1237] : memref<32x1000001xf32, #tpu.memory_space<hbm>> -> memref<32x128xf32, #tpu.memory_space<hbm>>
      %dma_wait3A_1239 = tpu.memref_slice %arg8[%dma_wait3A_1231] : memref<16x!tpu.dma_semaphore, #tpu.memory_space<semaphore_mem>> -> memref<1x!tpu.dma_semaphore, #tpu.memory_space<semaphore_mem>>
      %dma_wait3A_1240 = tpu.memref_squeeze %dma_wait3A_1239 : memref<1x!tpu.dma_semaphore, #tpu.memory_space<semaphore_mem>> -> memref<!tpu.dma_semaphore, #tpu.memory_space<semaphore_mem>>
      %dma_wait3A_1241 = arith.constant 0 : i32
      %dma_wait3A_1242 = arith.constant 0 : i32
      %dma_wait3A_1243 = tpu.memref_slice %arg6[%dma_wait3A_1230, %dma_wait3A_1241, %dma_wait3A_1242] : memref<16x32x128xf32, #tpu.memory_space<vmem>> -> memref<1x32x128xf32, #tpu.memory_space<vmem>>
      %dma_wait3A_1244 = tpu.memref_squeeze %dma_wait3A_1243 : memref<1x32x128xf32, #tpu.memory_space<vmem>> -> memref<32x128xf32, #tpu.memory_space<vmem>>
      %dma_wait3A_1245 = arith.constant 0 : i32
      %dma_wait3A_1246 = arith.constant 0 : i32
      %dma_wait3A_1247 = tpu.memref_slice %arg3[%dma_wait3A_1245, %dma_wait3A_1246] : memref<32x1000001xf32, #tpu.memory_space<hbm>> -> memref<32x128xf32, #tpu.memory_space<hbm>>
      tpu.wait_dma2 semaphore(%dma_wait3A_1240 : memref<!tpu.dma_semaphore, #tpu.memory_space<semaphore_mem>>) src(%dma_wait3A_1247 : memref<32x128xf32, #tpu.memory_space<hbm>>) dst(%dma_wait3A_1244 : memref<32x128xf32, #tpu.memory_space<vmem>>)
      %slice3A_1248 = vector.extract_strided_slice %get3A_721 {offsets = [10], sizes = [1], strides = [1]} : vector<16xi32> to vector<1xi32>
      %squeeze3A_1249 = vector.extract %slice3A_1248[0] : i32 from vector<1xi32>
      %rem3A_1250 = arith.constant 128 : i32
      %rem3A_1251 = arith.remsi %squeeze3A_1249, %rem3A_1250 : i32
      %broadcast_in_dim3A_1252 = vector.broadcast %rem3A_1251 : i32 to vector<16xi32>
      %add3A_1253 = arith.constant 10 : i32
      %add3A_1254 = arith.addi %mul3A_719, %add3A_1253 : i32
      %broadcast_in_dim3A_1255 = vector.broadcast %add3A_1254 : i32 to vector<16xi32>
      %add3A_1256 = arith.constant 0 : i32
      %add3A_1257 = vector.broadcast %add3A_1256 : i32 to vector<16xi32>
      %add3A_1258 = arith.addi %iota3A, %add3A_1257 : vector<16xi32>
      %gather3A_1259 = arith.constant 10 : i32
      %gather3A_1260 = arith.constant 0 : i32
      %gather3A_1261 = arith.constant 0 : i32
      %gather3A_1262 = tpu.memref_slice %arg6[%gather3A_1259, %gather3A_1260, %gather3A_1261] : memref<16x32x128xf32, #tpu.memory_space<vmem>> -> memref<1x32x128xf32, #tpu.memory_space<vmem>>
      %gather3A_1263 = tpu.memref_squeeze %gather3A_1262 : memref<1x32x128xf32, #tpu.memory_space<vmem>> -> memref<32x128xf32, #tpu.memory_space<vmem>>
      %gather3A_1264 = tpu.vector_load_idx %gather3A_1263[%add3A_1258, %broadcast_in_dim3A_1252] : memref<32x128xf32, #tpu.memory_space<vmem>>[vector<16xi32>, vector<16xi32>], vector<16xf32>,
      tpu.vector_store_idx %arg7[%add3A_1258, %broadcast_in_dim3A_1255], %gather3A_1264 : memref<32x512xf32, #tpu.memory_space<vmem>>[vector<16xi32>, vector<16xi32>], vector<16xf32>,
      %add3A_1265 = arith.constant 16 : i32
      %add3A_1266 = vector.broadcast %add3A_1265 : i32 to vector<16xi32>
      %add3A_1267 = arith.addi %iota3A, %add3A_1266 : vector<16xi32>
      %gather3A_1268 = arith.constant 10 : i32
      %gather3A_1269 = arith.constant 0 : i32
      %gather3A_1270 = arith.constant 0 : i32
      %gather3A_1271 = tpu.memref_slice %arg6[%gather3A_1268, %gather3A_1269, %gather3A_1270] : memref<16x32x128xf32, #tpu.memory_space<vmem>> -> memref<1x32x128xf32, #tpu.memory_space<vmem>>
      %gather3A_1272 = tpu.memref_squeeze %gather3A_1271 : memref<1x32x128xf32, #tpu.memory_space<vmem>> -> memref<32x128xf32, #tpu.memory_space<vmem>>
      %gather3A_1273 = tpu.vector_load_idx %gather3A_1272[%add3A_1267, %broadcast_in_dim3A_1252] : memref<32x128xf32, #tpu.memory_space<vmem>>[vector<16xi32>, vector<16xi32>], vector<16xf32>,
      tpu.vector_store_idx %arg7[%add3A_1267, %broadcast_in_dim3A_1255], %gather3A_1273 : memref<32x512xf32, #tpu.memory_space<vmem>>[vector<16xi32>, vector<16xi32>], vector<16xf32>,
      %add3A_1274 = arith.constant 1 : i32
      %add3A_1275 = arith.addi %scan3A_717, %add3A_1274 : i32
      %lt3A_1276 = arith.constant 32 : i32
      %lt3A_1277 = arith.cmpi slt, %add3A_1275, %lt3A_1276 : i32
      %convert_element_type3A_1278 = arith.extui %lt3A_1277 : i1 to i32
      %cond3A_1279 = arith.constant 0 : i32
      %cond3A_1280 = arith.cmpi ne, %convert_element_type3A_1278, %cond3A_1279 : i32
      scf.if %cond3A_1280 {
        %slice3A_1536 = vector.extract_strided_slice %get3A_725 {offsets = [10], sizes = [1], strides = [1]} : vector<16xi32> to vector<1xi32>
        %squeeze3A_1537 = vector.extract %slice3A_1536[0] : i32 from vector<1xi32>
        %jit3A_1538 = arith.constant 128 : i32
        %div3A_1539 = arith.divsi %squeeze3A_1537, %jit3A_1538 : i32
        %sign3A_1540 = arith.constant 0 : i32
        %sign3A_1541 = arith.cmpi sgt, %squeeze3A_1537, %sign3A_1540 : i32
        %sign3A_1542 = arith.extui %sign3A_1541 : i1 to i32
        %sign3A_1543 = arith.constant 0 : i32
        %sign3A_1544 = arith.cmpi slt, %squeeze3A_1537, %sign3A_1543 : i32
        %sign3A_1545 = arith.extui %sign3A_1544 : i1 to i32
        %sign3A_1546 = arith.subi %sign3A_1542, %sign3A_1545 : i32
        %sign3A_1547 = arith.constant 0 : i32
        %sign3A_1548 = arith.cmpi sgt, %jit3A_1538, %sign3A_1547 : i32
        %sign3A_1549 = arith.extui %sign3A_1548 : i1 to i32
        %sign3A_1550 = arith.constant 0 : i32
        %sign3A_1551 = arith.cmpi slt, %jit3A_1538, %sign3A_1550 : i32
        %sign3A_1552 = arith.extui %sign3A_1551 : i1 to i32
        %sign3A_1553 = arith.subi %sign3A_1549, %sign3A_1552 : i32
        %ne3A_1554 = arith.cmpi ne, %sign3A_1546, %sign3A_1553 : i32
        %rem3A_1555 = arith.remsi %squeeze3A_1537, %jit3A_1538 : i32
        %ne3A_1556 = arith.constant 0 : i32
        %ne3A_1557 = arith.cmpi ne, %rem3A_1555, %ne3A_1556 : i32
        %and3A_1558 = arith.andi %ne3A_1554, %ne3A_1557 : i1
        %sub3A_1559 = arith.constant 1 : i32
        %sub3A_1560 = arith.subi %div3A_1539, %sub3A_1559 : i32
        %select_n3A_1561 = arith.select %and3A_1558, %sub3A_1560, %div3A_1539 : i32
        %mul3A_1562 = arith.constant 128 : i32
        %mul3A_1563 = arith.muli %select_n3A_1561, %mul3A_1562 : i32
        %multiple_of3A_1564 = tpu.assume_multiple %mul3A_1563, 128 : i32
        %dma_start3A_1565 = arith.constant 10 : i32
        %dma_start3A_1566 = arith.constant 10 : i32
        %dma_start3A_1567 = arith.constant 0 : i32
        %dma_start3A_1568 = arith.constant 0 : i32
        %dma_start3A_1569 = tpu.memref_slice %arg6[%dma_start3A_1565, %dma_start3A_1567, %dma_start3A_1568] : memref<16x32x128xf32, #tpu.memory_space<vmem>> -> memref<1x32x128xf32, #tpu.memory_space<vmem>>
        %dma_start3A_1570 = tpu.memref_squeeze %dma_start3A_1569 : memref<1x32x128xf32, #tpu.memory_space<vmem>> -> memref<32x128xf32, #tpu.memory_space<vmem>>
        %dma_start3A_1571 = arith.constant 0 : i32
        %dma_start3A_1572 = tpu.memref_slice %arg3[%dma_start3A_1571, %multiple_of3A_1564] : memref<32x1000001xf32, #tpu.memory_space<hbm>> -> memref<32x128xf32, #tpu.memory_space<hbm>>
        %dma_start3A_1573 = tpu.memref_slice %arg8[%dma_start3A_1566] : memref<16x!tpu.dma_semaphore, #tpu.memory_space<semaphore_mem>> -> memref<1x!tpu.dma_semaphore, #tpu.memory_space<semaphore_mem>>
        %dma_start3A_1574 = tpu.memref_squeeze %dma_start3A_1573 : memref<1x!tpu.dma_semaphore, #tpu.memory_space<semaphore_mem>> -> memref<!tpu.dma_semaphore, #tpu.memory_space<semaphore_mem>>
        %dma_start3A_1575 = arith.constant 0 : i32
        %dma_start3A_1576 = arith.constant 0 : i32
        %dma_start3A_1577 = tpu.memref_slice %arg6[%dma_start3A_1565, %dma_start3A_1575, %dma_start3A_1576] : memref<16x32x128xf32, #tpu.memory_space<vmem>> -> memref<1x32x128xf32, #tpu.memory_space<vmem>>
        %dma_start3A_1578 = tpu.memref_squeeze %dma_start3A_1577 : memref<1x32x128xf32, #tpu.memory_space<vmem>> -> memref<32x128xf32, #tpu.memory_space<vmem>>
        %dma_start3A_1579 = arith.constant 0 : i32
        %dma_start3A_1580 = tpu.memref_slice %arg3[%dma_start3A_1579, %multiple_of3A_1564] : memref<32x1000001xf32, #tpu.memory_space<hbm>> -> memref<32x128xf32, #tpu.memory_space<hbm>>
        tpu.enqueue_dma source(%dma_start3A_1580 : memref<32x128xf32, #tpu.memory_space<hbm>>) target(%dma_start3A_1578 : memref<32x128xf32, #tpu.memory_space<vmem>>) target_semaphore(%dma_start3A_1574 : memref<!tpu.dma_semaphore, #tpu.memory_space<semaphore_mem>>)
      } else {
      }
      %dma_wait3A_1281 = arith.constant 11 : i32
      %dma_wait3A_1282 = arith.constant 11 : i32
      %dma_wait3A_1283 = arith.constant 0 : i32
      %dma_wait3A_1284 = arith.constant 0 : i32
      %dma_wait3A_1285 = tpu.memref_slice %arg6[%dma_wait3A_1281, %dma_wait3A_1283, %dma_wait3A_1284] : memref<16x32x128xf32, #tpu.memory_space<vmem>> -> memref<1x32x128xf32, #tpu.memory_space<vmem>>
      %dma_wait3A_1286 = tpu.memref_squeeze %dma_wait3A_1285 : memref<1x32x128xf32, #tpu.memory_space<vmem>> -> memref<32x128xf32, #tpu.memory_space<vmem>>
      %dma_wait3A_1287 = arith.constant 0 : i32
      %dma_wait3A_1288 = arith.constant 0 : i32
      %dma_wait3A_1289 = tpu.memref_slice %arg3[%dma_wait3A_1287, %dma_wait3A_1288] : memref<32x1000001xf32, #tpu.memory_space<hbm>> -> memref<32x128xf32, #tpu.memory_space<hbm>>
      %dma_wait3A_1290 = tpu.memref_slice %arg8[%dma_wait3A_1282] : memref<16x!tpu.dma_semaphore, #tpu.memory_space<semaphore_mem>> -> memref<1x!tpu.dma_semaphore, #tpu.memory_space<semaphore_mem>>
      %dma_wait3A_1291 = tpu.memref_squeeze %dma_wait3A_1290 : memref<1x!tpu.dma_semaphore, #tpu.memory_space<semaphore_mem>> -> memref<!tpu.dma_semaphore, #tpu.memory_space<semaphore_mem>>
      %dma_wait3A_1292 = arith.constant 0 : i32
      %dma_wait3A_1293 = arith.constant 0 : i32
      %dma_wait3A_1294 = tpu.memref_slice %arg6[%dma_wait3A_1281, %dma_wait3A_1292, %dma_wait3A_1293] : memref<16x32x128xf32, #tpu.memory_space<vmem>> -> memref<1x32x128xf32, #tpu.memory_space<vmem>>
      %dma_wait3A_1295 = tpu.memref_squeeze %dma_wait3A_1294 : memref<1x32x128xf32, #tpu.memory_space<vmem>> -> memref<32x128xf32, #tpu.memory_space<vmem>>
      %dma_wait3A_1296 = arith.constant 0 : i32
      %dma_wait3A_1297 = arith.constant 0 : i32
      %dma_wait3A_1298 = tpu.memref_slice %arg3[%dma_wait3A_1296, %dma_wait3A_1297] : memref<32x1000001xf32, #tpu.memory_space<hbm>> -> memref<32x128xf32, #tpu.memory_space<hbm>>
      tpu.wait_dma2 semaphore(%dma_wait3A_1291 : memref<!tpu.dma_semaphore, #tpu.memory_space<semaphore_mem>>) src(%dma_wait3A_1298 : memref<32x128xf32, #tpu.memory_space<hbm>>) dst(%dma_wait3A_1295 : memref<32x128xf32, #tpu.memory_space<vmem>>)
      %slice3A_1299 = vector.extract_strided_slice %get3A_721 {offsets = [11], sizes = [1], strides = [1]} : vector<16xi32> to vector<1xi32>
      %squeeze3A_1300 = vector.extract %slice3A_1299[0] : i32 from vector<1xi32>
      %rem3A_1301 = arith.constant 128 : i32
      %rem3A_1302 = arith.remsi %squeeze3A_1300, %rem3A_1301 : i32
      %broadcast_in_dim3A_1303 = vector.broadcast %rem3A_1302 : i32 to vector<16xi32>
      %add3A_1304 = arith.constant 11 : i32
      %add3A_1305 = arith.addi %mul3A_719, %add3A_1304 : i32
      %broadcast_in_dim3A_1306 = vector.broadcast %add3A_1305 : i32 to vector<16xi32>
      %add3A_1307 = arith.constant 0 : i32
      %add3A_1308 = vector.broadcast %add3A_1307 : i32 to vector<16xi32>
      %add3A_1309 = arith.addi %iota3A, %add3A_1308 : vector<16xi32>
      %gather3A_1310 = arith.constant 11 : i32
      %gather3A_1311 = arith.constant 0 : i32
      %gather3A_1312 = arith.constant 0 : i32
      %gather3A_1313 = tpu.memref_slice %arg6[%gather3A_1310, %gather3A_1311, %gather3A_1312] : memref<16x32x128xf32, #tpu.memory_space<vmem>> -> memref<1x32x128xf32, #tpu.memory_space<vmem>>
      %gather3A_1314 = tpu.memref_squeeze %gather3A_1313 : memref<1x32x128xf32, #tpu.memory_space<vmem>> -> memref<32x128xf32, #tpu.memory_space<vmem>>
      %gather3A_1315 = tpu.vector_load_idx %gather3A_1314[%add3A_1309, %broadcast_in_dim3A_1303] : memref<32x128xf32, #tpu.memory_space<vmem>>[vector<16xi32>, vector<16xi32>], vector<16xf32>,
      tpu.vector_store_idx %arg7[%add3A_1309, %broadcast_in_dim3A_1306], %gather3A_1315 : memref<32x512xf32, #tpu.memory_space<vmem>>[vector<16xi32>, vector<16xi32>], vector<16xf32>,
      %add3A_1316 = arith.constant 16 : i32
      %add3A_1317 = vector.broadcast %add3A_1316 : i32 to vector<16xi32>
      %add3A_1318 = arith.addi %iota3A, %add3A_1317 : vector<16xi32>
      %gather3A_1319 = arith.constant 11 : i32
      %gather3A_1320 = arith.constant 0 : i32
      %gather3A_1321 = arith.constant 0 : i32
      %gather3A_1322 = tpu.memref_slice %arg6[%gather3A_1319, %gather3A_1320, %gather3A_1321] : memref<16x32x128xf32, #tpu.memory_space<vmem>> -> memref<1x32x128xf32, #tpu.memory_space<vmem>>
      %gather3A_1323 = tpu.memref_squeeze %gather3A_1322 : memref<1x32x128xf32, #tpu.memory_space<vmem>> -> memref<32x128xf32, #tpu.memory_space<vmem>>
      %gather3A_1324 = tpu.vector_load_idx %gather3A_1323[%add3A_1318, %broadcast_in_dim3A_1303] : memref<32x128xf32, #tpu.memory_space<vmem>>[vector<16xi32>, vector<16xi32>], vector<16xf32>,
      tpu.vector_store_idx %arg7[%add3A_1318, %broadcast_in_dim3A_1306], %gather3A_1324 : memref<32x512xf32, #tpu.memory_space<vmem>>[vector<16xi32>, vector<16xi32>], vector<16xf32>,
      %add3A_1325 = arith.constant 1 : i32
      %add3A_1326 = arith.addi %scan3A_717, %add3A_1325 : i32
      %lt3A_1327 = arith.constant 32 : i32
      %lt3A_1328 = arith.cmpi slt, %add3A_1326, %lt3A_1327 : i32
      %convert_element_type3A_1329 = arith.extui %lt3A_1328 : i1 to i32
      %cond3A_1330 = arith.constant 0 : i32
      %cond3A_1331 = arith.cmpi ne, %convert_element_type3A_1329, %cond3A_1330 : i32
      scf.if %cond3A_1331 {
        %slice3A_1536 = vector.extract_strided_slice %get3A_725 {offsets = [11], sizes = [1], strides = [1]} : vector<16xi32> to vector<1xi32>
        %squeeze3A_1537 = vector.extract %slice3A_1536[0] : i32 from vector<1xi32>
        %jit3A_1538 = arith.constant 128 : i32
        %div3A_1539 = arith.divsi %squeeze3A_1537, %jit3A_1538 : i32
        %sign3A_1540 = arith.constant 0 : i32
        %sign3A_1541 = arith.cmpi sgt, %squeeze3A_1537, %sign3A_1540 : i32
        %sign3A_1542 = arith.extui %sign3A_1541 : i1 to i32
        %sign3A_1543 = arith.constant 0 : i32
        %sign3A_1544 = arith.cmpi slt, %squeeze3A_1537, %sign3A_1543 : i32
        %sign3A_1545 = arith.extui %sign3A_1544 : i1 to i32
        %sign3A_1546 = arith.subi %sign3A_1542, %sign3A_1545 : i32
        %sign3A_1547 = arith.constant 0 : i32
        %sign3A_1548 = arith.cmpi sgt, %jit3A_1538, %sign3A_1547 : i32
        %sign3A_1549 = arith.extui %sign3A_1548 : i1 to i32
        %sign3A_1550 = arith.constant 0 : i32
        %sign3A_1551 = arith.cmpi slt, %jit3A_1538, %sign3A_1550 : i32
        %sign3A_1552 = arith.extui %sign3A_1551 : i1 to i32
        %sign3A_1553 = arith.subi %sign3A_1549, %sign3A_1552 : i32
        %ne3A_1554 = arith.cmpi ne, %sign3A_1546, %sign3A_1553 : i32
        %rem3A_1555 = arith.remsi %squeeze3A_1537, %jit3A_1538 : i32
        %ne3A_1556 = arith.constant 0 : i32
        %ne3A_1557 = arith.cmpi ne, %rem3A_1555, %ne3A_1556 : i32
        %and3A_1558 = arith.andi %ne3A_1554, %ne3A_1557 : i1
        %sub3A_1559 = arith.constant 1 : i32
        %sub3A_1560 = arith.subi %div3A_1539, %sub3A_1559 : i32
        %select_n3A_1561 = arith.select %and3A_1558, %sub3A_1560, %div3A_1539 : i32
        %mul3A_1562 = arith.constant 128 : i32
        %mul3A_1563 = arith.muli %select_n3A_1561, %mul3A_1562 : i32
        %multiple_of3A_1564 = tpu.assume_multiple %mul3A_1563, 128 : i32
        %dma_start3A_1565 = arith.constant 11 : i32
        %dma_start3A_1566 = arith.constant 11 : i32
        %dma_start3A_1567 = arith.constant 0 : i32
        %dma_start3A_1568 = arith.constant 0 : i32
        %dma_start3A_1569 = tpu.memref_slice %arg6[%dma_start3A_1565, %dma_start3A_1567, %dma_start3A_1568] : memref<16x32x128xf32, #tpu.memory_space<vmem>> -> memref<1x32x128xf32, #tpu.memory_space<vmem>>
        %dma_start3A_1570 = tpu.memref_squeeze %dma_start3A_1569 : memref<1x32x128xf32, #tpu.memory_space<vmem>> -> memref<32x128xf32, #tpu.memory_space<vmem>>
        %dma_start3A_1571 = arith.constant 0 : i32
        %dma_start3A_1572 = tpu.memref_slice %arg3[%dma_start3A_1571, %multiple_of3A_1564] : memref<32x1000001xf32, #tpu.memory_space<hbm>> -> memref<32x128xf32, #tpu.memory_space<hbm>>
        %dma_start3A_1573 = tpu.memref_slice %arg8[%dma_start3A_1566] : memref<16x!tpu.dma_semaphore, #tpu.memory_space<semaphore_mem>> -> memref<1x!tpu.dma_semaphore, #tpu.memory_space<semaphore_mem>>
        %dma_start3A_1574 = tpu.memref_squeeze %dma_start3A_1573 : memref<1x!tpu.dma_semaphore, #tpu.memory_space<semaphore_mem>> -> memref<!tpu.dma_semaphore, #tpu.memory_space<semaphore_mem>>
        %dma_start3A_1575 = arith.constant 0 : i32
        %dma_start3A_1576 = arith.constant 0 : i32
        %dma_start3A_1577 = tpu.memref_slice %arg6[%dma_start3A_1565, %dma_start3A_1575, %dma_start3A_1576] : memref<16x32x128xf32, #tpu.memory_space<vmem>> -> memref<1x32x128xf32, #tpu.memory_space<vmem>>
        %dma_start3A_1578 = tpu.memref_squeeze %dma_start3A_1577 : memref<1x32x128xf32, #tpu.memory_space<vmem>> -> memref<32x128xf32, #tpu.memory_space<vmem>>
        %dma_start3A_1579 = arith.constant 0 : i32
        %dma_start3A_1580 = tpu.memref_slice %arg3[%dma_start3A_1579, %multiple_of3A_1564] : memref<32x1000001xf32, #tpu.memory_space<hbm>> -> memref<32x128xf32, #tpu.memory_space<hbm>>
        tpu.enqueue_dma source(%dma_start3A_1580 : memref<32x128xf32, #tpu.memory_space<hbm>>) target(%dma_start3A_1578 : memref<32x128xf32, #tpu.memory_space<vmem>>) target_semaphore(%dma_start3A_1574 : memref<!tpu.dma_semaphore, #tpu.memory_space<semaphore_mem>>)
      } else {
      }
      %dma_wait3A_1332 = arith.constant 12 : i32
      %dma_wait3A_1333 = arith.constant 12 : i32
      %dma_wait3A_1334 = arith.constant 0 : i32
      %dma_wait3A_1335 = arith.constant 0 : i32
      %dma_wait3A_1336 = tpu.memref_slice %arg6[%dma_wait3A_1332, %dma_wait3A_1334, %dma_wait3A_1335] : memref<16x32x128xf32, #tpu.memory_space<vmem>> -> memref<1x32x128xf32, #tpu.memory_space<vmem>>
      %dma_wait3A_1337 = tpu.memref_squeeze %dma_wait3A_1336 : memref<1x32x128xf32, #tpu.memory_space<vmem>> -> memref<32x128xf32, #tpu.memory_space<vmem>>
      %dma_wait3A_1338 = arith.constant 0 : i32
      %dma_wait3A_1339 = arith.constant 0 : i32
      %dma_wait3A_1340 = tpu.memref_slice %arg3[%dma_wait3A_1338, %dma_wait3A_1339] : memref<32x1000001xf32, #tpu.memory_space<hbm>> -> memref<32x128xf32, #tpu.memory_space<hbm>>
      %dma_wait3A_1341 = tpu.memref_slice %arg8[%dma_wait3A_1333] : memref<16x!tpu.dma_semaphore, #tpu.memory_space<semaphore_mem>> -> memref<1x!tpu.dma_semaphore, #tpu.memory_space<semaphore_mem>>
      %dma_wait3A_1342 = tpu.memref_squeeze %dma_wait3A_1341 : memref<1x!tpu.dma_semaphore, #tpu.memory_space<semaphore_mem>> -> memref<!tpu.dma_semaphore, #tpu.memory_space<semaphore_mem>>
      %dma_wait3A_1343 = arith.constant 0 : i32
      %dma_wait3A_1344 = arith.constant 0 : i32
      %dma_wait3A_1345 = tpu.memref_slice %arg6[%dma_wait3A_1332, %dma_wait3A_1343, %dma_wait3A_1344] : memref<16x32x128xf32, #tpu.memory_space<vmem>> -> memref<1x32x128xf32, #tpu.memory_space<vmem>>
      %dma_wait3A_1346 = tpu.memref_squeeze %dma_wait3A_1345 : memref<1x32x128xf32, #tpu.memory_space<vmem>> -> memref<32x128xf32, #tpu.memory_space<vmem>>
      %dma_wait3A_1347 = arith.constant 0 : i32
      %dma_wait3A_1348 = arith.constant 0 : i32
      %dma_wait3A_1349 = tpu.memref_slice %arg3[%dma_wait3A_1347, %dma_wait3A_1348] : memref<32x1000001xf32, #tpu.memory_space<hbm>> -> memref<32x128xf32, #tpu.memory_space<hbm>>
      tpu.wait_dma2 semaphore(%dma_wait3A_1342 : memref<!tpu.dma_semaphore, #tpu.memory_space<semaphore_mem>>) src(%dma_wait3A_1349 : memref<32x128xf32, #tpu.memory_space<hbm>>) dst(%dma_wait3A_1346 : memref<32x128xf32, #tpu.memory_space<vmem>>)
      %slice3A_1350 = vector.extract_strided_slice %get3A_721 {offsets = [12], sizes = [1], strides = [1]} : vector<16xi32> to vector<1xi32>
      %squeeze3A_1351 = vector.extract %slice3A_1350[0] : i32 from vector<1xi32>
      %rem3A_1352 = arith.constant 128 : i32
      %rem3A_1353 = arith.remsi %squeeze3A_1351, %rem3A_1352 : i32
      %broadcast_in_dim3A_1354 = vector.broadcast %rem3A_1353 : i32 to vector<16xi32>
      %add3A_1355 = arith.constant 12 : i32
      %add3A_1356 = arith.addi %mul3A_719, %add3A_1355 : i32
      %broadcast_in_dim3A_1357 = vector.broadcast %add3A_1356 : i32 to vector<16xi32>
      %add3A_1358 = arith.constant 0 : i32
      %add3A_1359 = vector.broadcast %add3A_1358 : i32 to vector<16xi32>
      %add3A_1360 = arith.addi %iota3A, %add3A_1359 : vector<16xi32>
      %gather3A_1361 = arith.constant 12 : i32
      %gather3A_1362 = arith.constant 0 : i32
      %gather3A_1363 = arith.constant 0 : i32
      %gather3A_1364 = tpu.memref_slice %arg6[%gather3A_1361, %gather3A_1362, %gather3A_1363] : memref<16x32x128xf32, #tpu.memory_space<vmem>> -> memref<1x32x128xf32, #tpu.memory_space<vmem>>
      %gather3A_1365 = tpu.memref_squeeze %gather3A_1364 : memref<1x32x128xf32, #tpu.memory_space<vmem>> -> memref<32x128xf32, #tpu.memory_space<vmem>>
      %gather3A_1366 = tpu.vector_load_idx %gather3A_1365[%add3A_1360, %broadcast_in_dim3A_1354] : memref<32x128xf32, #tpu.memory_space<vmem>>[vector<16xi32>, vector<16xi32>], vector<16xf32>,
      tpu.vector_store_idx %arg7[%add3A_1360, %broadcast_in_dim3A_1357], %gather3A_1366 : memref<32x512xf32, #tpu.memory_space<vmem>>[vector<16xi32>, vector<16xi32>], vector<16xf32>,
      %add3A_1367 = arith.constant 16 : i32
      %add3A_1368 = vector.broadcast %add3A_1367 : i32 to vector<16xi32>
      %add3A_1369 = arith.addi %iota3A, %add3A_1368 : vector<16xi32>
      %gather3A_1370 = arith.constant 12 : i32
      %gather3A_1371 = arith.constant 0 : i32
      %gather3A_1372 = arith.constant 0 : i32
      %gather3A_1373 = tpu.memref_slice %arg6[%gather3A_1370, %gather3A_1371, %gather3A_1372] : memref<16x32x128xf32, #tpu.memory_space<vmem>> -> memref<1x32x128xf32, #tpu.memory_space<vmem>>
      %gather3A_1374 = tpu.memref_squeeze %gather3A_1373 : memref<1x32x128xf32, #tpu.memory_space<vmem>> -> memref<32x128xf32, #tpu.memory_space<vmem>>
      %gather3A_1375 = tpu.vector_load_idx %gather3A_1374[%add3A_1369, %broadcast_in_dim3A_1354] : memref<32x128xf32, #tpu.memory_space<vmem>>[vector<16xi32>, vector<16xi32>], vector<16xf32>,
      tpu.vector_store_idx %arg7[%add3A_1369, %broadcast_in_dim3A_1357], %gather3A_1375 : memref<32x512xf32, #tpu.memory_space<vmem>>[vector<16xi32>, vector<16xi32>], vector<16xf32>,
      %add3A_1376 = arith.constant 1 : i32
      %add3A_1377 = arith.addi %scan3A_717, %add3A_1376 : i32
      %lt3A_1378 = arith.constant 32 : i32
      %lt3A_1379 = arith.cmpi slt, %add3A_1377, %lt3A_1378 : i32
      %convert_element_type3A_1380 = arith.extui %lt3A_1379 : i1 to i32
      %cond3A_1381 = arith.constant 0 : i32
      %cond3A_1382 = arith.cmpi ne, %convert_element_type3A_1380, %cond3A_1381 : i32
      scf.if %cond3A_1382 {
        %slice3A_1536 = vector.extract_strided_slice %get3A_725 {offsets = [12], sizes = [1], strides = [1]} : vector<16xi32> to vector<1xi32>
        %squeeze3A_1537 = vector.extract %slice3A_1536[0] : i32 from vector<1xi32>
        %jit3A_1538 = arith.constant 128 : i32
        %div3A_1539 = arith.divsi %squeeze3A_1537, %jit3A_1538 : i32
        %sign3A_1540 = arith.constant 0 : i32
        %sign3A_1541 = arith.cmpi sgt, %squeeze3A_1537, %sign3A_1540 : i32
        %sign3A_1542 = arith.extui %sign3A_1541 : i1 to i32
        %sign3A_1543 = arith.constant 0 : i32
        %sign3A_1544 = arith.cmpi slt, %squeeze3A_1537, %sign3A_1543 : i32
        %sign3A_1545 = arith.extui %sign3A_1544 : i1 to i32
        %sign3A_1546 = arith.subi %sign3A_1542, %sign3A_1545 : i32
        %sign3A_1547 = arith.constant 0 : i32
        %sign3A_1548 = arith.cmpi sgt, %jit3A_1538, %sign3A_1547 : i32
        %sign3A_1549 = arith.extui %sign3A_1548 : i1 to i32
        %sign3A_1550 = arith.constant 0 : i32
        %sign3A_1551 = arith.cmpi slt, %jit3A_1538, %sign3A_1550 : i32
        %sign3A_1552 = arith.extui %sign3A_1551 : i1 to i32
        %sign3A_1553 = arith.subi %sign3A_1549, %sign3A_1552 : i32
        %ne3A_1554 = arith.cmpi ne, %sign3A_1546, %sign3A_1553 : i32
        %rem3A_1555 = arith.remsi %squeeze3A_1537, %jit3A_1538 : i32
        %ne3A_1556 = arith.constant 0 : i32
        %ne3A_1557 = arith.cmpi ne, %rem3A_1555, %ne3A_1556 : i32
        %and3A_1558 = arith.andi %ne3A_1554, %ne3A_1557 : i1
        %sub3A_1559 = arith.constant 1 : i32
        %sub3A_1560 = arith.subi %div3A_1539, %sub3A_1559 : i32
        %select_n3A_1561 = arith.select %and3A_1558, %sub3A_1560, %div3A_1539 : i32
        %mul3A_1562 = arith.constant 128 : i32
        %mul3A_1563 = arith.muli %select_n3A_1561, %mul3A_1562 : i32
        %multiple_of3A_1564 = tpu.assume_multiple %mul3A_1563, 128 : i32
        %dma_start3A_1565 = arith.constant 12 : i32
        %dma_start3A_1566 = arith.constant 12 : i32
        %dma_start3A_1567 = arith.constant 0 : i32
        %dma_start3A_1568 = arith.constant 0 : i32
        %dma_start3A_1569 = tpu.memref_slice %arg6[%dma_start3A_1565, %dma_start3A_1567, %dma_start3A_1568] : memref<16x32x128xf32, #tpu.memory_space<vmem>> -> memref<1x32x128xf32, #tpu.memory_space<vmem>>
        %dma_start3A_1570 = tpu.memref_squeeze %dma_start3A_1569 : memref<1x32x128xf32, #tpu.memory_space<vmem>> -> memref<32x128xf32, #tpu.memory_space<vmem>>
        %dma_start3A_1571 = arith.constant 0 : i32
        %dma_start3A_1572 = tpu.memref_slice %arg3[%dma_start3A_1571, %multiple_of3A_1564] : memref<32x1000001xf32, #tpu.memory_space<hbm>> -> memref<32x128xf32, #tpu.memory_space<hbm>>
        %dma_start3A_1573 = tpu.memref_slice %arg8[%dma_start3A_1566] : memref<16x!tpu.dma_semaphore, #tpu.memory_space<semaphore_mem>> -> memref<1x!tpu.dma_semaphore, #tpu.memory_space<semaphore_mem>>
        %dma_start3A_1574 = tpu.memref_squeeze %dma_start3A_1573 : memref<1x!tpu.dma_semaphore, #tpu.memory_space<semaphore_mem>> -> memref<!tpu.dma_semaphore, #tpu.memory_space<semaphore_mem>>
        %dma_start3A_1575 = arith.constant 0 : i32
        %dma_start3A_1576 = arith.constant 0 : i32
        %dma_start3A_1577 = tpu.memref_slice %arg6[%dma_start3A_1565, %dma_start3A_1575, %dma_start3A_1576] : memref<16x32x128xf32, #tpu.memory_space<vmem>> -> memref<1x32x128xf32, #tpu.memory_space<vmem>>
        %dma_start3A_1578 = tpu.memref_squeeze %dma_start3A_1577 : memref<1x32x128xf32, #tpu.memory_space<vmem>> -> memref<32x128xf32, #tpu.memory_space<vmem>>
        %dma_start3A_1579 = arith.constant 0 : i32
        %dma_start3A_1580 = tpu.memref_slice %arg3[%dma_start3A_1579, %multiple_of3A_1564] : memref<32x1000001xf32, #tpu.memory_space<hbm>> -> memref<32x128xf32, #tpu.memory_space<hbm>>
        tpu.enqueue_dma source(%dma_start3A_1580 : memref<32x128xf32, #tpu.memory_space<hbm>>) target(%dma_start3A_1578 : memref<32x128xf32, #tpu.memory_space<vmem>>) target_semaphore(%dma_start3A_1574 : memref<!tpu.dma_semaphore, #tpu.memory_space<semaphore_mem>>)
      } else {
      }
      %dma_wait3A_1383 = arith.constant 13 : i32
      %dma_wait3A_1384 = arith.constant 13 : i32
      %dma_wait3A_1385 = arith.constant 0 : i32
      %dma_wait3A_1386 = arith.constant 0 : i32
      %dma_wait3A_1387 = tpu.memref_slice %arg6[%dma_wait3A_1383, %dma_wait3A_1385, %dma_wait3A_1386] : memref<16x32x128xf32, #tpu.memory_space<vmem>> -> memref<1x32x128xf32, #tpu.memory_space<vmem>>
      %dma_wait3A_1388 = tpu.memref_squeeze %dma_wait3A_1387 : memref<1x32x128xf32, #tpu.memory_space<vmem>> -> memref<32x128xf32, #tpu.memory_space<vmem>>
      %dma_wait3A_1389 = arith.constant 0 : i32
      %dma_wait3A_1390 = arith.constant 0 : i32
      %dma_wait3A_1391 = tpu.memref_slice %arg3[%dma_wait3A_1389, %dma_wait3A_1390] : memref<32x1000001xf32, #tpu.memory_space<hbm>> -> memref<32x128xf32, #tpu.memory_space<hbm>>
      %dma_wait3A_1392 = tpu.memref_slice %arg8[%dma_wait3A_1384] : memref<16x!tpu.dma_semaphore, #tpu.memory_space<semaphore_mem>> -> memref<1x!tpu.dma_semaphore, #tpu.memory_space<semaphore_mem>>
      %dma_wait3A_1393 = tpu.memref_squeeze %dma_wait3A_1392 : memref<1x!tpu.dma_semaphore, #tpu.memory_space<semaphore_mem>> -> memref<!tpu.dma_semaphore, #tpu.memory_space<semaphore_mem>>
      %dma_wait3A_1394 = arith.constant 0 : i32
      %dma_wait3A_1395 = arith.constant 0 : i32
      %dma_wait3A_1396 = tpu.memref_slice %arg6[%dma_wait3A_1383, %dma_wait3A_1394, %dma_wait3A_1395] : memref<16x32x128xf32, #tpu.memory_space<vmem>> -> memref<1x32x128xf32, #tpu.memory_space<vmem>>
      %dma_wait3A_1397 = tpu.memref_squeeze %dma_wait3A_1396 : memref<1x32x128xf32, #tpu.memory_space<vmem>> -> memref<32x128xf32, #tpu.memory_space<vmem>>
      %dma_wait3A_1398 = arith.constant 0 : i32
      %dma_wait3A_1399 = arith.constant 0 : i32
      %dma_wait3A_1400 = tpu.memref_slice %arg3[%dma_wait3A_1398, %dma_wait3A_1399] : memref<32x1000001xf32, #tpu.memory_space<hbm>> -> memref<32x128xf32, #tpu.memory_space<hbm>>
      tpu.wait_dma2 semaphore(%dma_wait3A_1393 : memref<!tpu.dma_semaphore, #tpu.memory_space<semaphore_mem>>) src(%dma_wait3A_1400 : memref<32x128xf32, #tpu.memory_space<hbm>>) dst(%dma_wait3A_1397 : memref<32x128xf32, #tpu.memory_space<vmem>>)
      %slice3A_1401 = vector.extract_strided_slice %get3A_721 {offsets = [13], sizes = [1], strides = [1]} : vector<16xi32> to vector<1xi32>
      %squeeze3A_1402 = vector.extract %slice3A_1401[0] : i32 from vector<1xi32>
      %rem3A_1403 = arith.constant 128 : i32
      %rem3A_1404 = arith.remsi %squeeze3A_1402, %rem3A_1403 : i32
      %broadcast_in_dim3A_1405 = vector.broadcast %rem3A_1404 : i32 to vector<16xi32>
      %add3A_1406 = arith.constant 13 : i32
      %add3A_1407 = arith.addi %mul3A_719, %add3A_1406 : i32
      %broadcast_in_dim3A_1408 = vector.broadcast %add3A_1407 : i32 to vector<16xi32>
      %add3A_1409 = arith.constant 0 : i32
      %add3A_1410 = vector.broadcast %add3A_1409 : i32 to vector<16xi32>
      %add3A_1411 = arith.addi %iota3A, %add3A_1410 : vector<16xi32>
      %gather3A_1412 = arith.constant 13 : i32
      %gather3A_1413 = arith.constant 0 : i32
      %gather3A_1414 = arith.constant 0 : i32
      %gather3A_1415 = tpu.memref_slice %arg6[%gather3A_1412, %gather3A_1413, %gather3A_1414] : memref<16x32x128xf32, #tpu.memory_space<vmem>> -> memref<1x32x128xf32, #tpu.memory_space<vmem>>
      %gather3A_1416 = tpu.memref_squeeze %gather3A_1415 : memref<1x32x128xf32, #tpu.memory_space<vmem>> -> memref<32x128xf32, #tpu.memory_space<vmem>>
      %gather3A_1417 = tpu.vector_load_idx %gather3A_1416[%add3A_1411, %broadcast_in_dim3A_1405] : memref<32x128xf32, #tpu.memory_space<vmem>>[vector<16xi32>, vector<16xi32>], vector<16xf32>,
      tpu.vector_store_idx %arg7[%add3A_1411, %broadcast_in_dim3A_1408], %gather3A_1417 : memref<32x512xf32, #tpu.memory_space<vmem>>[vector<16xi32>, vector<16xi32>], vector<16xf32>,
      %add3A_1418 = arith.constant 16 : i32
      %add3A_1419 = vector.broadcast %add3A_1418 : i32 to vector<16xi32>
      %add3A_1420 = arith.addi %iota3A, %add3A_1419 : vector<16xi32>
      %gather3A_1421 = arith.constant 13 : i32
      %gather3A_1422 = arith.constant 0 : i32
      %gather3A_1423 = arith.constant 0 : i32
      %gather3A_1424 = tpu.memref_slice %arg6[%gather3A_1421, %gather3A_1422, %gather3A_1423] : memref<16x32x128xf32, #tpu.memory_space<vmem>> -> memref<1x32x128xf32, #tpu.memory_space<vmem>>
      %gather3A_1425 = tpu.memref_squeeze %gather3A_1424 : memref<1x32x128xf32, #tpu.memory_space<vmem>> -> memref<32x128xf32, #tpu.memory_space<vmem>>
      %gather3A_1426 = tpu.vector_load_idx %gather3A_1425[%add3A_1420, %broadcast_in_dim3A_1405] : memref<32x128xf32, #tpu.memory_space<vmem>>[vector<16xi32>, vector<16xi32>], vector<16xf32>,
      tpu.vector_store_idx %arg7[%add3A_1420, %broadcast_in_dim3A_1408], %gather3A_1426 : memref<32x512xf32, #tpu.memory_space<vmem>>[vector<16xi32>, vector<16xi32>], vector<16xf32>,
      %add3A_1427 = arith.constant 1 : i32
      %add3A_1428 = arith.addi %scan3A_717, %add3A_1427 : i32
      %lt3A_1429 = arith.constant 32 : i32
      %lt3A_1430 = arith.cmpi slt, %add3A_1428, %lt3A_1429 : i32
      %convert_element_type3A_1431 = arith.extui %lt3A_1430 : i1 to i32
      %cond3A_1432 = arith.constant 0 : i32
      %cond3A_1433 = arith.cmpi ne, %convert_element_type3A_1431, %cond3A_1432 : i32
      scf.if %cond3A_1433 {
        %slice3A_1536 = vector.extract_strided_slice %get3A_725 {offsets = [13], sizes = [1], strides = [1]} : vector<16xi32> to vector<1xi32>
        %squeeze3A_1537 = vector.extract %slice3A_1536[0] : i32 from vector<1xi32>
        %jit3A_1538 = arith.constant 128 : i32
        %div3A_1539 = arith.divsi %squeeze3A_1537, %jit3A_1538 : i32
        %sign3A_1540 = arith.constant 0 : i32
        %sign3A_1541 = arith.cmpi sgt, %squeeze3A_1537, %sign3A_1540 : i32
        %sign3A_1542 = arith.extui %sign3A_1541 : i1 to i32
        %sign3A_1543 = arith.constant 0 : i32
        %sign3A_1544 = arith.cmpi slt, %squeeze3A_1537, %sign3A_1543 : i32
        %sign3A_1545 = arith.extui %sign3A_1544 : i1 to i32
        %sign3A_1546 = arith.subi %sign3A_1542, %sign3A_1545 : i32
        %sign3A_1547 = arith.constant 0 : i32
        %sign3A_1548 = arith.cmpi sgt, %jit3A_1538, %sign3A_1547 : i32
        %sign3A_1549 = arith.extui %sign3A_1548 : i1 to i32
        %sign3A_1550 = arith.constant 0 : i32
        %sign3A_1551 = arith.cmpi slt, %jit3A_1538, %sign3A_1550 : i32
        %sign3A_1552 = arith.extui %sign3A_1551 : i1 to i32
        %sign3A_1553 = arith.subi %sign3A_1549, %sign3A_1552 : i32
        %ne3A_1554 = arith.cmpi ne, %sign3A_1546, %sign3A_1553 : i32
        %rem3A_1555 = arith.remsi %squeeze3A_1537, %jit3A_1538 : i32
        %ne3A_1556 = arith.constant 0 : i32
        %ne3A_1557 = arith.cmpi ne, %rem3A_1555, %ne3A_1556 : i32
        %and3A_1558 = arith.andi %ne3A_1554, %ne3A_1557 : i1
        %sub3A_1559 = arith.constant 1 : i32
        %sub3A_1560 = arith.subi %div3A_1539, %sub3A_1559 : i32
        %select_n3A_1561 = arith.select %and3A_1558, %sub3A_1560, %div3A_1539 : i32
        %mul3A_1562 = arith.constant 128 : i32
        %mul3A_1563 = arith.muli %select_n3A_1561, %mul3A_1562 : i32
        %multiple_of3A_1564 = tpu.assume_multiple %mul3A_1563, 128 : i32
        %dma_start3A_1565 = arith.constant 13 : i32
        %dma_start3A_1566 = arith.constant 13 : i32
        %dma_start3A_1567 = arith.constant 0 : i32
        %dma_start3A_1568 = arith.constant 0 : i32
        %dma_start3A_1569 = tpu.memref_slice %arg6[%dma_start3A_1565, %dma_start3A_1567, %dma_start3A_1568] : memref<16x32x128xf32, #tpu.memory_space<vmem>> -> memref<1x32x128xf32, #tpu.memory_space<vmem>>
        %dma_start3A_1570 = tpu.memref_squeeze %dma_start3A_1569 : memref<1x32x128xf32, #tpu.memory_space<vmem>> -> memref<32x128xf32, #tpu.memory_space<vmem>>
        %dma_start3A_1571 = arith.constant 0 : i32
        %dma_start3A_1572 = tpu.memref_slice %arg3[%dma_start3A_1571, %multiple_of3A_1564] : memref<32x1000001xf32, #tpu.memory_space<hbm>> -> memref<32x128xf32, #tpu.memory_space<hbm>>
        %dma_start3A_1573 = tpu.memref_slice %arg8[%dma_start3A_1566] : memref<16x!tpu.dma_semaphore, #tpu.memory_space<semaphore_mem>> -> memref<1x!tpu.dma_semaphore, #tpu.memory_space<semaphore_mem>>
        %dma_start3A_1574 = tpu.memref_squeeze %dma_start3A_1573 : memref<1x!tpu.dma_semaphore, #tpu.memory_space<semaphore_mem>> -> memref<!tpu.dma_semaphore, #tpu.memory_space<semaphore_mem>>
        %dma_start3A_1575 = arith.constant 0 : i32
        %dma_start3A_1576 = arith.constant 0 : i32
        %dma_start3A_1577 = tpu.memref_slice %arg6[%dma_start3A_1565, %dma_start3A_1575, %dma_start3A_1576] : memref<16x32x128xf32, #tpu.memory_space<vmem>> -> memref<1x32x128xf32, #tpu.memory_space<vmem>>
        %dma_start3A_1578 = tpu.memref_squeeze %dma_start3A_1577 : memref<1x32x128xf32, #tpu.memory_space<vmem>> -> memref<32x128xf32, #tpu.memory_space<vmem>>
        %dma_start3A_1579 = arith.constant 0 : i32
        %dma_start3A_1580 = tpu.memref_slice %arg3[%dma_start3A_1579, %multiple_of3A_1564] : memref<32x1000001xf32, #tpu.memory_space<hbm>> -> memref<32x128xf32, #tpu.memory_space<hbm>>
        tpu.enqueue_dma source(%dma_start3A_1580 : memref<32x128xf32, #tpu.memory_space<hbm>>) target(%dma_start3A_1578 : memref<32x128xf32, #tpu.memory_space<vmem>>) target_semaphore(%dma_start3A_1574 : memref<!tpu.dma_semaphore, #tpu.memory_space<semaphore_mem>>)
      } else {
      }
      %dma_wait3A_1434 = arith.constant 14 : i32
      %dma_wait3A_1435 = arith.constant 14 : i32
      %dma_wait3A_1436 = arith.constant 0 : i32
      %dma_wait3A_1437 = arith.constant 0 : i32
      %dma_wait3A_1438 = tpu.memref_slice %arg6[%dma_wait3A_1434, %dma_wait3A_1436, %dma_wait3A_1437] : memref<16x32x128xf32, #tpu.memory_space<vmem>> -> memref<1x32x128xf32, #tpu.memory_space<vmem>>
      %dma_wait3A_1439 = tpu.memref_squeeze %dma_wait3A_1438 : memref<1x32x128xf32, #tpu.memory_space<vmem>> -> memref<32x128xf32, #tpu.memory_space<vmem>>
      %dma_wait3A_1440 = arith.constant 0 : i32
      %dma_wait3A_1441 = arith.constant 0 : i32
      %dma_wait3A_1442 = tpu.memref_slice %arg3[%dma_wait3A_1440, %dma_wait3A_1441] : memref<32x1000001xf32, #tpu.memory_space<hbm>> -> memref<32x128xf32, #tpu.memory_space<hbm>>
      %dma_wait3A_1443 = tpu.memref_slice %arg8[%dma_wait3A_1435] : memref<16x!tpu.dma_semaphore, #tpu.memory_space<semaphore_mem>> -> memref<1x!tpu.dma_semaphore, #tpu.memory_space<semaphore_mem>>
      %dma_wait3A_1444 = tpu.memref_squeeze %dma_wait3A_1443 : memref<1x!tpu.dma_semaphore, #tpu.memory_space<semaphore_mem>> -> memref<!tpu.dma_semaphore, #tpu.memory_space<semaphore_mem>>
      %dma_wait3A_1445 = arith.constant 0 : i32
      %dma_wait3A_1446 = arith.constant 0 : i32
      %dma_wait3A_1447 = tpu.memref_slice %arg6[%dma_wait3A_1434, %dma_wait3A_1445, %dma_wait3A_1446] : memref<16x32x128xf32, #tpu.memory_space<vmem>> -> memref<1x32x128xf32, #tpu.memory_space<vmem>>
      %dma_wait3A_1448 = tpu.memref_squeeze %dma_wait3A_1447 : memref<1x32x128xf32, #tpu.memory_space<vmem>> -> memref<32x128xf32, #tpu.memory_space<vmem>>
      %dma_wait3A_1449 = arith.constant 0 : i32
      %dma_wait3A_1450 = arith.constant 0 : i32
      %dma_wait3A_1451 = tpu.memref_slice %arg3[%dma_wait3A_1449, %dma_wait3A_1450] : memref<32x1000001xf32, #tpu.memory_space<hbm>> -> memref<32x128xf32, #tpu.memory_space<hbm>>
      tpu.wait_dma2 semaphore(%dma_wait3A_1444 : memref<!tpu.dma_semaphore, #tpu.memory_space<semaphore_mem>>) src(%dma_wait3A_1451 : memref<32x128xf32, #tpu.memory_space<hbm>>) dst(%dma_wait3A_1448 : memref<32x128xf32, #tpu.memory_space<vmem>>)
      %slice3A_1452 = vector.extract_strided_slice %get3A_721 {offsets = [14], sizes = [1], strides = [1]} : vector<16xi32> to vector<1xi32>
      %squeeze3A_1453 = vector.extract %slice3A_1452[0] : i32 from vector<1xi32>
      %rem3A_1454 = arith.constant 128 : i32
      %rem3A_1455 = arith.remsi %squeeze3A_1453, %rem3A_1454 : i32
      %broadcast_in_dim3A_1456 = vector.broadcast %rem3A_1455 : i32 to vector<16xi32>
      %add3A_1457 = arith.constant 14 : i32
      %add3A_1458 = arith.addi %mul3A_719, %add3A_1457 : i32
      %broadcast_in_dim3A_1459 = vector.broadcast %add3A_1458 : i32 to vector<16xi32>
      %add3A_1460 = arith.constant 0 : i32
      %add3A_1461 = vector.broadcast %add3A_1460 : i32 to vector<16xi32>
      %add3A_1462 = arith.addi %iota3A, %add3A_1461 : vector<16xi32>
      %gather3A_1463 = arith.constant 14 : i32
      %gather3A_1464 = arith.constant 0 : i32
      %gather3A_1465 = arith.constant 0 : i32
      %gather3A_1466 = tpu.memref_slice %arg6[%gather3A_1463, %gather3A_1464, %gather3A_1465] : memref<16x32x128xf32, #tpu.memory_space<vmem>> -> memref<1x32x128xf32, #tpu.memory_space<vmem>>
      %gather3A_1467 = tpu.memref_squeeze %gather3A_1466 : memref<1x32x128xf32, #tpu.memory_space<vmem>> -> memref<32x128xf32, #tpu.memory_space<vmem>>
      %gather3A_1468 = tpu.vector_load_idx %gather3A_1467[%add3A_1462, %broadcast_in_dim3A_1456] : memref<32x128xf32, #tpu.memory_space<vmem>>[vector<16xi32>, vector<16xi32>], vector<16xf32>,
      tpu.vector_store_idx %arg7[%add3A_1462, %broadcast_in_dim3A_1459], %gather3A_1468 : memref<32x512xf32, #tpu.memory_space<vmem>>[vector<16xi32>, vector<16xi32>], vector<16xf32>,
      %add3A_1469 = arith.constant 16 : i32
      %add3A_1470 = vector.broadcast %add3A_1469 : i32 to vector<16xi32>
      %add3A_1471 = arith.addi %iota3A, %add3A_1470 : vector<16xi32>
      %gather3A_1472 = arith.constant 14 : i32
      %gather3A_1473 = arith.constant 0 : i32
      %gather3A_1474 = arith.constant 0 : i32
      %gather3A_1475 = tpu.memref_slice %arg6[%gather3A_1472, %gather3A_1473, %gather3A_1474] : memref<16x32x128xf32, #tpu.memory_space<vmem>> -> memref<1x32x128xf32, #tpu.memory_space<vmem>>
      %gather3A_1476 = tpu.memref_squeeze %gather3A_1475 : memref<1x32x128xf32, #tpu.memory_space<vmem>> -> memref<32x128xf32, #tpu.memory_space<vmem>>
      %gather3A_1477 = tpu.vector_load_idx %gather3A_1476[%add3A_1471, %broadcast_in_dim3A_1456] : memref<32x128xf32, #tpu.memory_space<vmem>>[vector<16xi32>, vector<16xi32>], vector<16xf32>,
      tpu.vector_store_idx %arg7[%add3A_1471, %broadcast_in_dim3A_1459], %gather3A_1477 : memref<32x512xf32, #tpu.memory_space<vmem>>[vector<16xi32>, vector<16xi32>], vector<16xf32>,
      %add3A_1478 = arith.constant 1 : i32
      %add3A_1479 = arith.addi %scan3A_717, %add3A_1478 : i32
      %lt3A_1480 = arith.constant 32 : i32
      %lt3A_1481 = arith.cmpi slt, %add3A_1479, %lt3A_1480 : i32
      %convert_element_type3A_1482 = arith.extui %lt3A_1481 : i1 to i32
      %cond3A_1483 = arith.constant 0 : i32
      %cond3A_1484 = arith.cmpi ne, %convert_element_type3A_1482, %cond3A_1483 : i32
      scf.if %cond3A_1484 {
        %slice3A_1536 = vector.extract_strided_slice %get3A_725 {offsets = [14], sizes = [1], strides = [1]} : vector<16xi32> to vector<1xi32>
        %squeeze3A_1537 = vector.extract %slice3A_1536[0] : i32 from vector<1xi32>
        %jit3A_1538 = arith.constant 128 : i32
        %div3A_1539 = arith.divsi %squeeze3A_1537, %jit3A_1538 : i32
        %sign3A_1540 = arith.constant 0 : i32
        %sign3A_1541 = arith.cmpi sgt, %squeeze3A_1537, %sign3A_1540 : i32
        %sign3A_1542 = arith.extui %sign3A_1541 : i1 to i32
        %sign3A_1543 = arith.constant 0 : i32
        %sign3A_1544 = arith.cmpi slt, %squeeze3A_1537, %sign3A_1543 : i32
        %sign3A_1545 = arith.extui %sign3A_1544 : i1 to i32
        %sign3A_1546 = arith.subi %sign3A_1542, %sign3A_1545 : i32
        %sign3A_1547 = arith.constant 0 : i32
        %sign3A_1548 = arith.cmpi sgt, %jit3A_1538, %sign3A_1547 : i32
        %sign3A_1549 = arith.extui %sign3A_1548 : i1 to i32
        %sign3A_1550 = arith.constant 0 : i32
        %sign3A_1551 = arith.cmpi slt, %jit3A_1538, %sign3A_1550 : i32
        %sign3A_1552 = arith.extui %sign3A_1551 : i1 to i32
        %sign3A_1553 = arith.subi %sign3A_1549, %sign3A_1552 : i32
        %ne3A_1554 = arith.cmpi ne, %sign3A_1546, %sign3A_1553 : i32
        %rem3A_1555 = arith.remsi %squeeze3A_1537, %jit3A_1538 : i32
        %ne3A_1556 = arith.constant 0 : i32
        %ne3A_1557 = arith.cmpi ne, %rem3A_1555, %ne3A_1556 : i32
        %and3A_1558 = arith.andi %ne3A_1554, %ne3A_1557 : i1
        %sub3A_1559 = arith.constant 1 : i32
        %sub3A_1560 = arith.subi %div3A_1539, %sub3A_1559 : i32
        %select_n3A_1561 = arith.select %and3A_1558, %sub3A_1560, %div3A_1539 : i32
        %mul3A_1562 = arith.constant 128 : i32
        %mul3A_1563 = arith.muli %select_n3A_1561, %mul3A_1562 : i32
        %multiple_of3A_1564 = tpu.assume_multiple %mul3A_1563, 128 : i32
        %dma_start3A_1565 = arith.constant 14 : i32
        %dma_start3A_1566 = arith.constant 14 : i32
        %dma_start3A_1567 = arith.constant 0 : i32
        %dma_start3A_1568 = arith.constant 0 : i32
        %dma_start3A_1569 = tpu.memref_slice %arg6[%dma_start3A_1565, %dma_start3A_1567, %dma_start3A_1568] : memref<16x32x128xf32, #tpu.memory_space<vmem>> -> memref<1x32x128xf32, #tpu.memory_space<vmem>>
        %dma_start3A_1570 = tpu.memref_squeeze %dma_start3A_1569 : memref<1x32x128xf32, #tpu.memory_space<vmem>> -> memref<32x128xf32, #tpu.memory_space<vmem>>
        %dma_start3A_1571 = arith.constant 0 : i32
        %dma_start3A_1572 = tpu.memref_slice %arg3[%dma_start3A_1571, %multiple_of3A_1564] : memref<32x1000001xf32, #tpu.memory_space<hbm>> -> memref<32x128xf32, #tpu.memory_space<hbm>>
        %dma_start3A_1573 = tpu.memref_slice %arg8[%dma_start3A_1566] : memref<16x!tpu.dma_semaphore, #tpu.memory_space<semaphore_mem>> -> memref<1x!tpu.dma_semaphore, #tpu.memory_space<semaphore_mem>>
        %dma_start3A_1574 = tpu.memref_squeeze %dma_start3A_1573 : memref<1x!tpu.dma_semaphore, #tpu.memory_space<semaphore_mem>> -> memref<!tpu.dma_semaphore, #tpu.memory_space<semaphore_mem>>
        %dma_start3A_1575 = arith.constant 0 : i32
        %dma_start3A_1576 = arith.constant 0 : i32
        %dma_start3A_1577 = tpu.memref_slice %arg6[%dma_start3A_1565, %dma_start3A_1575, %dma_start3A_1576] : memref<16x32x128xf32, #tpu.memory_space<vmem>> -> memref<1x32x128xf32, #tpu.memory_space<vmem>>
        %dma_start3A_1578 = tpu.memref_squeeze %dma_start3A_1577 : memref<1x32x128xf32, #tpu.memory_space<vmem>> -> memref<32x128xf32, #tpu.memory_space<vmem>>
        %dma_start3A_1579 = arith.constant 0 : i32
        %dma_start3A_1580 = tpu.memref_slice %arg3[%dma_start3A_1579, %multiple_of3A_1564] : memref<32x1000001xf32, #tpu.memory_space<hbm>> -> memref<32x128xf32, #tpu.memory_space<hbm>>
        tpu.enqueue_dma source(%dma_start3A_1580 : memref<32x128xf32, #tpu.memory_space<hbm>>) target(%dma_start3A_1578 : memref<32x128xf32, #tpu.memory_space<vmem>>) target_semaphore(%dma_start3A_1574 : memref<!tpu.dma_semaphore, #tpu.memory_space<semaphore_mem>>)
      } else {
      }
      %dma_wait3A_1485 = arith.constant 15 : i32
      %dma_wait3A_1486 = arith.constant 15 : i32
      %dma_wait3A_1487 = arith.constant 0 : i32
      %dma_wait3A_1488 = arith.constant 0 : i32
      %dma_wait3A_1489 = tpu.memref_slice %arg6[%dma_wait3A_1485, %dma_wait3A_1487, %dma_wait3A_1488] : memref<16x32x128xf32, #tpu.memory_space<vmem>> -> memref<1x32x128xf32, #tpu.memory_space<vmem>>
      %dma_wait3A_1490 = tpu.memref_squeeze %dma_wait3A_1489 : memref<1x32x128xf32, #tpu.memory_space<vmem>> -> memref<32x128xf32, #tpu.memory_space<vmem>>
      %dma_wait3A_1491 = arith.constant 0 : i32
      %dma_wait3A_1492 = arith.constant 0 : i32
      %dma_wait3A_1493 = tpu.memref_slice %arg3[%dma_wait3A_1491, %dma_wait3A_1492] : memref<32x1000001xf32, #tpu.memory_space<hbm>> -> memref<32x128xf32, #tpu.memory_space<hbm>>
      %dma_wait3A_1494 = tpu.memref_slice %arg8[%dma_wait3A_1486] : memref<16x!tpu.dma_semaphore, #tpu.memory_space<semaphore_mem>> -> memref<1x!tpu.dma_semaphore, #tpu.memory_space<semaphore_mem>>
      %dma_wait3A_1495 = tpu.memref_squeeze %dma_wait3A_1494 : memref<1x!tpu.dma_semaphore, #tpu.memory_space<semaphore_mem>> -> memref<!tpu.dma_semaphore, #tpu.memory_space<semaphore_mem>>
      %dma_wait3A_1496 = arith.constant 0 : i32
      %dma_wait3A_1497 = arith.constant 0 : i32
      %dma_wait3A_1498 = tpu.memref_slice %arg6[%dma_wait3A_1485, %dma_wait3A_1496, %dma_wait3A_1497] : memref<16x32x128xf32, #tpu.memory_space<vmem>> -> memref<1x32x128xf32, #tpu.memory_space<vmem>>
      %dma_wait3A_1499 = tpu.memref_squeeze %dma_wait3A_1498 : memref<1x32x128xf32, #tpu.memory_space<vmem>> -> memref<32x128xf32, #tpu.memory_space<vmem>>
      %dma_wait3A_1500 = arith.constant 0 : i32
      %dma_wait3A_1501 = arith.constant 0 : i32
      %dma_wait3A_1502 = tpu.memref_slice %arg3[%dma_wait3A_1500, %dma_wait3A_1501] : memref<32x1000001xf32, #tpu.memory_space<hbm>> -> memref<32x128xf32, #tpu.memory_space<hbm>>
      tpu.wait_dma2 semaphore(%dma_wait3A_1495 : memref<!tpu.dma_semaphore, #tpu.memory_space<semaphore_mem>>) src(%dma_wait3A_1502 : memref<32x128xf32, #tpu.memory_space<hbm>>) dst(%dma_wait3A_1499 : memref<32x128xf32, #tpu.memory_space<vmem>>)
      %slice3A_1503 = vector.extract_strided_slice %get3A_721 {offsets = [15], sizes = [1], strides = [1]} : vector<16xi32> to vector<1xi32>
      %squeeze3A_1504 = vector.extract %slice3A_1503[0] : i32 from vector<1xi32>
      %rem3A_1505 = arith.constant 128 : i32
      %rem3A_1506 = arith.remsi %squeeze3A_1504, %rem3A_1505 : i32
      %broadcast_in_dim3A_1507 = vector.broadcast %rem3A_1506 : i32 to vector<16xi32>
      %add3A_1508 = arith.constant 15 : i32
      %add3A_1509 = arith.addi %mul3A_719, %add3A_1508 : i32
      %broadcast_in_dim3A_1510 = vector.broadcast %add3A_1509 : i32 to vector<16xi32>
      %add3A_1511 = arith.constant 0 : i32
      %add3A_1512 = vector.broadcast %add3A_1511 : i32 to vector<16xi32>
      %add3A_1513 = arith.addi %iota3A, %add3A_1512 : vector<16xi32>
      %gather3A_1514 = arith.constant 15 : i32
      %gather3A_1515 = arith.constant 0 : i32
      %gather3A_1516 = arith.constant 0 : i32
      %gather3A_1517 = tpu.memref_slice %arg6[%gather3A_1514, %gather3A_1515, %gather3A_1516] : memref<16x32x128xf32, #tpu.memory_space<vmem>> -> memref<1x32x128xf32, #tpu.memory_space<vmem>>
      %gather3A_1518 = tpu.memref_squeeze %gather3A_1517 : memref<1x32x128xf32, #tpu.memory_space<vmem>> -> memref<32x128xf32, #tpu.memory_space<vmem>>
      %gather3A_1519 = tpu.vector_load_idx %gather3A_1518[%add3A_1513, %broadcast_in_dim3A_1507] : memref<32x128xf32, #tpu.memory_space<vmem>>[vector<16xi32>, vector<16xi32>], vector<16xf32>,
      tpu.vector_store_idx %arg7[%add3A_1513, %broadcast_in_dim3A_1510], %gather3A_1519 : memref<32x512xf32, #tpu.memory_space<vmem>>[vector<16xi32>, vector<16xi32>], vector<16xf32>,
      %add3A_1520 = arith.constant 16 : i32
      %add3A_1521 = vector.broadcast %add3A_1520 : i32 to vector<16xi32>
      %add3A_1522 = arith.addi %iota3A, %add3A_1521 : vector<16xi32>
      %gather3A_1523 = arith.constant 15 : i32
      %gather3A_1524 = arith.constant 0 : i32
      %gather3A_1525 = arith.constant 0 : i32
      %gather3A_1526 = tpu.memref_slice %arg6[%gather3A_1523, %gather3A_1524, %gather3A_1525] : memref<16x32x128xf32, #tpu.memory_space<vmem>> -> memref<1x32x128xf32, #tpu.memory_space<vmem>>
      %gather3A_1527 = tpu.memref_squeeze %gather3A_1526 : memref<1x32x128xf32, #tpu.memory_space<vmem>> -> memref<32x128xf32, #tpu.memory_space<vmem>>
      %gather3A_1528 = tpu.vector_load_idx %gather3A_1527[%add3A_1522, %broadcast_in_dim3A_1507] : memref<32x128xf32, #tpu.memory_space<vmem>>[vector<16xi32>, vector<16xi32>], vector<16xf32>,
      tpu.vector_store_idx %arg7[%add3A_1522, %broadcast_in_dim3A_1510], %gather3A_1528 : memref<32x512xf32, #tpu.memory_space<vmem>>[vector<16xi32>, vector<16xi32>], vector<16xf32>,
      %add3A_1529 = arith.constant 1 : i32
      %add3A_1530 = arith.addi %scan3A_717, %add3A_1529 : i32
      %lt3A_1531 = arith.constant 32 : i32
      %lt3A_1532 = arith.cmpi slt, %add3A_1530, %lt3A_1531 : i32
      %convert_element_type3A_1533 = arith.extui %lt3A_1532 : i1 to i32
      %cond3A_1534 = arith.constant 0 : i32
      %cond3A_1535 = arith.cmpi ne, %convert_element_type3A_1533, %cond3A_1534 : i32
      scf.if %cond3A_1535 {
        %slice3A_1536 = vector.extract_strided_slice %get3A_725 {offsets = [15], sizes = [1], strides = [1]} : vector<16xi32> to vector<1xi32>
        %squeeze3A_1537 = vector.extract %slice3A_1536[0] : i32 from vector<1xi32>
        %jit3A_1538 = arith.constant 128 : i32
        %div3A_1539 = arith.divsi %squeeze3A_1537, %jit3A_1538 : i32
        %sign3A_1540 = arith.constant 0 : i32
        %sign3A_1541 = arith.cmpi sgt, %squeeze3A_1537, %sign3A_1540 : i32
        %sign3A_1542 = arith.extui %sign3A_1541 : i1 to i32
        %sign3A_1543 = arith.constant 0 : i32
        %sign3A_1544 = arith.cmpi slt, %squeeze3A_1537, %sign3A_1543 : i32
        %sign3A_1545 = arith.extui %sign3A_1544 : i1 to i32
        %sign3A_1546 = arith.subi %sign3A_1542, %sign3A_1545 : i32
        %sign3A_1547 = arith.constant 0 : i32
        %sign3A_1548 = arith.cmpi sgt, %jit3A_1538, %sign3A_1547 : i32
        %sign3A_1549 = arith.extui %sign3A_1548 : i1 to i32
        %sign3A_1550 = arith.constant 0 : i32
        %sign3A_1551 = arith.cmpi slt, %jit3A_1538, %sign3A_1550 : i32
        %sign3A_1552 = arith.extui %sign3A_1551 : i1 to i32
        %sign3A_1553 = arith.subi %sign3A_1549, %sign3A_1552 : i32
        %ne3A_1554 = arith.cmpi ne, %sign3A_1546, %sign3A_1553 : i32
        %rem3A_1555 = arith.remsi %squeeze3A_1537, %jit3A_1538 : i32
        %ne3A_1556 = arith.constant 0 : i32
        %ne3A_1557 = arith.cmpi ne, %rem3A_1555, %ne3A_1556 : i32
        %and3A_1558 = arith.andi %ne3A_1554, %ne3A_1557 : i1
        %sub3A_1559 = arith.constant 1 : i32
        %sub3A_1560 = arith.subi %div3A_1539, %sub3A_1559 : i32
        %select_n3A_1561 = arith.select %and3A_1558, %sub3A_1560, %div3A_1539 : i32
        %mul3A_1562 = arith.constant 128 : i32
        %mul3A_1563 = arith.muli %select_n3A_1561, %mul3A_1562 : i32
        %multiple_of3A_1564 = tpu.assume_multiple %mul3A_1563, 128 : i32
        %dma_start3A_1565 = arith.constant 15 : i32
        %dma_start3A_1566 = arith.constant 15 : i32
        %dma_start3A_1567 = arith.constant 0 : i32
        %dma_start3A_1568 = arith.constant 0 : i32
        %dma_start3A_1569 = tpu.memref_slice %arg6[%dma_start3A_1565, %dma_start3A_1567, %dma_start3A_1568] : memref<16x32x128xf32, #tpu.memory_space<vmem>> -> memref<1x32x128xf32, #tpu.memory_space<vmem>>
        %dma_start3A_1570 = tpu.memref_squeeze %dma_start3A_1569 : memref<1x32x128xf32, #tpu.memory_space<vmem>> -> memref<32x128xf32, #tpu.memory_space<vmem>>
        %dma_start3A_1571 = arith.constant 0 : i32
        %dma_start3A_1572 = tpu.memref_slice %arg3[%dma_start3A_1571, %multiple_of3A_1564] : memref<32x1000001xf32, #tpu.memory_space<hbm>> -> memref<32x128xf32, #tpu.memory_space<hbm>>
        %dma_start3A_1573 = tpu.memref_slice %arg8[%dma_start3A_1566] : memref<16x!tpu.dma_semaphore, #tpu.memory_space<semaphore_mem>> -> memref<1x!tpu.dma_semaphore, #tpu.memory_space<semaphore_mem>>
        %dma_start3A_1574 = tpu.memref_squeeze %dma_start3A_1573 : memref<1x!tpu.dma_semaphore, #tpu.memory_space<semaphore_mem>> -> memref<!tpu.dma_semaphore, #tpu.memory_space<semaphore_mem>>
        %dma_start3A_1575 = arith.constant 0 : i32
        %dma_start3A_1576 = arith.constant 0 : i32
        %dma_start3A_1577 = tpu.memref_slice %arg6[%dma_start3A_1565, %dma_start3A_1575, %dma_start3A_1576] : memref<16x32x128xf32, #tpu.memory_space<vmem>> -> memref<1x32x128xf32, #tpu.memory_space<vmem>>
        %dma_start3A_1578 = tpu.memref_squeeze %dma_start3A_1577 : memref<1x32x128xf32, #tpu.memory_space<vmem>> -> memref<32x128xf32, #tpu.memory_space<vmem>>
        %dma_start3A_1579 = arith.constant 0 : i32
        %dma_start3A_1580 = tpu.memref_slice %arg3[%dma_start3A_1579, %multiple_of3A_1564] : memref<32x1000001xf32, #tpu.memory_space<hbm>> -> memref<32x128xf32, #tpu.memory_space<hbm>>
        tpu.enqueue_dma source(%dma_start3A_1580 : memref<32x128xf32, #tpu.memory_space<hbm>>) target(%dma_start3A_1578 : memref<32x128xf32, #tpu.memory_space<vmem>>) target_semaphore(%dma_start3A_1574 : memref<!tpu.dma_semaphore, #tpu.memory_space<semaphore_mem>>)
      } else {
      }
    }
    %scan3A_716 = arith.constant 32 : i32
    "tpu.region"() ({
      %run_scoped3A = tpu.sem_alloc : memref<!tpu.dma_semaphore, #tpu.memory_space<semaphore_mem>>
      %dma_start3A_717 = arith.constant 0 : i32
      %dma_start3A_718 = tpu.memref_slice %arg4[%dma_start3A_717, %mul3A_2] : memref<32x16384xf32, #tpu.memory_space<hbm>> -> memref<32x512xf32, #tpu.memory_space<hbm>>
      %dma_start3A_719 = arith.constant 0 : i32
      %dma_start3A_720 = tpu.memref_slice %arg4[%dma_start3A_719, %mul3A_2] : memref<32x16384xf32, #tpu.memory_space<hbm>> -> memref<32x512xf32, #tpu.memory_space<hbm>>
      tpu.enqueue_dma source(%arg7 : memref<32x512xf32, #tpu.memory_space<vmem>>) target(%dma_start3A_720 : memref<32x512xf32, #tpu.memory_space<hbm>>) target_semaphore(%run_scoped3A : memref<!tpu.dma_semaphore, #tpu.memory_space<semaphore_mem>>)
      %dma_wait3A = arith.constant 0 : i32
      %dma_wait3A_721 = tpu.memref_slice %arg4[%dma_wait3A, %mul3A_2] : memref<32x16384xf32, #tpu.memory_space<hbm>> -> memref<32x512xf32, #tpu.memory_space<hbm>>
      %dma_wait3A_722 = arith.constant 0 : i32
      %dma_wait3A_723 = tpu.memref_slice %arg4[%dma_wait3A_722, %mul3A_2] : memref<32x16384xf32, #tpu.memory_space<hbm>> -> memref<32x512xf32, #tpu.memory_space<hbm>>
      tpu.wait_dma2 semaphore(%run_scoped3A : memref<!tpu.dma_semaphore, #tpu.memory_space<semaphore_mem>>) src(%arg7 : memref<32x512xf32, #tpu.memory_space<vmem>>) dst(%dma_wait3A_723 : memref<32x512xf32, #tpu.memory_space<hbm>>)
      tpu.yield
    }) : () -> ()
    return
  }
}

</mosaic_0001>

<sc_bundles>
// kernel: kernel.3.cloned.1.call-start
scs
__scs_entry_jumppad:
0x0: {  	(pc) =	sbr.rel $0x88, $3  }
0x1: {  	(tag) =	ssettag $0x0;
	lr =	simm.s32 $0x1  }
0x2: {  	[smem:$0x3F9F] =	sst lr;
	_ =	strace $0xD0000000  }
0x3: {  	_ = 	snop  }
0x4: {  	_ = 	snop  }
0x5: {  	_ = 	snop  }
0x6: {  	_ = 	snop  }
0x7: {  	_ = 	snop  }
__scs_overlays_trampoline_lowered:
0x8: {  	[smem:$0x3FAE] =	sst s0  }
0x9: {  	[smem:$0x3FAF] =	sst s1  }
0xa: {  	[smem:$0x3FB0] =	sst s2  }
0xb: {  	[smem:$0x3FB1] =	sst s3  }
0xc: {  	[smem:$0x3FB2] =	sst s4  }
0xd: {  	[smem:$0x3FB3] =	sst s5  }
0xe: {  	[smem:$0x3FB4] =	sst s6  }
0xf: {  	[smem:$0x3FB5] =	sst s7  }
0x10: {  	[smem:$0x3FB6] =	sst s8  }
0x11: {  	[smem:$0x3FB7] =	sst s9;
	s0 =	simm.s32 @!p0 $0x0  }
0x12: {  	s1 =	sld [smem:$0x3F9D];
	s0 =	simm.s32 @p0 $0x1  }
0x13: {  	[smem:$0x3FB8] =	sst s0;
	s0 =	simm.s32 @!p1 $0x0  }
0x14: {  	s2 =	sld [smem:$0x3F9C];
	s0 =	simm.s32 @p1 $0x1  }
0x15: {  	[smem:$0x3FB9] =	sst s0;
	s0 =	simm.s32 @!p2 $0x0  }
0x16: {  	s3 =	sld [smem:$0x3FDB];
	s0 =	simm.s32 @p2 $0x1  }
0x17: {  	s4 =	simm.s32 $0x1BF5;
	[smem:$0x3FBB] =	sst s0  }
0x18: {  	s0 =	sld [smem:$0x3F9E];
	_ =	swait.ge [sflag:s4], $0x0  }
0x19: {  	s7 =	sld [smem:$0x3F9F]  }
0x1a: {  	s8 =	sadd.s32 $0xFFFFE003, lr  }
0x1b: {  	s9 =	sadd.s32 $0xFFFFFEF7, lr;
	s5 =	simm.s32 $0xFFFFFFFF;
	p2 =	slt.u32 s8, $0xFFFFF086  }
0x1c: {  	p1 =	slt.u32 s9, $0xF7A;
	s5 =	simm.s32 @!p2 $0x0  }
0x1d: {  	s5 =	simm.s32 @p1 $0x1;
	p0 =	seq.s32 s7, s2  }
0x1e: {  	s7 =	smul.u32 @!p0 $0xF7A, s2;
	p2 =	seq.s32 @!p0 s5, $0x0  }
0x1f: {  	s9 =	smul.u32 $0xF7A, s1;
	s8 =	simm.s32 @!p0 $0x1BF5;
	p2 =	por !p2, p0  }
0x20: {  	[sflag:s8] =	ssyncset.s32 @!p0 $0xFFFFF086;
	s6 =	sadd.s32 @!p0 s3, s7;
	s7 =	simm.s32 @!p0 $0x108  }
0x21: {  	s3 =	sadd.s32 s3, s9;
	s6 =	sadd.s32 @!p0 $0x88, s6;
	s7 =	simm.s32 @p2 $0x1082  }
0x22: {  	[simem:s7], [sflag:s8] =	dma.local @!p0 [hbm:s6], $0xF7A  }
0x23: {  	s9 =	sor.u32 $0xD0000000, s2;
	s6 =	simm.s32 $0x108;
	_ =	swait.ge @!p0 [sflag:s8], $0x0  }
0x24: {  	s3 =	sadd.s32 $0x88, s3;
	s6 =	simm.s32 @!p1 $0x1082;
	[sflag:s4] =	ssyncset.s32 $0xFFFFF086  }
0x25: {  	[simem:s6], [sflag:s4] =	dma.local [hbm:s3], $0xF7A  }
0x26: {  	[smem:$0x3F9F] =	sst s1;
	(tag) =	ssettag s2;
	_ =	strace s9  }
0x27: {  	s1 =	sld [smem:$0x3FAF]  }
0x28: {  	s2 =	sld [smem:$0x3FB0]  }
0x29: {  	s4 =	sld [smem:$0x3FB2]  }
0x2a: {  	p0 =	seq.s32 s5, $0x0;
	s5 =	sld [smem:$0x3FB3]  }
0x2b: {  	s6 =	sld [smem:$0x3FB4]  }
0x2c: {  	s7 =	sld [smem:$0x3FB5]  }
0x2d: {  	s3 =	simm.s32 $0x108;
	s8 =	sld [smem:$0x3FB6]  }
0x2e: {  	s3 =	simm.s32 @!p0 $0x1082;
	s9 =	sld [smem:$0x3FB7]  }
0x2f: {  	lr =	sadd.s32 s0, s3;
	s0 =	sld [smem:$0x3FAE]  }
0x30: {  	s3 =	sld [smem:$0x3FB1]  }
0x31: {  	[smem:$0x3FBA] =	sst s10  }
0x32: {  	s10 =	sld [smem:$0x3FB8];
	_ =	sdelay $0x3  }
0x33: {  	p0 =	seq.s32 s10, $0x1;
	s10 =	sld [smem:$0x3FBA];
	_ =	sdelay $0x3  }
0x34: {  	[smem:$0x3FBA] =	sst s10  }
0x35: {  	s10 =	sld [smem:$0x3FB9];
	_ =	sdelay $0x3  }
0x36: {  	p1 =	seq.s32 s10, $0x1;
	s10 =	sld [smem:$0x3FBA];
	_ =	sdelay $0x3  }
0x37: {  	[smem:$0x3FBA] =	sst s10  }
0x38: {  	s10 =	sld [smem:$0x3FBB]  }
0x39: {  	_ = 	snop;
	(pc) =	sbr.ind lr, $3  }
0x3a: {  	_ = 	snop  }
0x3b: {  	_ = 	snop  }
0x3c: {  	p2 =	seq.s32 s10, $0x1;
	s10 =	sld [smem:$0x3FBA]  }
0x3d: {  	_ =	shalt  }
0x3e: {  	_ =	shalt  }
0x3f: {  	_ =	shalt  }
0x40: {  	_ =	shalt  }
0x41: {  	_ =	shalt  }
0x42: {  	_ =	shalt  }
0x43: {  	_ =	shalt  }
0x44: {  	_ =	shalt  }
0x45: {  	_ =	shalt  }
0x46: {  	_ =	shalt  }
0x47: {  	_ =	shalt  }
0x48: {  	_ =	shalt  }
0x49: {  	_ =	shalt  }
0x4a: {  	_ =	shalt  }
0x4b: {  	_ =	shalt  }
0x4c: {  	_ =	shalt  }
0x4d: {  	_ =	shalt  }
0x4e: {  	_ =	shalt  }
0x4f: {  	_ =	shalt  }
0x50: {  	_ =	shalt  }
0x51: {  	_ =	shalt  }
0x52: {  	_ =	shalt  }
0x53: {  	_ =	shalt  }
0x54: {  	_ =	shalt  }
0x55: {  	_ =	shalt  }
0x56: {  	_ =	shalt  }
0x57: {  	_ =	shalt  }
0x58: {  	_ =	shalt  }
0x59: {  	_ =	shalt  }
0x5a: {  	_ =	shalt  }
0x5b: {  	_ =	shalt  }
0x5c: {  	_ =	shalt  }
0x5d: {  	_ =	shalt  }
0x5e: {  	_ =	shalt  }
0x5f: {  	_ =	shalt  }
0x60: {  	_ =	shalt  }
0x61: {  	_ =	shalt  }
0x62: {  	_ =	shalt  }
0x63: {  	_ =	shalt  }
0x64: {  	_ =	shalt  }
0x65: {  	_ =	shalt  }
0x66: {  	_ =	shalt  }
0x67: {  	_ =	shalt  }
0x68: {  	_ =	shalt  }
0x69: {  	_ =	shalt  }
0x6a: {  	_ =	shalt  }
0x6b: {  	_ =	shalt  }
0x6c: {  	_ =	shalt  }
0x6d: {  	_ =	shalt  }
0x6e: {  	_ =	shalt  }
0x6f: {  	_ =	shalt  }
0x70: {  	_ =	shalt  }
0x71: {  	_ =	shalt  }
0x72: {  	_ =	shalt  }
0x73: {  	_ =	shalt  }
0x74: {  	_ =	shalt  }
0x75: {  	_ =	shalt  }
0x76: {  	_ =	shalt  }
0x77: {  	_ =	shalt  }
0x78: {  	_ =	shalt  }
0x79: {  	_ =	shalt  }
0x7a: {  	_ =	shalt  }
0x7b: {  	_ =	shalt  }
0x7c: {  	_ =	shalt  }
0x7d: {  	_ =	shalt  }
0x7e: {  	_ =	shalt  }
0x7f: {  	_ =	shalt  }
0x80: {  	_ =	shalt  }
0x81: {  	_ =	shalt  }
0x82: {  	_ =	shalt  }
0x83: {  	_ =	shalt  }
0x84: {  	_ =	shalt  }
0x85: {  	_ =	shalt  }
0x86: {  	_ =	shalt  }
0x87: {  	_ =	shalt  }
.Lfunc_end0:
.L_simem_size_0:
called_computation_lowered:
.L_overlay_start_0:
0x88: {  	s2 =	sld [smem:$0x3FD9]  }
0x89: {  	s3 =	sld [smem:$0x3FFE];
	_ =	sdelay $0x1  }
0x8a: {  	s1 =	srdreg.scid  }
0x8b: {  	s0 =	sand.u32 $0x1, s1  }
0x8c: {  	s18 =	sshll.u32 s0, $0xA;
	s2 =	sadd.s32 s3, s2  }
0x8d: {  	s2 =	sadd.s32 s2, s18  }
0x8e: {  	[smem:$0x3FC6] =	sst s2  }
0x8f: {  	_ = 	snop  }
0x90: {  	s2 =	sld [smem:$0x3FC9]  }
0x91: {  	s19 =	sld [smem:$0x3FC8]  }
0x92: {  	s4 =	sld [smem:$0x3FD0];
	(tm) =	ssettm $0x1  }
0x93: {  	s5 =	sld [smem:$0x3FFB];
	_ =	sdelay $0x3  }
0x94: {  	_ =	strace s5  }
0x95: {  	s5 =	sld [smem:$0x3FFC];
	_ =	sdelay $0x3  }
0x96: {  	_ =	strace s5  }
0x97: {  	s5 =	sld [smem:$0x3FFD];
	_ =	sdelay $0x3  }
0x98: {  	_ =	strace s5  }
0x99: {  	_ =	strace $0x8FFFFFFF  }
0x9a: {  	s20 =	sld [smem:$0x3FDB];
	_ =	sdelay $0x1  }
0x9b: {  	s6 =	simm.s32 $_scs_section_size  }
0x9c: {  	s7 =	simm.s32 $_size__tile_overlayer_lowered;
	s8 =	simm.s32 $_tile_overlayer_lowered  }
0x9d: {  	s23 =	simm.s32 $0x1BFF;
	s22 =	sshll.u32 s8, $0x1;
	s5 =	sadd.s32 s6, s20  }
0x9e: {  	s9 =	simm.s32 $0x0;
	s21 =	sshll.u32 s7, $0x1;
	s7 =	sadd.s32 s22, s5  }
0x9f: {  	[timem:s9], [sflag:s23] =	dma.local [hbm:s7], s21  }
0xa0: {  	_ =	swait.ge [sflag:s23], s21  }
0xa1: {  	s6 =	ssub.s32 $0x0, s21;
	[sflag:s23] =	ssyncset.done $0x0  }
0xa2: {  	[sflag:s23] =	ssyncadd.s32 s6;
	_ =	sdelay $0x1  }
0xa3: {  	s24 =	simm.s32 $0x1B8B  }
0xa4: {  	_ =	swait.ge [sflag:s24], $0x1  }
0xa5: {  	[sflag:s24] =	ssyncset.done $0x0  }
0xa6: {  	s25 =	simm.s32 $0x1B8E;
	[sflag:s24] =	ssyncadd.s32 $0xFFFFFFFF  }
0xa7: {  	s26 =	simm.s32 $execute0_lowered;
	[smem:$0x3FD2] =	sst s25  }
0xa8: {  	s6 =	sshll.u32 s26, $0x1;
	_ =	strace $0x80000046;
	[dreg:$0x1] =	wrdreg $0xFFFFFFFF  }
0xa9: {  	s28 =	simm.s32 $_size_execute0_lowered;
	s5 =	sadd.s32 s5, s6;
	[dreg:$0x0] =	wrdreg $0x0  }
0xaa: {  	s6 =	sshll.u32 s28, $0x1;
	[dreg:$0x2] =	wrdreg s5  }
0xab: {  	[dreg:$0x3] =	wrdreg s6  }
0xac: {  	[dreg:$0x4] =	wrdreg $0xC0  }
0xad: {  	_ =	task [dreg:s9], $0x5FFFF  }
0xae: {  	[dreg:$0x1] =	wrdreg $0xFFFFFFFF  }
0xaf: {  	[dreg:$0x0] =	wrdreg $0x60  }
0xb0: {  	[dreg:$0x2] =	wrdreg s2  }
0xb1: {  	[dreg:$0x3] =	wrdreg s19  }
0xb2: {  	[dreg:$0x4] =	wrdreg s4  }
0xb3: {  	[dreg:$0x5] =	wrdreg $0x9  }
0xb4: {  	_ =	task.clear_ibuf [dreg:s9], $0x6FFFF;
	_ =	strace $0x90000046  }
0xb5: {  	s29 =	simm.s32 $0x9;
	_ =	strace $0x80000048  }
0xb6: {  	_ =	swait.ge [sflag:s29], $0x1  }
0xb7: {  	[sflag:s29] =	ssyncadd.s32 $0xFFFFFFFF  }
0xb8: {  	_ =	strace $0x90000048  }
0xb9: {  	_ =	sfence  }
0xba: {  	s30 =	sld [smem:$0x0];
	_ =	sdelay $0x2  }
0xbb: {  	s31 =	sshll.u32 s1, $0xD;
	s1 =	sshrl.u32 s1, $0x2  }
0xbc: {  	s3 =	sand.u32 $0x4000, s31;
	s1 =	sadd.s32 s1, s30  }
0xbd: {  	s0 =	sor.u32 s3, s0;
	s1 =	sshll.u32 s1, $0x11  }
0xbe: {  	s0 =	sor.u32 s1, s0  }
0xbf: {  	s0 =	sadd.s32 $0x8F2B, s0  }
0xc0: {  	[sflag:s0] =	ssyncadd.remote.s32 $0x1  }
0xc1: {  	_ =	sfence.sel $0xFFFF  }
0xc2: {  	[dreg:$0x0] =	wrdreg $0xFFFFFFFF;
	(pc) =	sbr.abs _section_cstart, $3  }
0xc3: {  	[dreg:$0x1] =	wrdreg $0xFFFFFFFF  }
0xc4: {  	_ =	task.clear_ibuf [dreg:s9], $0x2FFFF;
	_ =	strace $0x9FFFFFFF  }
0xc5: {  	(tm) =	ssettm $0x7FFFFFFF  }
tec
execute0_lowered:
.L_overlay_start_1:
0x0: {  	(tag) =	ssettag $0x1  }
0x1: {  	s0 =	rddreg [dreg:$0x0]  }
0x2: {  	s1 =	rddreg [dreg:$0x1];
	v0 =	vlaneseq.u32;
	v1 =	vimm.s32 $0x1380  }
0x3: {  	s2 =	rddreg [dreg:$0x2];
	s3 =	srdreg.scid;
	s6 =	simm.s32 $0x0;
	vm0 =	vcmask $0x300;
	v2 =	vimm.s32 $0x3380;
	vm1 =	vcmask $0x704  }
0x4: {  	s5 =	stileid.u32;
	vm15 =	vcmask $0xB08;
	s16 =	simm.s32 $0x11;
	s18 =	simm.s32 $0x280;
	v1 =	vsel vm0, $0x0, v1;
	v2 =	vsel vm0, $0x2000, v2  }
0x5: {  	vm4 =	vcmask $0xF0C;
	s19 =	simm.s32 $0x1280;
	s20 =	simm.s32 $0x2280;
	s21 =	simm.s32 $0x3280;
	v1 =	vsel vm1, $0x80, v1;
	v2 =	vsel vm1, $0x2080, v2  }
0x6: {  	vm5 =	vcmask $0x1310;
	s22 =	simm.s32 $0x4280;
	s23 =	simm.s32 $0x5280;
	s8 =	simm.s32 $0x8280;
	v1 =	vsel vm15, $0x100, v1;
	v2 =	vsel vm15, $0x2100, v2  }
0x7: {  	vm6 =	vcmask $0x1714;
	s28 =	simm.s32 $0x10280;
	s29 =	simm.s32 $0x2;
	s30 =	simm.s32 $0x3;
	v1 =	vsel vm4, $0x180, v1;
	v2 =	vsel vm4, $0x2180, v2  }
0x8: {  	vm7 =	vcmask $0x1B18;
	s31 =	simm.s32 $0x4;
	s7 =	simm.s32 $0xB;
	s9 =	simm.s32 $0xC;
	v1 =	vsel vm5, $0x200, v1;
	v2 =	vsel vm5, $0x2200, v2  }
0x9: {  	vm8 =	vcmask $0x1F1C;
	s10 =	simm.s32 $0xD;
	s11 =	simm.s32 $0xE;
	s12 =	simm.s32 $0xF;
	v1 =	vsel vm6, $0x280, v1;
	v2 =	vsel vm6, $0x2280, v2  }
0xa: {  	vm9 =	vcmask $0x2320;
	s13 =	simm.s32 $0x10;
	s15 =	simm.s32 $0x0;
	s3 =	sand.u32 $0x1, s3;
	v1 =	vsel vm7, $0x300, v1;
	v2 =	vsel vm7, $0x2300, v2  }
0xb: {  	vm10 =	vcmask $0x2724;
	s5 =	sshll.u32 s5, $0xA;
	[smem:$0x7FF] =	sst s6;
	s4 =	ssub.s32 $0x2, s3;
	v1 =	vsel vm8, $0x380, v1;
	v2 =	vsel vm8, $0x2380, v2  }
0xc: {  	vm11 =	vcmask $0x2B28;
	s6 =	simm.s32 $0xA;
	s3 =	sshll.u32 s3, $0x9;
	s24 =	sshrl.u32 s4, $0x1;
	v1 =	vsel vm9, $0x1000, v1;
	v2 =	vsel vm9, $0x3000, v2  }
0xd: {  	vm12 =	vcmask $0x2F2C;
	_ =	strace $0x80000047;
	s3 =	sor.u32 s3, s5;
	s4 =	ssub.s32 s4, s24;
	v1 =	vsel vm10, $0x1080, v1;
	v2 =	vsel vm10, $0x3080, v2  }
0xe: {  	vm13 =	vcmask $0x3330;
	s5 =	sshrl.u32 s3, $0x3;
	s25 =	sadd.s32 s2, s3;
	s24 =	simm.s32 $0x6280;
	v1 =	vsel vm11, $0x1100, v1;
	v2 =	vsel vm11, $0x3100, v2  }
0xf: {  	vm14 =	vcmask $0x3734;
	s2 =	simm.s32 $0x6;
	s3 =	simm.s32 $0x7;
	s0 =	sadd.s32 s0, s5;
	v1 =	vsel vm12, $0x1180, v1;
	v2 =	vsel vm12, $0x3180, v2  }
0x10: {  	v0 =	vmul.u32 $0x80, v0;
	[dreg:$0x5] =	wrdreg s25;
	s26 =	smax.u32 s4, $0x1;
	s25 =	simm.s32 $0x7280;
	v1 =	vsel vm13, $0x1200, v1;
	v2 =	vsel vm13, $0x3200, v2  }
0x11: {  	vm15 =	vcmask $0x3B38;
	s4 =	simm.s32 $0x8;
	s5 =	simm.s32 $0x9;
	[dreg:$0x4] =	wrdreg s0;
	v1 =	vsel vm14, $0x1280, v1;
	v3 =	vsel vm14, $0x3280, v2  }
0x12: {  	[dreg:$0x6] =	wrdreg s26;
	s26 =	simm.s32 $0x9280;
	s0 =	simm.s32 $0x5;
	v2 =	vor.u32 $0x800, v0;
	v1 =	vsel vm15, $0x1300, v1;
	v3 =	vsel vm15, $0x3300, v3  }
.LBB2_1:
0x13: {  	[dreg:$0x7] =	wrdreg s15  }
0x14: {  	s14 =	simm.s32 $0x0;
	s17 =	rddreg [dreg:$0x4]  }
0x15: {  	[tilespmem:s14], [sflag:$0x11] =	stream.linear.gather [hbm4b:s17+s14], $0x200, $0x38;
	[tilespmem:$0x14280] =	vst v63  }
0x16: {  	_ =	swait.ge [sflag:s16], $0x200  }
0x17: {  	[sflag:s16] =	ssyncset.done $0x0  }
0x18: {  	[sflag:s16] =	ssyncadd.s32 $0xFFFFFE00  }
0x19: {  	v4 =	vld [tilespmem:$0x0];
	_ =	sdelay $0x4  }
0x1a: {  	(v2sf) =	vpush v4, $0x0;
	_ =	sdelay $0xa  }
0x1b: {  	(v2sf) =	vpush v4, $0x1;
	_ =	sdelay $0x3  }
0x1c: {  	s14 =	spop (v2sf)  }
0x1d: {  	s16 =	sand.u32 $0x7F, s14  }
0x1e: {  	s17 =	sshra.s32 s14, $0x1F;
	p1 =	slt.s32 s14, $0x1;
	p0 =	sne.s32 s16, $0x0  }
0x1f: {  	s15 =	sshrl.u32 s17, $0x19;
	p0 =	por !p1, !p0  }
0x20: {  	s14 =	sadd.s32 s15, s14;
	s15 =	simm.s32 $0x1;
	p0 =	por !p0, !p0  }
0x21: {  	s14 =	sshrl.u32 s14, $0x7;
	s15 =	simm.s32 @!p0 $0x0  }
0x22: {  	s14 =	ssub.s32 s14, s15  }
0x23: {  	(v2sf) =	vpush v4, $0x2;
	s14 =	sshll.u32 s14, $0x7  }
0x24: {  	s14 =	sand.u32 $0x1FFFFF80, s14  }
0x25: {  	s16 =	simm.s32 $0x7A1400;
	s17 =	simm.s32 $0x400;
	s14 =	sadd.s32 s1, s14  }
0x26: {  	[tilespmem:s18], [sflag:$0x1] =	stream.strided.gather [hbm4b:s14+s17], $0x1000, s16, s17, $0x38;
	[tilespmem:$0x14280] =	vst v63  }
0x27: {  	s14 =	spop (v2sf)  }
0x28: {  	s15 =	sand.u32 $0x7F, s14  }
0x29: {  	p2 =	slt.s32 s14, $0x1;
	p1 =	sne.s32 s15, $0x0;
	s15 =	sshra.s32 s14, $0x1F  }
0x2a: {  	s15 =	sshrl.u32 s15, $0x19;
	p0 =	por !p2, !p1  }
0x2b: {  	s14 =	sadd.s32 s15, s14;
	p0 =	por !p0, !p0;
	s15 =	simm.s32 $0x1  }
0x2c: {  	s14 =	sshrl.u32 s14, $0x7;
	s15 =	simm.s32 @!p0 $0x0  }
0x2d: {  	s14 =	ssub.s32 s14, s15  }
0x2e: {  	(v2sf) =	vpush v4, $0x3;
	s14 =	sshll.u32 s14, $0x7  }
0x2f: {  	s14 =	sand.u32 $0x1FFFFF80, s14  }
0x30: {  	s14 =	sadd.s32 s1, s14  }
0x31: {  	[tilespmem:s19], [sflag:$0x2] =	stream.strided.gather [hbm4b:s14+s17], $0x1000, s16, s17, $0x38;
	[tilespmem:$0x14280] =	vst v63  }
0x32: {  	s14 =	spop (v2sf)  }
0x33: {  	s19 =	sand.u32 $0x7F, s14  }
0x34: {  	p4 =	slt.s32 s14, $0x1;
	p3 =	sne.s32 s19, $0x0;
	s19 =	sshra.s32 s14, $0x1F  }
0x35: {  	s15 =	sshrl.u32 s19, $0x19;
	p0 =	por !p4, !p3  }
0x36: {  	(v2sf) =	vpush v4, $0x4;
	s14 =	sadd.s32 s15, s14;
	p0 =	por !p0, !p0;
	s15 =	simm.s32 $0x1  }
0x37: {  	s14 =	sshrl.u32 s14, $0x7;
	s15 =	simm.s32 @!p0 $0x0  }
0x38: {  	s14 =	ssub.s32 s14, s15  }
0x39: {  	s14 =	sshll.u32 s14, $0x7  }
0x3a: {  	s14 =	sand.u32 $0x1FFFFF80, s14  }
0x3b: {  	s14 =	sadd.s32 s1, s14  }
0x3c: {  	[tilespmem:s20], [sflag:$0x3] =	stream.strided.gather [hbm4b:s14+s17], $0x1000, s16, s17, $0x38;
	[tilespmem:$0x14280] =	vst v63  }
0x3d: {  	s14 =	spop (v2sf)  }
0x3e: {  	(v2sf) =	vpush v4, $0x5;
	s19 =	sand.u32 $0x7F, s14  }
0x3f: {  	s20 =	sshra.s32 s14, $0x1F;
	p6 =	slt.s32 s14, $0x1;
	p5 =	sne.s32 s19, $0x0  }
0x40: {  	s15 =	sshrl.u32 s20, $0x19;
	p0 =	por !p6, !p5  }
0x41: {  	s14 =	sadd.s32 s15, s14;
	s15 =	simm.s32 $0x1;
	p0 =	por !p0, !p0  }
0x42: {  	s14 =	sshrl.u32 s14, $0x7;
	s15 =	simm.s32 @!p0 $0x0  }
0x43: {  	s14 =	ssub.s32 s14, s15  }
0x44: {  	s14 =	sshll.u32 s14, $0x7  }
0x45: {  	s19 =	spop (v2sf);
	s14 =	sand.u32 $0x1FFFFF80, s14  }
0x46: {  	s20 =	sand.u32 $0x7F, s19;
	s14 =	sadd.s32 s1, s14  }
0x47: {  	[tilespmem:s21], [sflag:$0x4] =	stream.strided.gather [hbm4b:s14+s17], $0x1000, s16, s17, $0x38;
	[tilespmem:$0x14280] =	vst v63  }
0x48: {  	(v2sf) =	vpush v4, $0x6;
	p2 =	slt.s32 s19, $0x1;
	p1 =	sne.s32 s20, $0x0;
	s21 =	sshra.s32 s19, $0x1F  }
0x49: {  	p0 =	por !p2, !p1;
	s15 =	sshrl.u32 s21, $0x19  }
0x4a: {  	p0 =	por !p0, !p0;
	s14 =	sadd.s32 s15, s19;
	s15 =	simm.s32 $0x1  }
0x4b: {  	s14 =	sshrl.u32 s14, $0x7;
	s15 =	simm.s32 @!p0 $0x0  }
0x4c: {  	s14 =	ssub.s32 s14, s15  }
0x4d: {  	s14 =	sshll.u32 s14, $0x7;
	s19 =	spop (v2sf)  }
0x4e: {  	s14 =	sand.u32 $0x1FFFFF80, s14;
	s20 =	sand.u32 $0x7F, s19;
	s21 =	sshra.s32 s19, $0x1F  }
0x4f: {  	(v2sf) =	vpush v4, $0x7;
	p4 =	slt.s32 s19, $0x1;
	s14 =	sadd.s32 s1, s14;
	p3 =	sne.s32 s20, $0x0  }
0x50: {  	[tilespmem:s22], [sflag:$0x5] =	stream.strided.gather [hbm4b:s14+s17], $0x1000, s16, s17, $0x38;
	[tilespmem:$0x14280] =	vst v63  }
0x51: {  	s15 =	sshrl.u32 s21, $0x19;
	p0 =	por !p4, !p3  }
0x52: {  	s14 =	sadd.s32 s15, s19;
	s15 =	simm.s32 $0x1;
	p0 =	por !p0, !p0  }
0x53: {  	s14 =	sshrl.u32 s14, $0x7;
	s15 =	simm.s32 @!p0 $0x0  }
0x54: {  	s14 =	ssub.s32 s14, s15  }
0x55: {  	s14 =	sshll.u32 s14, $0x7  }
0x56: {  	s14 =	sand.u32 $0x1FFFFF80, s14  }
0x57: {  	s22 =	spop (v2sf);
	s14 =	sadd.s32 s1, s14  }
0x58: {  	(v2sf) =	vpush v4, $0x8;
	[tilespmem:s23], [sflag:$0x6] =	stream.strided.gather [hbm4b:s14+s17], $0x1000, s16, s17, $0x38;
	[tilespmem:$0x14280] =	vst v63  }
0x59: {  	s23 =	sand.u32 $0x7F, s22  }
0x5a: {  	s19 =	sshra.s32 s22, $0x1F;
	p6 =	slt.s32 s22, $0x1;
	p5 =	sne.s32 s23, $0x0  }
0x5b: {  	s15 =	sshrl.u32 s19, $0x19;
	p0 =	por !p6, !p5  }
0x5c: {  	s14 =	sadd.s32 s15, s22;
	s15 =	simm.s32 $0x1;
	p0 =	por !p0, !p0  }
0x5d: {  	s14 =	sshrl.u32 s14, $0x7;
	s15 =	simm.s32 @!p0 $0x0  }
0x5e: {  	s14 =	ssub.s32 s14, s15;
	s20 =	spop (v2sf)  }
0x5f: {  	s14 =	sshll.u32 s14, $0x7;
	s21 =	sand.u32 $0x7F, s20;
	s22 =	sshra.s32 s20, $0x1F  }
0x60: {  	(v2sf) =	vpush v4, $0x9;
	p2 =	slt.s32 s20, $0x1;
	s14 =	sand.u32 $0x1FFFFF80, s14;
	p1 =	sne.s32 s21, $0x0  }
0x61: {  	s15 =	sshrl.u32 s22, $0x19;
	s14 =	sadd.s32 s1, s14;
	p0 =	por !p2, !p1  }
0x62: {  	[tilespmem:s24], [sflag:$0x7] =	stream.strided.gather [hbm4b:s14+s17], $0x1000, s16, s17, $0x38;
	[tilespmem:$0x14280] =	vst v63  }
0x63: {  	s14 =	sadd.s32 s15, s20;
	p0 =	por !p0, !p0;
	s15 =	simm.s32 $0x1  }
0x64: {  	s14 =	sshrl.u32 s14, $0x7;
	s15 =	simm.s32 @!p0 $0x0  }
0x65: {  	s14 =	ssub.s32 s14, s15  }
0x66: {  	s14 =	sshll.u32 s14, $0x7  }
0x67: {  	s23 =	spop (v2sf);
	(v2sf) =	vpush v4, $0xA;
	s14 =	sand.u32 $0x1FFFFF80, s14  }
0x68: {  	s24 =	sand.u32 $0x7F, s23;
	s14 =	sadd.s32 s1, s14  }
0x69: {  	[tilespmem:s25], [sflag:$0x8] =	stream.strided.gather [hbm4b:s14+s17], $0x1000, s16, s17, $0x38;
	[tilespmem:$0x14280] =	vst v63  }
0x6a: {  	p4 =	slt.s32 s23, $0x1;
	p3 =	sne.s32 s24, $0x0;
	s25 =	sshra.s32 s23, $0x1F  }
0x6b: {  	p0 =	por !p4, !p3;
	s15 =	sshrl.u32 s25, $0x19  }
0x6c: {  	p0 =	por !p0, !p0;
	s14 =	sadd.s32 s15, s23;
	s15 =	simm.s32 $0x1  }
0x6d: {  	s14 =	sshrl.u32 s14, $0x7;
	s15 =	simm.s32 @!p0 $0x0  }
0x6e: {  	s14 =	ssub.s32 s14, s15  }
0x6f: {  	s14 =	sshll.u32 s14, $0x7;
	s19 =	spop (v2sf)  }
0x70: {  	s14 =	sand.u32 $0x1FFFFF80, s14;
	s20 =	sand.u32 $0x7F, s19;
	s21 =	sshra.s32 s19, $0x1F  }
0x71: {  	(v2sf) =	vpush v4, $0xB;
	p6 =	slt.s32 s19, $0x1;
	s14 =	sadd.s32 s1, s14;
	p5 =	sne.s32 s20, $0x0  }
0x72: {  	[tilespmem:s8], [sflag:$0x9] =	stream.strided.gather [hbm4b:s14+s17], $0x1000, s16, s17, $0x38;
	[tilespmem:$0x14280] =	vst v63  }
0x73: {  	s15 =	sshrl.u32 s21, $0x19;
	p0 =	por !p6, !p5  }
0x74: {  	s14 =	sadd.s32 s15, s19;
	s15 =	simm.s32 $0x1;
	p0 =	por !p0, !p0  }
0x75: {  	s14 =	sshrl.u32 s14, $0x7;
	s15 =	simm.s32 @!p0 $0x0  }
0x76: {  	s22 =	spop (v2sf);
	s14 =	ssub.s32 s14, s15  }
0x77: {  	s23 =	sand.u32 $0x7F, s22;
	s24 =	sshra.s32 s22, $0x1F;
	s14 =	sshll.u32 s14, $0x7  }
0x78: {  	(v2sf) =	vpush v4, $0xC;
	p2 =	slt.s32 s22, $0x1;
	p1 =	sne.s32 s23, $0x0;
	s14 =	sand.u32 $0x1FFFFF80, s14  }
0x79: {  	s15 =	sshrl.u32 s24, $0x19;
	p0 =	por !p2, !p1;
	s14 =	sadd.s32 s1, s14  }
0x7a: {  	[tilespmem:s26], [sflag:$0xA] =	stream.strided.gather [hbm4b:s14+s17], $0x1000, s16, s17, $0x38;
	[tilespmem:$0x14280] =	vst v63  }
0x7b: {  	p0 =	por !p0, !p0;
	s14 =	sadd.s32 s15, s22;
	s15 =	simm.s32 $0x1  }
0x7c: {  	s14 =	sshrl.u32 s14, $0x7;
	s15 =	simm.s32 @!p0 $0x0  }
0x7d: {  	s14 =	ssub.s32 s14, s15  }
0x7e: {  	s14 =	sshll.u32 s14, $0x7  }
0x7f: {  	s14 =	sand.u32 $0x1FFFFF80, s14  }
0x80: {  	s25 =	simm.s32 $0xA280;
	s14 =	sadd.s32 s1, s14;
	s26 =	spop (v2sf)  }
0x81: {  	[tilespmem:s25], [sflag:$0xB] =	stream.strided.gather [hbm4b:s14+s17], $0x1000, s16, s17, $0x38;
	[tilespmem:$0x14280] =	vst v63  }
0x82: {  	(v2sf) =	vpush v4, $0xD;
	s8 =	sand.u32 $0x7F, s26  }
0x83: {  	s19 =	sshra.s32 s26, $0x1F;
	p4 =	slt.s32 s26, $0x1;
	p3 =	sne.s32 s8, $0x0  }
0x84: {  	s15 =	sshrl.u32 s19, $0x19;
	p0 =	por !p4, !p3  }
0x85: {  	s14 =	sadd.s32 s15, s26;
	s15 =	simm.s32 $0x1;
	p0 =	por !p0, !p0  }
0x86: {  	s14 =	sshrl.u32 s14, $0x7;
	s15 =	simm.s32 @!p0 $0x0  }
0x87: {  	s20 =	simm.s32 $0xB280;
	s21 =	spop (v2sf);
	s14 =	ssub.s32 s14, s15  }
0x88: {  	s22 =	sand.u32 $0x7F, s21;
	s23 =	sshra.s32 s21, $0x1F;
	s14 =	sshll.u32 s14, $0x7  }
0x89: {  	p6 =	slt.s32 s21, $0x1;
	p5 =	sne.s32 s22, $0x0;
	s14 =	sand.u32 $0x1FFFFF80, s14  }
0x8a: {  	(v2sf) =	vpush v4, $0xE;
	s15 =	sshrl.u32 s23, $0x19;
	p0 =	por !p6, !p5;
	s14 =	sadd.s32 s1, s14  }
0x8b: {  	[tilespmem:s20], [sflag:$0xC] =	stream.strided.gather [hbm4b:s14+s17], $0x1000, s16, s17, $0x38;
	[tilespmem:$0x14280] =	vst v63  }
0x8c: {  	p0 =	por !p0, !p0;
	s14 =	sadd.s32 s15, s21;
	s15 =	simm.s32 $0x1  }
0x8d: {  	s14 =	sshrl.u32 s14, $0x7;
	s15 =	simm.s32 @!p0 $0x0  }
0x8e: {  	s14 =	ssub.s32 s14, s15  }
0x8f: {  	s14 =	sshll.u32 s14, $0x7  }
0x90: {  	s14 =	sand.u32 $0x1FFFFF80, s14  }
0x91: {  	s24 =	simm.s32 $0xC280;
	s14 =	sadd.s32 s1, s14;
	s25 =	spop (v2sf)  }
0x92: {  	[tilespmem:s24], [sflag:$0xD] =	stream.strided.gather [hbm4b:s14+s17], $0x1000, s16, s17, $0x38;
	[tilespmem:$0x14280] =	vst v63  }
0x93: {  	(v2sf) =	vpush v4, $0xF;
	s26 =	sand.u32 $0x7F, s25  }
0x94: {  	s8 =	sshra.s32 s25, $0x1F;
	p2 =	slt.s32 s25, $0x1;
	p1 =	sne.s32 s26, $0x0  }
0x95: {  	s15 =	sshrl.u32 s8, $0x19;
	p0 =	por !p2, !p1  }
0x96: {  	s14 =	sadd.s32 s15, s25;
	s15 =	simm.s32 $0x1;
	p0 =	por !p0, !p0  }
0x97: {  	s14 =	sshrl.u32 s14, $0x7;
	s15 =	simm.s32 @!p0 $0x0  }
0x98: {  	s14 =	ssub.s32 s14, s15  }
0x99: {  	s20 =	simm.s32 $0xD280;
	s19 =	spop (v2sf);
	s14 =	sshll.u32 s14, $0x7  }
0x9a: {  	s21 =	sand.u32 $0x7F, s19;
	s22 =	sshra.s32 s19, $0x1F;
	s14 =	sand.u32 $0x1FFFFF80, s14  }
0x9b: {  	p4 =	slt.s32 s19, $0x1;
	p3 =	sne.s32 s21, $0x0;
	s14 =	sadd.s32 s1, s14  }
0x9c: {  	[tilespmem:s20], [sflag:$0xE] =	stream.strided.gather [hbm4b:s14+s17], $0x1000, s16, s17, $0x38;
	[tilespmem:$0x14280] =	vst v63  }
0x9d: {  	p0 =	por !p4, !p3;
	s14 =	sshrl.u32 s22, $0x19  }
0x9e: {  	s15 =	simm.s32 $0x1;
	p0 =	por !p0, !p0;
	s14 =	sadd.s32 s14, s19  }
0x9f: {  	s15 =	simm.s32 @!p0 $0x0;
	s14 =	sshrl.u32 s14, $0x7  }
0xa0: {  	s14 =	ssub.s32 s14, s15  }
0xa1: {  	s14 =	sshll.u32 s14, $0x7  }
0xa2: {  	s14 =	sand.u32 $0x1FFFFF80, s14;
	s24 =	spop (v2sf)  }
0xa3: {  	s23 =	simm.s32 $0xE280;
	s14 =	sadd.s32 s1, s14;
	s25 =	sand.u32 $0x7F, s24  }
0xa4: {  	[tilespmem:s23], [sflag:$0xF] =	stream.strided.gather [hbm4b:s14+s17], $0x1000, s16, s17, $0x38;
	[tilespmem:$0x14280] =	vst v63  }
0xa5: {  	s26 =	sshra.s32 s24, $0x1F;
	p6 =	slt.s32 s24, $0x1;
	p5 =	sne.s32 s25, $0x0  }
0xa6: {  	s15 =	sshrl.u32 s26, $0x19;
	p0 =	por !p6, !p5  }
0xa7: {  	s14 =	sadd.s32 s15, s24;
	s15 =	simm.s32 $0x1;
	p0 =	por !p0, !p0  }
0xa8: {  	s14 =	sshrl.u32 s14, $0x7;
	s15 =	simm.s32 @!p0 $0x0  }
0xa9: {  	s14 =	ssub.s32 s14, s15  }
0xaa: {  	s8 =	simm.s32 $0x1;
	s21 =	simm.s32 $0x9280;
	s14 =	sshll.u32 s14, $0x7  }
0xab: {  	s22 =	simm.s32 $0x3280;
	s20 =	simm.s32 $0x1280;
	s14 =	sand.u32 $0x1FFFFF80, s14  }
0xac: {  	s23 =	simm.s32 $0xF280;
	s26 =	simm.s32 $0x7280;
	s14 =	sadd.s32 s1, s14  }
0xad: {  	[tilespmem:s23], [sflag:$0x10] =	stream.strided.gather [hbm4b:s14+s17], $0x1000, s16, s17, $0x38;
	[tilespmem:$0x14280] =	vst v63  }
0xae: {  	s24 =	simm.s32 $0x5280;
	s15 =	simm.s32 $0xF;
	s14 =	simm.s32 $0x10  }
.LBB2_2:
0xaf: {  	v4 =	vld [tilespmem:s14+$0xFFFFFFF0];
	_ =	sdelay $0x3  }
0xb0: {  	v5 =	vld [tilespmem:s14+$0x0];
	_ =	swait.ge [sflag:s8], $0x1000  }
0xb1: {  	(v2sf) =	vpush v4, $0x0;
	_ =	sdelay $0xa  }
0xb2: {  	p0 =	seq.s32 s15, $0x1FF  }
0xb3: {  	(v2sf) =	vpush @!p0 v5, $0x0;
	_ =	sdelay $0x2  }
0xb4: {  	s16 =	spop (v2sf)  }
0xb5: {  	s17 =	sshra.s32 s16, $0x1F  }
0xb6: {  	s17 =	sshrl.u32 s17, $0x19  }
0xb7: {  	s17 =	sadd.s32 s17, s16  }
0xb8: {  	s17 =	sand.u32 $0xFFFFFF80, s17  }
0xb9: {  	s16 =	ssub.s32 s16, s17  }
0xba: {  	s19 =	sadd.s32 $0xFFFFFFF1, s15;
	v6 =	vadd.s32 s16, v0  }
0xbb: {  	v7 =	vmov s19  }
0xbc: {  	v8 =	vshll.u32 v7, $0x3  }
0xbd: {  	[sflag:s8] =	ssyncset.done $0x0;
	v7 =	vand.u32 $0x70, v7;
	v8 =	vand.u32 $0xC00, v8  }
0xbe: {  	[sflag:s8] =	ssyncadd.s32 $0xFFFFF000;
	v7 =	vor.u32 v7, v8  }
0xbf: {  	v8 =	vor.u32 v1, v7;
	v6 =	vld.idx.msk [tilespmem:v6+s18+$0x0], $0xffff  }
0xc0: {  	s17 =	spop @!p0 (v2sf);
	v9 =	vadd.s32 s16, v2  }
0xc1: {  	s16 =	sand.u32 @!p0 $0x7F, s17  }
0xc2: {  	p1 =	slt.s32 @!p0 s17, $0x1;
	p2 =	sne.s32 @!p0 s16, $0x0  }
0xc3: {  	s16 =	sshra.s32 @!p0 s17, $0x1F;
	p1 =	por @!p0 !p1, !p2  }
0xc4: {  	s16 =	sshrl.u32 @!p0 s16, $0x19;
	p1 =	por @!p0 !p1, !p1;
	[tilespmem:v8+s28+$0x0] =	vst.idx.msk $0xffff, v6  }
0xc5: {  	v7 =	vor.u32 v3, v7;
	s16 =	sadd.s32 @!p0 s16, s17;
	s17 =	simm.s32 @!p0 $0x1;
	p1 =	por !p1, p0;
	v6 =	vld.idx.msk [tilespmem:v9+s18+$0x0], $0xffff  }
0xc6: {  	s16 =	sshrl.u32 @!p0 s16, $0x7;
	s17 =	simm.s32 @p1 $0x0  }
0xc7: {  	s16 =	ssub.s32 @!p0 s16, s17  }
0xc8: {  	s16 =	sshll.u32 @!p0 s16, $0x7  }
0xc9: {  	s19 =	simm.s32 @!p0 $0x280;
	s16 =	sand.u32 @!p0 $0x1FFFFF80, s16  }
0xca: {  	s17 =	simm.s32 @!p0 $0x7A1400;
	s18 =	sadd.s32 @!p0 s1, s16;
	s16 =	simm.s32 @!p0 $0x400;
	[tilespmem:v7+s28+$0x0] =	vst.idx.msk $0xffff, v6  }
0xcb: {  	[tilespmem:s19], [sflag:$0x1] =	stream.strided.gather @!p0 [hbm4b:s18+s16], $0x1000, s17, s16, $0x38;
	[tilespmem:$0x14280] =	vst v63  }
0xcc: {  	_ =	swait.ge [sflag:s29], $0x1000  }
0xcd: {  	(v2sf) =	vpush v4, $0x1;
	_ =	sdelay $0xb  }
0xce: {  	(v2sf) =	vpush @!p0 v5, $0x1;
	_ =	sdelay $0x2  }
0xcf: {  	s18 =	spop (v2sf)  }
0xd0: {  	s25 =	sshra.s32 s18, $0x1F  }
0xd1: {  	s19 =	sshrl.u32 s25, $0x19  }
0xd2: {  	s19 =	sadd.s32 s19, s18  }
0xd3: {  	s19 =	sand.u32 $0xFFFFFF80, s19  }
0xd4: {  	s18 =	ssub.s32 s18, s19  }
0xd5: {  	s25 =	sadd.s32 $0xFFFFFFF2, s15;
	v58 =	vadd.s32 s18, v0  }
0xd6: {  	v59 =	vmov s25  }
0xd7: {  	v60 =	vshll.u32 v59, $0x3  }
0xd8: {  	[sflag:s29] =	ssyncset.done $0x0;
	v7 =	vand.u32 $0x71, v59;
	v8 =	vand.u32 $0xC00, v60  }
0xd9: {  	[sflag:s29] =	ssyncadd.s32 $0xFFFFF000;
	v7 =	vor.u32 v7, v8  }
0xda: {  	v8 =	vor.u32 v1, v7;
	v6 =	vld.idx.msk [tilespmem:v58+s20+$0x0], $0xffff  }
0xdb: {  	v61 =	vadd.s32 s18, v2;
	s18 =	spop @!p0 (v2sf)  }
0xdc: {  	s19 =	sand.u32 @!p0 $0x7F, s18  }
0xdd: {  	p1 =	slt.s32 @!p0 s18, $0x1;
	p2 =	sne.s32 @!p0 s19, $0x0  }
0xde: {  	s19 =	sshra.s32 @!p0 s18, $0x1F;
	p1 =	por @!p0 !p1, !p2  }
0xdf: {  	s19 =	sshrl.u32 @!p0 s19, $0x19;
	p1 =	por @!p0 !p1, !p1;
	[tilespmem:v8+s28+$0x0] =	vst.idx.msk $0xffff, v6  }
0xe0: {  	v7 =	vor.u32 v3, v7;
	s18 =	sadd.s32 @!p0 s19, s18;
	s19 =	simm.s32 @!p0 $0x1;
	p1 =	por !p1, p0;
	v6 =	vld.idx.msk [tilespmem:v61+s20+$0x0], $0xffff  }
0xe1: {  	s18 =	sshrl.u32 @!p0 s18, $0x7;
	s19 =	simm.s32 @p1 $0x0  }
0xe2: {  	s18 =	ssub.s32 @!p0 s18, s19  }
0xe3: {  	s18 =	sshll.u32 @!p0 s18, $0x7  }
0xe4: {  	s18 =	sand.u32 @!p0 $0x1FFFFF80, s18  }
0xe5: {  	s19 =	simm.s32 @!p0 $0x1280;
	s18 =	sadd.s32 @!p0 s1, s18;
	[tilespmem:v7+s28+$0x0] =	vst.idx.msk $0xffff, v6  }
0xe6: {  	[tilespmem:s19], [sflag:$0x2] =	stream.strided.gather @!p0 [hbm4b:s18+s16], $0x1000, s17, s16, $0x38;
	[tilespmem:$0x14280] =	vst v63  }
0xe7: {  	_ =	swait.ge [sflag:s30], $0x1000  }
0xe8: {  	(v2sf) =	vpush v4, $0x2;
	_ =	sdelay $0xb  }
0xe9: {  	(v2sf) =	vpush @!p0 v5, $0x2;
	_ =	sdelay $0x2  }
0xea: {  	s18 =	spop (v2sf)  }
0xeb: {  	s25 =	sshra.s32 s18, $0x1F  }
0xec: {  	s19 =	sshrl.u32 s25, $0x19  }
0xed: {  	s19 =	sadd.s32 s19, s18  }
0xee: {  	s19 =	sand.u32 $0xFFFFFF80, s19  }
0xef: {  	s18 =	ssub.s32 s18, s19  }
0xf0: {  	s25 =	sadd.s32 $0xFFFFFFF3, s15;
	v62 =	vadd.s32 s18, v0  }
0xf1: {  	v63 =	vmov s25  }
0xf2: {  	v12 =	vshll.u32 v63, $0x3  }
0xf3: {  	[sflag:s30] =	ssyncset.done $0x0;
	v7 =	vand.u32 $0x72, v63;
	v8 =	vand.u32 $0xC00, v12  }
0xf4: {  	[sflag:s30] =	ssyncadd.s32 $0xFFFFF000;
	s25 =	simm.s32 $0x2280;
	v7 =	vor.u32 v7, v8  }
0xf5: {  	v8 =	vor.u32 v1, v7;
	v6 =	vld.idx.msk [tilespmem:v62+s25+$0x0], $0xffff  }
0xf6: {  	v13 =	vadd.s32 s18, v2;
	s18 =	spop @!p0 (v2sf)  }
0xf7: {  	s19 =	sand.u32 @!p0 $0x7F, s18  }
0xf8: {  	p1 =	slt.s32 @!p0 s18, $0x1;
	p2 =	sne.s32 @!p0 s19, $0x0  }
0xf9: {  	s19 =	sshra.s32 @!p0 s18, $0x1F;
	p1 =	por @!p0 !p1, !p2  }
0xfa: {  	s19 =	sshrl.u32 @!p0 s19, $0x19;
	p1 =	por @!p0 !p1, !p1;
	[tilespmem:v8+s28+$0x0] =	vst.idx.msk $0xffff, v6  }
0xfb: {  	v7 =	vor.u32 v3, v7;
	s18 =	sadd.s32 @!p0 s19, s18;
	s19 =	simm.s32 @!p0 $0x1;
	p1 =	por !p1, p0;
	v6 =	vld.idx.msk [tilespmem:v13+s25+$0x0], $0xffff  }
0xfc: {  	s18 =	sshrl.u32 @!p0 s18, $0x7;
	s19 =	simm.s32 @p1 $0x0  }
0xfd: {  	s18 =	ssub.s32 @!p0 s18, s19  }
0xfe: {  	s18 =	sshll.u32 @!p0 s18, $0x7  }
0xff: {  	s18 =	sand.u32 @!p0 $0x1FFFFF80, s18  }
0x100: {  	s19 =	simm.s32 @!p0 $0x2280;
	s18 =	sadd.s32 @!p0 s1, s18;
	[tilespmem:v7+s28+$0x0] =	vst.idx.msk $0xffff, v6  }
0x101: {  	[tilespmem:s19], [sflag:$0x3] =	stream.strided.gather @!p0 [hbm4b:s18+s16], $0x1000, s17, s16, $0x38;
	[tilespmem:$0x14280] =	vst v63  }
0x102: {  	_ =	swait.ge [sflag:s31], $0x1000  }
0x103: {  	(v2sf) =	vpush v4, $0x3;
	_ =	sdelay $0xb  }
0x104: {  	(v2sf) =	vpush @!p0 v5, $0x3;
	_ =	sdelay $0x2  }
0x105: {  	s18 =	spop (v2sf)  }
0x106: {  	s25 =	sshra.s32 s18, $0x1F  }
0x107: {  	s19 =	sshrl.u32 s25, $0x19  }
0x108: {  	s19 =	sadd.s32 s19, s18  }
0x109: {  	s19 =	sand.u32 $0xFFFFFF80, s19  }
0x10a: {  	s18 =	ssub.s32 s18, s19  }
0x10b: {  	s25 =	sadd.s32 $0xFFFFFFF4, s15;
	v14 =	vadd.s32 s18, v0  }
0x10c: {  	v15 =	vmov s25  }
0x10d: {  	v16 =	vshll.u32 v15, $0x3  }
0x10e: {  	[sflag:s31] =	ssyncset.done $0x0;
	v7 =	vand.u32 $0x73, v15;
	v8 =	vand.u32 $0xC00, v16  }
0x10f: {  	[sflag:s31] =	ssyncadd.s32 $0xFFFFF000;
	v7 =	vor.u32 v7, v8  }
0x110: {  	v8 =	vor.u32 v1, v7;
	v6 =	vld.idx.msk [tilespmem:v14+s22+$0x0], $0xffff  }
0x111: {  	v17 =	vadd.s32 s18, v2;
	s18 =	spop @!p0 (v2sf)  }
0x112: {  	s19 =	sand.u32 @!p0 $0x7F, s18  }
0x113: {  	p1 =	slt.s32 @!p0 s18, $0x1;
	p2 =	sne.s32 @!p0 s19, $0x0  }
0x114: {  	s19 =	sshra.s32 @!p0 s18, $0x1F;
	p1 =	por @!p0 !p1, !p2  }
0x115: {  	s19 =	sshrl.u32 @!p0 s19, $0x19;
	p1 =	por @!p0 !p1, !p1;
	[tilespmem:v8+s28+$0x0] =	vst.idx.msk $0xffff, v6  }
0x116: {  	v7 =	vor.u32 v3, v7;
	s18 =	sadd.s32 @!p0 s19, s18;
	s19 =	simm.s32 @!p0 $0x1;
	p1 =	por !p1, p0;
	v6 =	vld.idx.msk [tilespmem:v17+s22+$0x0], $0xffff  }
0x117: {  	s18 =	sshrl.u32 @!p0 s18, $0x7;
	s19 =	simm.s32 @p1 $0x0  }
0x118: {  	s18 =	ssub.s32 @!p0 s18, s19  }
0x119: {  	s18 =	sshll.u32 @!p0 s18, $0x7  }
0x11a: {  	s18 =	sand.u32 @!p0 $0x1FFFFF80, s18  }
0x11b: {  	s19 =	simm.s32 @!p0 $0x3280;
	s18 =	sadd.s32 @!p0 s1, s18;
	[tilespmem:v7+s28+$0x0] =	vst.idx.msk $0xffff, v6  }
0x11c: {  	[tilespmem:s19], [sflag:$0x4] =	stream.strided.gather @!p0 [hbm4b:s18+s16], $0x1000, s17, s16, $0x38;
	[tilespmem:$0x14280] =	vst v63  }
0x11d: {  	_ =	swait.ge [sflag:s0], $0x1000  }
0x11e: {  	(v2sf) =	vpush v4, $0x4;
	_ =	sdelay $0xb  }
0x11f: {  	(v2sf) =	vpush @!p0 v5, $0x4;
	_ =	sdelay $0x2  }
0x120: {  	s18 =	spop (v2sf)  }
0x121: {  	s25 =	sshra.s32 s18, $0x1F  }
0x122: {  	s19 =	sshrl.u32 s25, $0x19  }
0x123: {  	s19 =	sadd.s32 s19, s18  }
0x124: {  	s19 =	sand.u32 $0xFFFFFF80, s19  }
0x125: {  	s18 =	ssub.s32 s18, s19  }
0x126: {  	s25 =	sadd.s32 $0xFFFFFFF5, s15;
	v18 =	vadd.s32 s18, v0  }
0x127: {  	v19 =	vmov s25  }
0x128: {  	v20 =	vshll.u32 v19, $0x3  }
0x129: {  	[sflag:s0] =	ssyncset.done $0x0;
	v7 =	vand.u32 $0x74, v19;
	v8 =	vand.u32 $0xC00, v20  }
0x12a: {  	[sflag:s0] =	ssyncadd.s32 $0xFFFFF000;
	s25 =	simm.s32 $0x4280;
	v7 =	vor.u32 v7, v8  }
0x12b: {  	v8 =	vor.u32 v1, v7;
	v6 =	vld.idx.msk [tilespmem:v18+s25+$0x0], $0xffff  }
0x12c: {  	v21 =	vadd.s32 s18, v2;
	s18 =	spop @!p0 (v2sf)  }
0x12d: {  	s19 =	sand.u32 @!p0 $0x7F, s18  }
0x12e: {  	p1 =	slt.s32 @!p0 s18, $0x1;
	p2 =	sne.s32 @!p0 s19, $0x0  }
0x12f: {  	s19 =	sshra.s32 @!p0 s18, $0x1F;
	p1 =	por @!p0 !p1, !p2  }
0x130: {  	s19 =	sshrl.u32 @!p0 s19, $0x19;
	p1 =	por @!p0 !p1, !p1;
	[tilespmem:v8+s28+$0x0] =	vst.idx.msk $0xffff, v6  }
0x131: {  	v7 =	vor.u32 v3, v7;
	s18 =	sadd.s32 @!p0 s19, s18;
	s19 =	simm.s32 @!p0 $0x1;
	p1 =	por !p1, p0;
	v6 =	vld.idx.msk [tilespmem:v21+s25+$0x0], $0xffff  }
0x132: {  	s18 =	sshrl.u32 @!p0 s18, $0x7;
	s19 =	simm.s32 @p1 $0x0  }
0x133: {  	s18 =	ssub.s32 @!p0 s18, s19  }
0x134: {  	s18 =	sshll.u32 @!p0 s18, $0x7  }
0x135: {  	s18 =	sand.u32 @!p0 $0x1FFFFF80, s18  }
0x136: {  	s19 =	simm.s32 @!p0 $0x4280;
	s18 =	sadd.s32 @!p0 s1, s18;
	[tilespmem:v7+s28+$0x0] =	vst.idx.msk $0xffff, v6  }
0x137: {  	[tilespmem:s19], [sflag:$0x5] =	stream.strided.gather @!p0 [hbm4b:s18+s16], $0x1000, s17, s16, $0x38;
	[tilespmem:$0x14280] =	vst v63  }
0x138: {  	_ =	swait.ge [sflag:s2], $0x1000  }
0x139: {  	(v2sf) =	vpush v4, $0x5;
	_ =	sdelay $0xb  }
0x13a: {  	(v2sf) =	vpush @!p0 v5, $0x5;
	_ =	sdelay $0x2  }
0x13b: {  	s18 =	spop (v2sf)  }
0x13c: {  	s25 =	sshra.s32 s18, $0x1F  }
0x13d: {  	s19 =	sshrl.u32 s25, $0x19  }
0x13e: {  	s19 =	sadd.s32 s19, s18  }
0x13f: {  	s19 =	sand.u32 $0xFFFFFF80, s19  }
0x140: {  	s18 =	ssub.s32 s18, s19  }
0x141: {  	s25 =	sadd.s32 $0xFFFFFFF6, s15;
	v22 =	vadd.s32 s18, v0  }
0x142: {  	v23 =	vmov s25  }
0x143: {  	v24 =	vshll.u32 v23, $0x3  }
0x144: {  	[sflag:s2] =	ssyncset.done $0x0;
	v7 =	vand.u32 $0x75, v23;
	v8 =	vand.u32 $0xC00, v24  }
0x145: {  	[sflag:s2] =	ssyncadd.s32 $0xFFFFF000;
	v7 =	vor.u32 v7, v8  }
0x146: {  	v8 =	vor.u32 v1, v7;
	v6 =	vld.idx.msk [tilespmem:v22+s24+$0x0], $0xffff  }
0x147: {  	v25 =	vadd.s32 s18, v2;
	s18 =	spop @!p0 (v2sf)  }
0x148: {  	s19 =	sand.u32 @!p0 $0x7F, s18  }
0x149: {  	p1 =	slt.s32 @!p0 s18, $0x1;
	p2 =	sne.s32 @!p0 s19, $0x0  }
0x14a: {  	s19 =	sshra.s32 @!p0 s18, $0x1F;
	p1 =	por @!p0 !p1, !p2  }
0x14b: {  	s19 =	sshrl.u32 @!p0 s19, $0x19;
	p1 =	por @!p0 !p1, !p1;
	[tilespmem:v8+s28+$0x0] =	vst.idx.msk $0xffff, v6  }
0x14c: {  	v7 =	vor.u32 v3, v7;
	s18 =	sadd.s32 @!p0 s19, s18;
	s19 =	simm.s32 @!p0 $0x1;
	p1 =	por !p1, p0;
	v6 =	vld.idx.msk [tilespmem:v25+s24+$0x0], $0xffff  }
0x14d: {  	s18 =	sshrl.u32 @!p0 s18, $0x7;
	s19 =	simm.s32 @p1 $0x0  }
0x14e: {  	s18 =	ssub.s32 @!p0 s18, s19  }
0x14f: {  	s18 =	sshll.u32 @!p0 s18, $0x7  }
0x150: {  	s18 =	sand.u32 @!p0 $0x1FFFFF80, s18  }
0x151: {  	s19 =	simm.s32 @!p0 $0x5280;
	s18 =	sadd.s32 @!p0 s1, s18;
	[tilespmem:v7+s28+$0x0] =	vst.idx.msk $0xffff, v6  }
0x152: {  	[tilespmem:s19], [sflag:$0x6] =	stream.strided.gather @!p0 [hbm4b:s18+s16], $0x1000, s17, s16, $0x38;
	[tilespmem:$0x14280] =	vst v63  }
0x153: {  	_ =	swait.ge [sflag:s3], $0x1000  }
0x154: {  	(v2sf) =	vpush v4, $0x6;
	_ =	sdelay $0xb  }
0x155: {  	(v2sf) =	vpush @!p0 v5, $0x6;
	_ =	sdelay $0x2  }
0x156: {  	s18 =	spop (v2sf)  }
0x157: {  	s25 =	sshra.s32 s18, $0x1F  }
0x158: {  	s19 =	sshrl.u32 s25, $0x19  }
0x159: {  	s19 =	sadd.s32 s19, s18  }
0x15a: {  	s19 =	sand.u32 $0xFFFFFF80, s19  }
0x15b: {  	s18 =	ssub.s32 s18, s19  }
0x15c: {  	s25 =	sadd.s32 $0xFFFFFFF7, s15;
	v26 =	vadd.s32 s18, v0  }
0x15d: {  	v27 =	vmov s25  }
0x15e: {  	v28 =	vshll.u32 v27, $0x3  }
0x15f: {  	[sflag:s3] =	ssyncset.done $0x0;
	v7 =	vand.u32 $0x76, v27;
	v8 =	vand.u32 $0xC00, v28  }
0x160: {  	[sflag:s3] =	ssyncadd.s32 $0xFFFFF000;
	s25 =	simm.s32 $0x6280;
	v7 =	vor.u32 v7, v8  }
0x161: {  	v8 =	vor.u32 v1, v7;
	v6 =	vld.idx.msk [tilespmem:v26+s25+$0x0], $0xffff  }
0x162: {  	v29 =	vadd.s32 s18, v2;
	s18 =	spop @!p0 (v2sf)  }
0x163: {  	s19 =	sand.u32 @!p0 $0x7F, s18  }
0x164: {  	p1 =	slt.s32 @!p0 s18, $0x1;
	p2 =	sne.s32 @!p0 s19, $0x0  }
0x165: {  	s19 =	sshra.s32 @!p0 s18, $0x1F;
	p1 =	por @!p0 !p1, !p2  }
0x166: {  	s19 =	sshrl.u32 @!p0 s19, $0x19;
	p1 =	por @!p0 !p1, !p1;
	[tilespmem:v8+s28+$0x0] =	vst.idx.msk $0xffff, v6  }
0x167: {  	v7 =	vor.u32 v3, v7;
	s18 =	sadd.s32 @!p0 s19, s18;
	s19 =	simm.s32 @!p0 $0x1;
	p1 =	por !p1, p0;
	v6 =	vld.idx.msk [tilespmem:v29+s25+$0x0], $0xffff  }
0x168: {  	s18 =	sshrl.u32 @!p0 s18, $0x7;
	s19 =	simm.s32 @p1 $0x0  }
0x169: {  	s18 =	ssub.s32 @!p0 s18, s19  }
0x16a: {  	s18 =	sshll.u32 @!p0 s18, $0x7  }
0x16b: {  	s18 =	sand.u32 @!p0 $0x1FFFFF80, s18  }
0x16c: {  	s19 =	simm.s32 @!p0 $0x6280;
	s18 =	sadd.s32 @!p0 s1, s18;
	[tilespmem:v7+s28+$0x0] =	vst.idx.msk $0xffff, v6  }
0x16d: {  	[tilespmem:s19], [sflag:$0x7] =	stream.strided.gather @!p0 [hbm4b:s18+s16], $0x1000, s17, s16, $0x38;
	[tilespmem:$0x14280] =	vst v63  }
0x16e: {  	_ =	swait.ge [sflag:s4], $0x1000  }
0x16f: {  	(v2sf) =	vpush v4, $0x7;
	_ =	sdelay $0xb  }
0x170: {  	(v2sf) =	vpush @!p0 v5, $0x7;
	_ =	sdelay $0x2  }
0x171: {  	s18 =	spop (v2sf)  }
0x172: {  	s25 =	sshra.s32 s18, $0x1F  }
0x173: {  	s19 =	sshrl.u32 s25, $0x19  }
0x174: {  	s19 =	sadd.s32 s19, s18  }
0x175: {  	s19 =	sand.u32 $0xFFFFFF80, s19  }
0x176: {  	s18 =	ssub.s32 s18, s19  }
0x177: {  	s25 =	sadd.s32 $0xFFFFFFF8, s15;
	v30 =	vadd.s32 s18, v0  }
0x178: {  	v31 =	vmov s25  }
0x179: {  	v32 =	vshll.u32 v31, $0x3  }
0x17a: {  	[sflag:s4] =	ssyncset.done $0x0;
	v7 =	vand.u32 $0x77, v31;
	v8 =	vand.u32 $0xC00, v32  }
0x17b: {  	[sflag:s4] =	ssyncadd.s32 $0xFFFFF000;
	v7 =	vor.u32 v7, v8  }
0x17c: {  	v8 =	vor.u32 v1, v7;
	v6 =	vld.idx.msk [tilespmem:v30+s26+$0x0], $0xffff  }
0x17d: {  	v33 =	vadd.s32 s18, v2;
	s18 =	spop @!p0 (v2sf)  }
0x17e: {  	s19 =	sand.u32 @!p0 $0x7F, s18  }
0x17f: {  	p1 =	slt.s32 @!p0 s18, $0x1;
	p2 =	sne.s32 @!p0 s19, $0x0  }
0x180: {  	s19 =	sshra.s32 @!p0 s18, $0x1F;
	p1 =	por @!p0 !p1, !p2  }
0x181: {  	s19 =	sshrl.u32 @!p0 s19, $0x19;
	p1 =	por @!p0 !p1, !p1;
	[tilespmem:v8+s28+$0x0] =	vst.idx.msk $0xffff, v6  }
0x182: {  	v7 =	vor.u32 v3, v7;
	s18 =	sadd.s32 @!p0 s19, s18;
	s19 =	simm.s32 @!p0 $0x1;
	p1 =	por !p1, p0;
	v6 =	vld.idx.msk [tilespmem:v33+s26+$0x0], $0xffff  }
0x183: {  	s18 =	sshrl.u32 @!p0 s18, $0x7;
	s19 =	simm.s32 @p1 $0x0  }
0x184: {  	s18 =	ssub.s32 @!p0 s18, s19  }
0x185: {  	s18 =	sshll.u32 @!p0 s18, $0x7  }
0x186: {  	s18 =	sand.u32 @!p0 $0x1FFFFF80, s18  }
0x187: {  	s19 =	simm.s32 @!p0 $0x7280;
	s18 =	sadd.s32 @!p0 s1, s18;
	[tilespmem:v7+s28+$0x0] =	vst.idx.msk $0xffff, v6  }
0x188: {  	[tilespmem:s19], [sflag:$0x8] =	stream.strided.gather @!p0 [hbm4b:s18+s16], $0x1000, s17, s16, $0x38;
	[tilespmem:$0x14280] =	vst v63  }
0x189: {  	_ =	swait.ge [sflag:s5], $0x1000  }
0x18a: {  	(v2sf) =	vpush v4, $0x8;
	_ =	sdelay $0xb  }
0x18b: {  	(v2sf) =	vpush @!p0 v5, $0x8;
	_ =	sdelay $0x2  }
0x18c: {  	s18 =	spop (v2sf)  }
0x18d: {  	s25 =	sshra.s32 s18, $0x1F  }
0x18e: {  	s19 =	sshrl.u32 s25, $0x19  }
0x18f: {  	s19 =	sadd.s32 s19, s18  }
0x190: {  	s19 =	sand.u32 $0xFFFFFF80, s19  }
0x191: {  	s18 =	ssub.s32 s18, s19  }
0x192: {  	s25 =	sadd.s32 $0xFFFFFFF9, s15;
	v34 =	vadd.s32 s18, v0  }
0x193: {  	v35 =	vmov s25  }
0x194: {  	v36 =	vshll.u32 v35, $0x3  }
0x195: {  	[sflag:s5] =	ssyncset.done $0x0;
	v7 =	vand.u32 $0x78, v35;
	v8 =	vand.u32 $0xC00, v36  }
0x196: {  	[sflag:s5] =	ssyncadd.s32 $0xFFFFF000;
	s25 =	simm.s32 $0x8280;
	v7 =	vor.u32 v7, v8  }
0x197: {  	v8 =	vor.u32 v1, v7;
	v6 =	vld.idx.msk [tilespmem:v34+s25+$0x0], $0xffff  }
0x198: {  	v37 =	vadd.s32 s18, v2;
	s18 =	spop @!p0 (v2sf)  }
0x199: {  	s19 =	sand.u32 @!p0 $0x7F, s18  }
0x19a: {  	p1 =	slt.s32 @!p0 s18, $0x1;
	p2 =	sne.s32 @!p0 s19, $0x0  }
0x19b: {  	s19 =	sshra.s32 @!p0 s18, $0x1F;
	p1 =	por @!p0 !p1, !p2  }
0x19c: {  	s19 =	sshrl.u32 @!p0 s19, $0x19;
	p1 =	por @!p0 !p1, !p1;
	[tilespmem:v8+s28+$0x0] =	vst.idx.msk $0xffff, v6  }
0x19d: {  	v7 =	vor.u32 v3, v7;
	s18 =	sadd.s32 @!p0 s19, s18;
	s19 =	simm.s32 @!p0 $0x1;
	p1 =	por !p1, p0;
	v6 =	vld.idx.msk [tilespmem:v37+s25+$0x0], $0xffff  }
0x19e: {  	s18 =	sshrl.u32 @!p0 s18, $0x7;
	s19 =	simm.s32 @p1 $0x0  }
0x19f: {  	s18 =	ssub.s32 @!p0 s18, s19  }
0x1a0: {  	s18 =	sshll.u32 @!p0 s18, $0x7  }
0x1a1: {  	s18 =	sand.u32 @!p0 $0x1FFFFF80, s18  }
0x1a2: {  	s19 =	simm.s32 @!p0 $0x8280;
	s18 =	sadd.s32 @!p0 s1, s18;
	[tilespmem:v7+s28+$0x0] =	vst.idx.msk $0xffff, v6  }
0x1a3: {  	[tilespmem:s19], [sflag:$0x9] =	stream.strided.gather @!p0 [hbm4b:s18+s16], $0x1000, s17, s16, $0x38;
	[tilespmem:$0x14280] =	vst v63  }
0x1a4: {  	_ =	swait.ge [sflag:s6], $0x1000  }
0x1a5: {  	(v2sf) =	vpush v4, $0x9;
	_ =	sdelay $0xb  }
0x1a6: {  	(v2sf) =	vpush @!p0 v5, $0x9;
	_ =	sdelay $0x2  }
0x1a7: {  	s18 =	spop (v2sf)  }
0x1a8: {  	s25 =	sshra.s32 s18, $0x1F  }
0x1a9: {  	s19 =	sshrl.u32 s25, $0x19  }
0x1aa: {  	s19 =	sadd.s32 s19, s18  }
0x1ab: {  	s19 =	sand.u32 $0xFFFFFF80, s19  }
0x1ac: {  	s18 =	ssub.s32 s18, s19  }
0x1ad: {  	s25 =	sadd.s32 $0xFFFFFFFA, s15;
	v38 =	vadd.s32 s18, v0  }
0x1ae: {  	v39 =	vmov s25  }
0x1af: {  	v40 =	vshll.u32 v39, $0x3  }
0x1b0: {  	[sflag:s6] =	ssyncset.done $0x0;
	v7 =	vand.u32 $0x79, v39;
	v8 =	vand.u32 $0xC00, v40  }
0x1b1: {  	[sflag:s6] =	ssyncadd.s32 $0xFFFFF000;
	v7 =	vor.u32 v7, v8  }
0x1b2: {  	v8 =	vor.u32 v1, v7;
	v6 =	vld.idx.msk [tilespmem:v38+s21+$0x0], $0xffff  }
0x1b3: {  	v41 =	vadd.s32 s18, v2;
	s18 =	spop @!p0 (v2sf)  }
0x1b4: {  	s19 =	sand.u32 @!p0 $0x7F, s18  }
0x1b5: {  	p1 =	slt.s32 @!p0 s18, $0x1;
	p2 =	sne.s32 @!p0 s19, $0x0  }
0x1b6: {  	s19 =	sshra.s32 @!p0 s18, $0x1F;
	p1 =	por @!p0 !p1, !p2  }
0x1b7: {  	s19 =	sshrl.u32 @!p0 s19, $0x19;
	p1 =	por @!p0 !p1, !p1;
	[tilespmem:v8+s28+$0x0] =	vst.idx.msk $0xffff, v6  }
0x1b8: {  	v7 =	vor.u32 v3, v7;
	s18 =	sadd.s32 @!p0 s19, s18;
	s19 =	simm.s32 @!p0 $0x1;
	p1 =	por !p1, p0;
	v6 =	vld.idx.msk [tilespmem:v41+s21+$0x0], $0xffff  }
0x1b9: {  	s18 =	sshrl.u32 @!p0 s18, $0x7;
	s19 =	simm.s32 @p1 $0x0  }
0x1ba: {  	s18 =	ssub.s32 @!p0 s18, s19  }
0x1bb: {  	s18 =	sshll.u32 @!p0 s18, $0x7  }
0x1bc: {  	s18 =	sand.u32 @!p0 $0x1FFFFF80, s18  }
0x1bd: {  	s19 =	simm.s32 @!p0 $0x9280;
	s18 =	sadd.s32 @!p0 s1, s18;
	[tilespmem:v7+s28+$0x0] =	vst.idx.msk $0xffff, v6  }
0x1be: {  	[tilespmem:s19], [sflag:$0xA] =	stream.strided.gather @!p0 [hbm4b:s18+s16], $0x1000, s17, s16, $0x38;
	[tilespmem:$0x14280] =	vst v63  }
0x1bf: {  	_ =	swait.ge [sflag:s7], $0x1000  }
0x1c0: {  	(v2sf) =	vpush v4, $0xA;
	_ =	sdelay $0xb  }
0x1c1: {  	(v2sf) =	vpush @!p0 v5, $0xA;
	_ =	sdelay $0x2  }
0x1c2: {  	s18 =	spop (v2sf)  }
0x1c3: {  	s25 =	sshra.s32 s18, $0x1F  }
0x1c4: {  	s19 =	sshrl.u32 s25, $0x19  }
0x1c5: {  	s19 =	sadd.s32 s19, s18  }
0x1c6: {  	s19 =	sand.u32 $0xFFFFFF80, s19  }
0x1c7: {  	s18 =	ssub.s32 s18, s19  }
0x1c8: {  	s25 =	sadd.s32 $0xFFFFFFFB, s15;
	v42 =	vadd.s32 s18, v0  }
0x1c9: {  	v43 =	vmov s25  }
0x1ca: {  	v44 =	vshll.u32 v43, $0x3  }
0x1cb: {  	[sflag:s7] =	ssyncset.done $0x0;
	v7 =	vand.u32 $0x7A, v43;
	v8 =	vand.u32 $0xC00, v44  }
0x1cc: {  	[sflag:s7] =	ssyncadd.s32 $0xFFFFF000;
	s25 =	simm.s32 $0xA280;
	v7 =	vor.u32 v7, v8  }
0x1cd: {  	v8 =	vor.u32 v1, v7;
	v6 =	vld.idx.msk [tilespmem:v42+s25+$0x0], $0xffff  }
0x1ce: {  	v45 =	vadd.s32 s18, v2;
	s18 =	spop @!p0 (v2sf)  }
0x1cf: {  	s19 =	sand.u32 @!p0 $0x7F, s18  }
0x1d0: {  	p1 =	slt.s32 @!p0 s18, $0x1;
	p2 =	sne.s32 @!p0 s19, $0x0  }
0x1d1: {  	s19 =	sshra.s32 @!p0 s18, $0x1F;
	p1 =	por @!p0 !p1, !p2  }
0x1d2: {  	s19 =	sshrl.u32 @!p0 s19, $0x19;
	p1 =	por @!p0 !p1, !p1;
	[tilespmem:v8+s28+$0x0] =	vst.idx.msk $0xffff, v6  }
0x1d3: {  	v7 =	vor.u32 v3, v7;
	s18 =	sadd.s32 @!p0 s19, s18;
	s19 =	simm.s32 @!p0 $0x1;
	p1 =	por !p1, p0;
	v6 =	vld.idx.msk [tilespmem:v45+s25+$0x0], $0xffff  }
0x1d4: {  	s18 =	sshrl.u32 @!p0 s18, $0x7;
	s19 =	simm.s32 @p1 $0x0  }
0x1d5: {  	s18 =	ssub.s32 @!p0 s18, s19  }
0x1d6: {  	s18 =	sshll.u32 @!p0 s18, $0x7  }
0x1d7: {  	s18 =	sand.u32 @!p0 $0x1FFFFF80, s18  }
0x1d8: {  	s19 =	simm.s32 @!p0 $0xA280;
	s18 =	sadd.s32 @!p0 s1, s18;
	[tilespmem:v7+s28+$0x0] =	vst.idx.msk $0xffff, v6  }
0x1d9: {  	[tilespmem:s19], [sflag:$0xB] =	stream.strided.gather @!p0 [hbm4b:s18+s16], $0x1000, s17, s16, $0x38;
	[tilespmem:$0x14280] =	vst v63  }
0x1da: {  	_ =	swait.ge [sflag:s9], $0x1000  }
0x1db: {  	(v2sf) =	vpush v4, $0xB;
	_ =	sdelay $0xb  }
0x1dc: {  	(v2sf) =	vpush @!p0 v5, $0xB;
	_ =	sdelay $0x2  }
0x1dd: {  	s18 =	spop (v2sf)  }
0x1de: {  	s25 =	sshra.s32 s18, $0x1F  }
0x1df: {  	s19 =	sshrl.u32 s25, $0x19  }
0x1e0: {  	s19 =	sadd.s32 s19, s18  }
0x1e1: {  	s19 =	sand.u32 $0xFFFFFF80, s19  }
0x1e2: {  	s18 =	ssub.s32 s18, s19  }
0x1e3: {  	s25 =	sadd.s32 $0xFFFFFFFC, s15;
	v46 =	vadd.s32 s18, v0  }
0x1e4: {  	v47 =	vmov s25  }
0x1e5: {  	v48 =	vshll.u32 v47, $0x3  }
0x1e6: {  	[sflag:s9] =	ssyncset.done $0x0;
	v7 =	vand.u32 $0x7B, v47;
	v8 =	vand.u32 $0xC00, v48  }
0x1e7: {  	[sflag:s9] =	ssyncadd.s32 $0xFFFFF000;
	s25 =	simm.s32 $0xB280;
	v7 =	vor.u32 v7, v8  }
0x1e8: {  	v8 =	vor.u32 v1, v7;
	v6 =	vld.idx.msk [tilespmem:v46+s25+$0x0], $0xffff  }
0x1e9: {  	v49 =	vadd.s32 s18, v2;
	s18 =	spop @!p0 (v2sf)  }
0x1ea: {  	s19 =	sand.u32 @!p0 $0x7F, s18  }
0x1eb: {  	p1 =	slt.s32 @!p0 s18, $0x1;
	p2 =	sne.s32 @!p0 s19, $0x0  }
0x1ec: {  	s19 =	sshra.s32 @!p0 s18, $0x1F;
	p1 =	por @!p0 !p1, !p2  }
0x1ed: {  	s19 =	sshrl.u32 @!p0 s19, $0x19;
	p1 =	por @!p0 !p1, !p1;
	[tilespmem:v8+s28+$0x0] =	vst.idx.msk $0xffff, v6  }
0x1ee: {  	v7 =	vor.u32 v3, v7;
	s18 =	sadd.s32 @!p0 s19, s18;
	s19 =	simm.s32 @!p0 $0x1;
	p1 =	por !p1, p0;
	v6 =	vld.idx.msk [tilespmem:v49+s25+$0x0], $0xffff  }
0x1ef: {  	s18 =	sshrl.u32 @!p0 s18, $0x7;
	s19 =	simm.s32 @p1 $0x0  }
0x1f0: {  	s18 =	ssub.s32 @!p0 s18, s19  }
0x1f1: {  	s18 =	sshll.u32 @!p0 s18, $0x7  }
0x1f2: {  	s18 =	sand.u32 @!p0 $0x1FFFFF80, s18  }
0x1f3: {  	s19 =	simm.s32 @!p0 $0xB280;
	s18 =	sadd.s32 @!p0 s1, s18;
	[tilespmem:v7+s28+$0x0] =	vst.idx.msk $0xffff, v6  }
0x1f4: {  	[tilespmem:s19], [sflag:$0xC] =	stream.strided.gather @!p0 [hbm4b:s18+s16], $0x1000, s17, s16, $0x38;
	[tilespmem:$0x14280] =	vst v63  }
0x1f5: {  	_ =	swait.ge [sflag:s10], $0x1000  }
0x1f6: {  	(v2sf) =	vpush v4, $0xC;
	_ =	sdelay $0xb  }
0x1f7: {  	(v2sf) =	vpush @!p0 v5, $0xC;
	_ =	sdelay $0x2  }
0x1f8: {  	s18 =	spop (v2sf)  }
0x1f9: {  	s25 =	sshra.s32 s18, $0x1F  }
0x1fa: {  	s19 =	sshrl.u32 s25, $0x19  }
0x1fb: {  	s19 =	sadd.s32 s19, s18  }
0x1fc: {  	s19 =	sand.u32 $0xFFFFFF80, s19  }
0x1fd: {  	s18 =	ssub.s32 s18, s19  }
0x1fe: {  	s25 =	sadd.s32 $0xFFFFFFFD, s15;
	v50 =	vadd.s32 s18, v0  }
0x1ff: {  	v51 =	vmov s25  }
0x200: {  	v52 =	vshll.u32 v51, $0x3  }
0x201: {  	[sflag:s10] =	ssyncset.done $0x0;
	v7 =	vand.u32 $0x7C, v51;
	v8 =	vand.u32 $0xC00, v52  }
0x202: {  	[sflag:s10] =	ssyncadd.s32 $0xFFFFF000;
	s25 =	simm.s32 $0xC280;
	v7 =	vor.u32 v7, v8  }
0x203: {  	v8 =	vor.u32 v1, v7;
	v6 =	vld.idx.msk [tilespmem:v50+s25+$0x0], $0xffff  }
0x204: {  	v53 =	vadd.s32 s18, v2;
	s18 =	spop @!p0 (v2sf)  }
0x205: {  	s19 =	sand.u32 @!p0 $0x7F, s18  }
0x206: {  	p1 =	slt.s32 @!p0 s18, $0x1;
	p2 =	sne.s32 @!p0 s19, $0x0  }
0x207: {  	s19 =	sshra.s32 @!p0 s18, $0x1F;
	p1 =	por @!p0 !p1, !p2  }
0x208: {  	s19 =	sshrl.u32 @!p0 s19, $0x19;
	p1 =	por @!p0 !p1, !p1;
	[tilespmem:v8+s28+$0x0] =	vst.idx.msk $0xffff, v6  }
0x209: {  	v7 =	vor.u32 v3, v7;
	s18 =	sadd.s32 @!p0 s19, s18;
	s19 =	simm.s32 @!p0 $0x1;
	p1 =	por !p1, p0;
	v6 =	vld.idx.msk [tilespmem:v53+s25+$0x0], $0xffff  }
0x20a: {  	s18 =	sshrl.u32 @!p0 s18, $0x7;
	s19 =	simm.s32 @p1 $0x0  }
0x20b: {  	s18 =	ssub.s32 @!p0 s18, s19  }
0x20c: {  	s18 =	sshll.u32 @!p0 s18, $0x7  }
0x20d: {  	s18 =	sand.u32 @!p0 $0x1FFFFF80, s18  }
0x20e: {  	s19 =	simm.s32 @!p0 $0xC280;
	s18 =	sadd.s32 @!p0 s1, s18;
	[tilespmem:v7+s28+$0x0] =	vst.idx.msk $0xffff, v6  }
0x20f: {  	[tilespmem:s19], [sflag:$0xD] =	stream.strided.gather @!p0 [hbm4b:s18+s16], $0x1000, s17, s16, $0x38;
	[tilespmem:$0x14280] =	vst v63  }
0x210: {  	_ =	swait.ge [sflag:s11], $0x1000  }
0x211: {  	(v2sf) =	vpush v4, $0xD;
	_ =	sdelay $0xb  }
0x212: {  	(v2sf) =	vpush @!p0 v5, $0xD;
	_ =	sdelay $0x2  }
0x213: {  	s18 =	spop (v2sf)  }
0x214: {  	s25 =	sshra.s32 s18, $0x1F  }
0x215: {  	s19 =	sshrl.u32 s25, $0x19  }
0x216: {  	s19 =	sadd.s32 s19, s18  }
0x217: {  	s19 =	sand.u32 $0xFFFFFF80, s19  }
0x218: {  	s18 =	ssub.s32 s18, s19  }
0x219: {  	s25 =	sadd.s32 $0xFFFFFFFE, s15;
	v54 =	vadd.s32 s18, v0  }
0x21a: {  	v55 =	vmov s25  }
0x21b: {  	v56 =	vshll.u32 v55, $0x3  }
0x21c: {  	[sflag:s11] =	ssyncset.done $0x0;
	v7 =	vand.u32 $0x7D, v55;
	v8 =	vand.u32 $0xC00, v56  }
0x21d: {  	[sflag:s11] =	ssyncadd.s32 $0xFFFFF000;
	s25 =	simm.s32 $0xD280;
	v7 =	vor.u32 v7, v8  }
0x21e: {  	v8 =	vor.u32 v1, v7;
	v6 =	vld.idx.msk [tilespmem:v54+s25+$0x0], $0xffff  }
0x21f: {  	v57 =	vadd.s32 s18, v2;
	s18 =	spop @!p0 (v2sf)  }
0x220: {  	s19 =	sand.u32 @!p0 $0x7F, s18  }
0x221: {  	p1 =	slt.s32 @!p0 s18, $0x1;
	p2 =	sne.s32 @!p0 s19, $0x0  }
0x222: {  	s19 =	sshra.s32 @!p0 s18, $0x1F;
	p1 =	por @!p0 !p1, !p2  }
0x223: {  	s19 =	sshrl.u32 @!p0 s19, $0x19;
	p1 =	por @!p0 !p1, !p1;
	[tilespmem:v8+s28+$0x0] =	vst.idx.msk $0xffff, v6  }
0x224: {  	v7 =	vor.u32 v3, v7;
	s18 =	sadd.s32 @!p0 s19, s18;
	s19 =	simm.s32 @!p0 $0x1;
	p1 =	por !p1, p0;
	v6 =	vld.idx.msk [tilespmem:v57+s25+$0x0], $0xffff  }
0x225: {  	s18 =	sshrl.u32 @!p0 s18, $0x7;
	s19 =	simm.s32 @p1 $0x0  }
0x226: {  	s18 =	ssub.s32 @!p0 s18, s19  }
0x227: {  	s18 =	sshll.u32 @!p0 s18, $0x7  }
0x228: {  	s18 =	sand.u32 @!p0 $0x1FFFFF80, s18  }
0x229: {  	s19 =	simm.s32 @!p0 $0xD280;
	s18 =	sadd.s32 @!p0 s1, s18;
	[tilespmem:v7+s28+$0x0] =	vst.idx.msk $0xffff, v6  }
0x22a: {  	[tilespmem:s19], [sflag:$0xE] =	stream.strided.gather @!p0 [hbm4b:s18+s16], $0x1000, s17, s16, $0x38;
	[tilespmem:$0x14280] =	vst v63  }
0x22b: {  	_ =	swait.ge [sflag:s12], $0x1000  }
0x22c: {  	(v2sf) =	vpush v4, $0xE;
	_ =	sdelay $0xb  }
0x22d: {  	(v2sf) =	vpush @!p0 v5, $0xE;
	_ =	sdelay $0x2  }
0x22e: {  	s18 =	spop (v2sf)  }
0x22f: {  	s25 =	sshra.s32 s18, $0x1F  }
0x230: {  	s19 =	sshrl.u32 s25, $0x19  }
0x231: {  	s19 =	sadd.s32 s19, s18  }
0x232: {  	s19 =	sand.u32 $0xFFFFFF80, s19  }
0x233: {  	s18 =	ssub.s32 s18, s19  }
0x234: {  	s25 =	sadd.s32 $0xFFFFFFFF, s15;
	v58 =	vadd.s32 s18, v0  }
0x235: {  	v59 =	vmov s25  }
0x236: {  	v60 =	vshll.u32 v59, $0x3  }
0x237: {  	[sflag:s12] =	ssyncset.done $0x0;
	v7 =	vand.u32 $0x7E, v59;
	v8 =	vand.u32 $0xC00, v60  }
0x238: {  	[sflag:s12] =	ssyncadd.s32 $0xFFFFF000;
	s25 =	simm.s32 $0xE280;
	v7 =	vor.u32 v7, v8  }
0x239: {  	v8 =	vor.u32 v1, v7;
	v6 =	vld.idx.msk [tilespmem:v58+s25+$0x0], $0xffff  }
0x23a: {  	v61 =	vadd.s32 s18, v2;
	s18 =	spop @!p0 (v2sf)  }
0x23b: {  	s19 =	sand.u32 @!p0 $0x7F, s18  }
0x23c: {  	p1 =	slt.s32 @!p0 s18, $0x1;
	p2 =	sne.s32 @!p0 s19, $0x0  }
0x23d: {  	s19 =	sshra.s32 @!p0 s18, $0x1F;
	p1 =	por @!p0 !p1, !p2  }
0x23e: {  	s19 =	sshrl.u32 @!p0 s19, $0x19;
	p1 =	por @!p0 !p1, !p1;
	[tilespmem:v8+s28+$0x0] =	vst.idx.msk $0xffff, v6  }
0x23f: {  	v7 =	vor.u32 v3, v7;
	s18 =	sadd.s32 @!p0 s19, s18;
	s19 =	simm.s32 @!p0 $0x1;
	p1 =	por !p1, p0;
	v6 =	vld.idx.msk [tilespmem:v61+s25+$0x0], $0xffff  }
0x240: {  	s18 =	sshrl.u32 @!p0 s18, $0x7;
	s19 =	simm.s32 @p1 $0x0  }
0x241: {  	s18 =	ssub.s32 @!p0 s18, s19  }
0x242: {  	s18 =	sshll.u32 @!p0 s18, $0x7  }
0x243: {  	s18 =	sand.u32 @!p0 $0x1FFFFF80, s18  }
0x244: {  	s19 =	simm.s32 @!p0 $0xE280;
	s18 =	sadd.s32 @!p0 s1, s18;
	[tilespmem:v7+s28+$0x0] =	vst.idx.msk $0xffff, v6  }
0x245: {  	[tilespmem:s19], [sflag:$0xF] =	stream.strided.gather @!p0 [hbm4b:s18+s16], $0x1000, s17, s16, $0x38;
	[tilespmem:$0x14280] =	vst v63  }
0x246: {  	_ =	swait.ge [sflag:s13], $0x1000  }
0x247: {  	(v2sf) =	vpush v4, $0xF;
	_ =	sdelay $0xb  }
0x248: {  	(v2sf) =	vpush @!p0 v5, $0xF;
	_ =	sdelay $0x2  }
0x249: {  	s18 =	spop (v2sf)  }
0x24a: {  	s25 =	sshra.s32 s18, $0x1F  }
0x24b: {  	s19 =	sshrl.u32 s25, $0x19  }
0x24c: {  	s19 =	sadd.s32 s19, s18  }
0x24d: {  	s19 =	sand.u32 $0xFFFFFF80, s19  }
0x24e: {  	s18 =	ssub.s32 s18, s19  }
0x24f: {  	v4 =	vadd.s32 s18, v0  }
0x250: {  	v5 =	vmov s15  }
0x251: {  	v62 =	vshll.u32 v5, $0x3  }
0x252: {  	[sflag:s13] =	ssyncset.done $0x0;
	v5 =	vand.u32 $0x7F, v5;
	v6 =	vand.u32 $0xC00, v62  }
0x253: {  	[sflag:s13] =	ssyncadd.s32 $0xFFFFF000;
	v5 =	vor.u32 v5, v6  }
0x254: {  	v6 =	vor.u32 v1, v5;
	v4 =	vld.idx.msk [tilespmem:v4+s23+$0x0], $0xffff  }
0x255: {  	v63 =	vadd.s32 s18, v2;
	s18 =	spop @!p0 (v2sf)  }
0x256: {  	s19 =	sand.u32 @!p0 $0x7F, s18  }
0x257: {  	p1 =	slt.s32 @!p0 s18, $0x1;
	p2 =	sne.s32 @!p0 s19, $0x0  }
0x258: {  	s19 =	sshra.s32 @!p0 s18, $0x1F;
	p1 =	por @!p0 !p1, !p2  }
0x259: {  	s15 =	sadd.s32 @!p0 $0x10, s15;
	s19 =	sshrl.u32 @!p0 s19, $0x19;
	p1 =	por @!p0 !p1, !p1;
	[tilespmem:v6+s28+$0x0] =	vst.idx.msk $0xffff, v4  }
0x25a: {  	v5 =	vor.u32 v3, v5;
	s18 =	sadd.s32 @!p0 s19, s18;
	s19 =	simm.s32 @!p0 $0x1;
	p1 =	por !p1, p0;
	v4 =	vld.idx.msk [tilespmem:v63+s23+$0x0], $0xffff  }
0x25b: {  	s18 =	sshrl.u32 @!p0 s18, $0x7;
	s19 =	simm.s32 @p1 $0x0;
	p1 =	sne.s32 @!p0 s15, $0x20F  }
0x25c: {  	s18 =	ssub.s32 @!p0 s18, s19;
	p1 =	por p0, !p1  }
.Ltmp0:
0x25d: {  	s18 =	sshll.u32 @!p0 s18, $0x7;
	(pc) =	sbr.rel @!p1 .LBB2_2-.Ltmp0, $4  }
0x25e: {  	s18 =	sand.u32 @!p0 $0x1FFFFF80, s18  }
0x25f: {  	s19 =	simm.s32 @!p0 $0xF280;
	s18 =	sadd.s32 @!p0 s1, s18;
	[tilespmem:v5+s28+$0x0] =	vst.idx.msk $0xffff, v4  }
0x260: {  	[tilespmem:s19], [sflag:$0x10] =	stream.strided.gather @!p0 [hbm4b:s18+s16], $0x1000, s17, s16, $0x38;
	[tilespmem:$0x14280] =	vst v63  }
0x261: {  	s14 =	sadd.s32 @!p0 $0x10, s14;
	s18 =	simm.s32 $0x280  }
0x262: {  	s14 =	rddreg [dreg:$0x5]  }
0x263: {  	s8 =	simm.s32 $0x1000;
	s15 =	simm.s32 $0x20000;
	s16 =	simm.s32 $0x11  }
0x264: {  	[hbm4b:s14+s8] =	stream.strided.scatter [tilespmem:s28], [sflag:$0x11], $0x4000, s15, s8, $0x38;
	[tilespmem:$0x14280] =	vst v63  }
0x265: {  	_ =	swait.ge [sflag:s16], $0x4000  }
0x266: {  	s25 =	rddreg [dreg:$0x7]  }
0x267: {  	s26 =	rddreg [dreg:$0x6];
	s15 =	sadd.s32 $0x1, s25  }
0x268: {  	p0 =	sne.s32 s15, s26  }
.Ltmp1:
0x269: {  	_ = 	snop;
	(pc) =	sbr.rel @p0 .LBB2_1-.Ltmp1, $4  }
0x26a: {  	s19 =	simm.s32 $0x1280;
	s20 =	simm.s32 $0x2280  }
0x26b: {  	s21 =	simm.s32 $0x3280;
	s22 =	simm.s32 $0x4280;
	s23 =	simm.s32 $0x5280  }
0x26c: {  	s24 =	simm.s32 $0x6280;
	s8 =	simm.s32 $0x8280;
	[sflag:s16] =	ssyncset.done $0x0  }
0x26d: {  	[sflag:s16] =	ssyncadd.s32 $0xFFFFC000;
	s25 =	simm.s32 $0x7280;
	s26 =	simm.s32 $0x9280  }
0x26e: {  	_ =	sfence.sel $0x180000  }
0x26f: {  	[bflag:$0x0] =	sbarrier.arrive $0xFFFF  }
0x270: {  	_ =	strace $0x90000047  }
0x271: {  	s0 =	stileid.u32;
	[bflag:$0x2] =	sbarrier.arrive $0xFFFF  }
0x272: {  	p0 =	sne.s32 s0, $0x0;
	s0 =	rddreg [dreg:$0x3]  }
0x273: {  	s0 =	sadd.s32 @!p0 $0x100000, s0  }
0x274: {  	[sflag:s0] =	ssyncadd.tile.s32 @!p0 $0x1;
	_ =	shalt  }
.Lfunc_end2:
_tile_overlayer_lowered:
.L_overlay_start_2:
0x275: {  	(tag) =	ssettag $0x2  }
0x276: {  	s0 =	rddreg [dreg:$0x0];
	s2 =	stileid.u32  }
0x277: {  	s1 =	rddreg [dreg:$0x1];
	p0 =	sne.s32 s2, $0x0  }
0x278: {  	s3 =	rddreg [dreg:$0x2];
	[bflag:$0x3] =	sbarrier.arrive $0xFFFF;
	s2 =	simm.s32 @!p0 $0x1C11  }
0x279: {  	[timem:s3], [sflag:s2] =	dma.local @!p0 [hbm:s0], s1  }
0x27a: {  	s0 =	simm.s32 @!p0 $0x11  }
0x27b: {  	_ =	swait.ge @!p0 [sflag:s0], s1  }
0x27c: {  	s1 =	ssub.s32 @!p0 $0x0, s1;
	[sflag:s0] =	ssyncset.done @!p0 $0x0  }
0x27d: {  	[sflag:s0] =	ssyncadd.s32 @!p0 s1  }
0x27e: {  	[bflag:$0x3] =	sbarrier.arrive $0xFFFF  }
0x27f: {  	_ =	shalt  }

</sc_bundles>
